<compile_context>
chip_gen: v7x
topology: tpu7x:2x2x1
jax: 0.10.2.dev20260603
libtpu: 0.0.44.dev20260713+nightly
codegen_flags: <defaults>
</compile_context>

<pallas_src>
import functools

import jax
import jax.numpy as jnp
from jax import lax
from jax.experimental import pallas as pl
from jax.experimental.pallas import tpu as pltpu
from jax.experimental.pallas import tpu_sc as plsc

OLD = 100000
SF = 100500
NEW = 101000
D = 128
H = 256

_NC = 2
_NS = 16
_NW = _NC * _NS
_CHUNK = 128


def _sc_select_gather(ids_flat, w_cat):
    n = ids_flat.shape[0]
    per_w = n // _NW
    nblk = per_w // _CHUNK
    mesh = plsc.VectorSubcoreMesh(core_axis_name="c", subcore_axis_name="s")

    @functools.partial(
        pl.kernel,
        out_type=jax.ShapeDtypeStruct((n, D), jnp.float32),
        mesh=mesh,
        scratch_types=[
            pltpu.VMEM((per_w,), jnp.int32),
            pltpu.VMEM((_CHUNK, D), jnp.float32),
            pltpu.VMEM((_CHUNK, D), jnp.float32),
            pltpu.SemaphoreType.DMA,
            pltpu.SemaphoreType.DMA,
        ],
    )
    def k(ids_hbm, wcat_hbm, out_hbm, idx_v, buf0, buf1, sem0, sem1):
        wid = lax.axis_index("s") * _NC + lax.axis_index("c")
        w_base = wid * per_w
        pltpu.sync_copy(ids_hbm.at[pl.ds(w_base, per_w)], idx_v)

        def remap(i, c):
            v = idx_v[pl.ds(i * 16, 16)]
            idx_v[pl.ds(i * 16, 16)] = jnp.where(
                v >= OLD, v + (NEW - OLD), v)
            return c

        lax.fori_loop(0, per_w // 16, remap, 0)

        def gather(blk, buf, sem):
            idxs = idx_v.at[pl.ds(blk * _CHUNK, _CHUNK)]
            return pltpu.async_copy(wcat_hbm.at[idxs], buf, sem)

        bufs = (buf0, buf1)
        sems = (sem0, sem1)
        descs = [None] * nblk
        descs[0] = gather(0, buf0, sem0)
        descs[1] = gather(1, buf1, sem1)
        for b in range(nblk):
            s = b % 2
            descs[b].wait()
            pltpu.sync_copy(bufs[s],
                            out_hbm.at[pl.ds(w_base + b * _CHUNK, _CHUNK)])
            if b + 2 < nblk:
                descs[b + 2] = gather(b + 2, bufs[s], sems[s])

    return k(ids_flat, w_cat)


def _tc_combine_kernel(ids_ref, nf_ref, sel_ref, w1_ref, b1_ref, w2_ref,
                       b2_ref, out_ref):
    ids = ids_ref[0]
    nf = nf_ref[0]
    h = jnp.dot(nf, w1_ref[...], preferred_element_type=jnp.float32)
    h = jnp.tanh(h + b1_ref[...][None, :])
    mlp = jnp.dot(h.astype(jnp.bfloat16), w2_ref[...].astype(jnp.bfloat16),
                  preferred_element_type=jnp.float32)
    mlp = mlp + b2_ref[...][None, :]
    is_num = ids >= SF
    out_ref[0] = sel_ref[0] + jnp.where(is_num, mlp, 0.0)


def _tc_combine(ids_flat, nf_flat, sel_emb, w1, b1, w2, b2):
    n = ids_flat.shape[0]
    blk = 2048
    nb = n // blk
    ids3 = ids_flat.reshape(nb, blk, 1)
    nf3 = nf_flat.reshape(nb, blk, 4)
    sel3 = sel_emb.reshape(nb, blk, D)
    out = pl.pallas_call(
        _tc_combine_kernel,
        grid=(nb,),
        in_specs=[
            pl.BlockSpec((1, blk, 1), lambda i: (i, 0, 0)),
            pl.BlockSpec((1, blk, 4), lambda i: (i, 0, 0)),
            pl.BlockSpec((1, blk, D), lambda i: (i, 0, 0)),
            pl.BlockSpec((4, H), lambda i: (0, 0)),
            pl.BlockSpec((H,), lambda i: (0,)),
            pl.BlockSpec((H, D), lambda i: (0, 0)),
            pl.BlockSpec((D,), lambda i: (0,)),
        ],
        out_specs=pl.BlockSpec((1, blk, D), lambda i: (i, 0, 0)),
        out_shape=jax.ShapeDtypeStruct((nb, blk, D), jnp.float32),
    )(ids3, nf3, sel3, w1, b1, w2, b2)
    return out


def kernel(input_ids, num_features, W_orig, W_new, W1, b1, W2, b2):
    B, L = input_ids.shape
    n = B * L
    ids_flat = input_ids.reshape(n).astype(jnp.int32)
    nf_flat = num_features.reshape(n, 4)
    w_cat = jnp.concatenate([W_orig, W_new], axis=0)
    sel_emb = _sc_select_gather(ids_flat, w_cat)
    out = _tc_combine(ids_flat, nf_flat, sel_emb, W1, b1, W2, b2)
    return out.reshape(B, L, D)

# --- scband reference (transcript-rebuilt; emitter-appended) ---
"""Pipeline reference for scband-custom-embeddings-3573412790621 (READ-ONLY COPY).

The authoritative reference and input builder live on the scoring server;
editing this copy changes nothing except your own understanding.
"""

import jax, jax.numpy as jnp
import numpy as np

OLD = 100000
SF = 100500
NEW = 101000
D = 128
B, L = 1024, 200

def setup_inputs(seed: int = 0) -> dict:
    key = jax.random.key(seed)
    ks = jax.random.split(key, 8)
    input_ids = jax.random.randint(ks[0], (B, L), 0, NEW)
    num_features = jax.random.normal(ks[1], (B, L, 4), dtype=jnp.float32)
    W_orig = jax.random.normal(ks[2], (NEW, D), dtype=jnp.float32) * 0.02
    W_new = jax.random.normal(ks[3], (NEW - OLD, D), dtype=jnp.float32) * 0.02
    W1 = jax.random.normal(ks[4], (4, 2 * D), dtype=jnp.float32) * 0.1
    b1 = jnp.zeros((2 * D,), dtype=jnp.float32)
    W2 = jax.random.normal(ks[5], (2 * D, D), dtype=jnp.float32) * 0.1
    b2 = jnp.zeros((D,), dtype=jnp.float32)
    return {"input_ids": input_ids, "num_features": num_features, "W_orig": W_orig,
            "W_new": W_new, "W1": W1, "b1": b1, "W2": W2, "b2": b2}

def reference(input_ids, num_features, W_orig, W_new, W1, b1, W2, b2):
    # base embedding lookup over the (resized) original table
    emb = jnp.take(W_orig, input_ids, axis=0)
    # torch.isin against contiguous ranges == range checks
    is_sf = (input_ids >= OLD) & (input_ids < SF)
    is_num = (input_ids >= SF) & (input_ids < NEW)
    new_ids = jnp.clip(input_ids - OLD, 0, NEW - OLD - 1)
    new_emb = jnp.take(W_new, new_ids, axis=0)
    # num MLP: Linear(4, 2D) -> tanh -> Linear(2D, D), applied densely then masked
    h = jnp.tanh(jnp.einsum('blf,fh->blh', num_features, W1) + b1)
    mlp_out = jnp.einsum('blh,hd->bld', h, W2) + b2
    emb = jnp.where(is_sf[..., None], new_emb, emb)
    emb = jnp.where(is_num[..., None], new_emb + mlp_out, emb)
    return emb

if __name__ == "__main__":
    import jax
    _d = setup_inputs()
    print(jax.jit(kernel)(*tuple(_d.values())))

</pallas_src>

<mosaic_0001>
#map = affine_map<(d0, d1) -> (0)>
#map1 = affine_map<(d0, d1) -> (0, 0)>
module attributes {stable_mosaic.version = 14 : i64} {
  func.func @k(%arg0: i32, %arg1: i32, %arg2: memref<204800xi32, #tpu.memory_space<hbm>>, %arg3: memref<102000x128xf32, #tpu.memory_space<hbm>>, %arg4: memref<204800x128xf32, #tpu.memory_space<hbm>>, %arg5: memref<6400xi32, #tpu.memory_space<vmem>>, %arg6: memref<128x128xf32, #tpu.memory_space<vmem>>, %arg7: memref<128x128xf32, #tpu.memory_space<vmem>>, %arg8: memref<!tpu.dma_semaphore, #tpu.memory_space<semaphore_mem>>, %arg9: memref<!tpu.dma_semaphore, #tpu.memory_space<semaphore_mem>>) attributes {dimension_semantics = [#tpu.dimension_semantics<core_parallel>, #tpu.dimension_semantics<subcore_parallel>], iteration_bounds = array<i64: 2, 16>, scalar_prefetch = 0 : i64, scratch_operands = 5 : i64, tpu.core_type = #tpu.core_type<sc_vector_subcore>, window_params = [{transform_indices = #map}, {transform_indices = #map1}, {transform_indices = #map1}]} {
    %mul3A = arith.constant 2 : i32
    %mul3A_0 = arith.muli %arg1, %mul3A : i32
    %add3A = arith.addi %mul3A_0, %arg0 : i32
    %mul3A_1 = arith.constant 6400 : i32
    %mul3A_2 = arith.muli %add3A, %mul3A_1 : i32
    "tpu.region"() ({
      %run_scoped3A = tpu.sem_alloc : memref<!tpu.dma_semaphore, #tpu.memory_space<semaphore_mem>>
      %dma_start3A_606 = tpu.memref_slice %arg2[%mul3A_2] : memref<204800xi32, #tpu.memory_space<hbm>> -> memref<6400xi32, #tpu.memory_space<hbm>>
      %dma_start3A_607 = tpu.memref_slice %arg2[%mul3A_2] : memref<204800xi32, #tpu.memory_space<hbm>> -> memref<6400xi32, #tpu.memory_space<hbm>>
      tpu.enqueue_dma source(%dma_start3A_607 : memref<6400xi32, #tpu.memory_space<hbm>>) target(%arg5 : memref<6400xi32, #tpu.memory_space<vmem>>) target_semaphore(%run_scoped3A : memref<!tpu.dma_semaphore, #tpu.memory_space<semaphore_mem>>)
      %dma_wait3A_608 = tpu.memref_slice %arg2[%mul3A_2] : memref<204800xi32, #tpu.memory_space<hbm>> -> memref<6400xi32, #tpu.memory_space<hbm>>
      %dma_wait3A_609 = tpu.memref_slice %arg2[%mul3A_2] : memref<204800xi32, #tpu.memory_space<hbm>> -> memref<6400xi32, #tpu.memory_space<hbm>>
      tpu.wait_dma2 semaphore(%run_scoped3A : memref<!tpu.dma_semaphore, #tpu.memory_space<semaphore_mem>>) src(%dma_wait3A_609 : memref<6400xi32, #tpu.memory_space<hbm>>) dst(%arg5 : memref<6400xi32, #tpu.memory_space<vmem>>)
      tpu.yield
    }) : () -> ()
    %scan3A = arith.constant 0 : i32
    %scan3A_3 = arith.constant 0 : i32
    %scan3A_4 = arith.constant 400 : i32
    %scan3A_5 = arith.addi %scan3A_3, %scan3A_4 : i32
    %scan3A_6 = arith.constant 1 : i32
    scf.for %scan3A_606 = %scan3A_3 to %scan3A_5 step %scan3A_6  : i32 {
      %mul3A_607 = arith.constant 16 : i32
      %mul3A_608 = arith.muli %scan3A_606, %mul3A_607 : i32
      %get3A = arith.index_cast %mul3A_608 : i32 to index
      %get3A_609 = tpu.vector_load %arg5[%get3A] {strides = array<i32>} : memref<6400xi32, #tpu.memory_space<vmem>>, vector<16xi32>,
      %get3A_610 = vector.shape_cast %get3A_609 : vector<16xi32> to vector<16xi32>
      %ge3A = arith.constant 100000 : i32
      %ge3A_611 = vector.broadcast %ge3A : i32 to vector<16xi32>
      %ge3A_612 = arith.cmpi sge, %get3A_610, %ge3A_611 : vector<16xi32>
      %add3A_613 = arith.constant 1000 : i32
      %add3A_614 = vector.broadcast %add3A_613 : i32 to vector<16xi32>
      %add3A_615 = arith.addi %get3A_610, %add3A_614 : vector<16xi32>
      %select_n3A = arith.select %ge3A_612, %add3A_615, %get3A_610 : vector<16xi1>, vector<16xi32>
      %mul3A_616 = arith.constant 16 : i32
      %mul3A_617 = arith.muli %scan3A_606, %mul3A_616 : i32
      %swap3A = arith.index_cast %mul3A_617 : i32 to index
      %swap3A_618 = tpu.vector_load %arg5[%swap3A] {strides = array<i32>} : memref<6400xi32, #tpu.memory_space<vmem>>, vector<16xi32>,
      %swap3A_619 = vector.shape_cast %swap3A_618 : vector<16xi32> to vector<16xi32>
      %swap3A_620 = vector.shape_cast %select_n3A : vector<16xi32> to vector<16xi32>
      tpu.vector_store %arg5[%swap3A], %swap3A_620 {strides = array<i32>} : memref<6400xi32, #tpu.memory_space<vmem>>, vector<16xi32>,
    }
    %scan3A_7 = arith.constant 400 : i32
    %dma_start3A = arith.constant 0 : i32
    %dma_start3A_8 = tpu.memref_slice %arg5[%dma_start3A] : memref<6400xi32, #tpu.memory_space<vmem>> -> memref<128xi32, #tpu.memory_space<vmem>>
    %dma_start3A_9 = arith.constant 0 : i32
    %dma_start3A_10 = arith.constant 0 : i32
    %dma_start3A_11 = tpu.memref_slice %arg3[%dma_start3A_9, %dma_start3A_10] : memref<102000x128xf32, #tpu.memory_space<hbm>> -> memref<102000x128xf32, #tpu.memory_space<hbm>>
    tpu.enqueue_indirect_dma source(%dma_start3A_11 : memref<102000x128xf32, #tpu.memory_space<hbm>>) target(%arg6 : memref<128x128xf32, #tpu.memory_space<vmem>>) offsets(%dma_start3A_8 : memref<128xi32, #tpu.memory_space<vmem>>) semaphore(%arg8 : memref<!tpu.dma_semaphore, #tpu.memory_space<semaphore_mem>>)
    %dma_start3A_12 = arith.constant 128 : i32
    %dma_start3A_13 = tpu.memref_slice %arg5[%dma_start3A_12] : memref<6400xi32, #tpu.memory_space<vmem>> -> memref<128xi32, #tpu.memory_space<vmem>>
    %dma_start3A_14 = arith.constant 0 : i32
    %dma_start3A_15 = arith.constant 0 : i32
    %dma_start3A_16 = tpu.memref_slice %arg3[%dma_start3A_14, %dma_start3A_15] : memref<102000x128xf32, #tpu.memory_space<hbm>> -> memref<102000x128xf32, #tpu.memory_space<hbm>>
    tpu.enqueue_indirect_dma source(%dma_start3A_16 : memref<102000x128xf32, #tpu.memory_space<hbm>>) target(%arg7 : memref<128x128xf32, #tpu.memory_space<vmem>>) offsets(%dma_start3A_13 : memref<128xi32, #tpu.memory_space<vmem>>) semaphore(%arg9 : memref<!tpu.dma_semaphore, #tpu.memory_space<semaphore_mem>>)
    %dma_wait3A = arith.constant 0 : i32
    %dma_wait3A_17 = tpu.memref_slice %arg5[%dma_wait3A] : memref<6400xi32, #tpu.memory_space<vmem>> -> memref<128xi32, #tpu.memory_space<vmem>>
    %dma_wait3A_18 = arith.constant 0 : i32
    %dma_wait3A_19 = arith.constant 0 : i32
    %dma_wait3A_20 = tpu.memref_slice %arg3[%dma_wait3A_18, %dma_wait3A_19] : memref<102000x128xf32, #tpu.memory_space<hbm>> -> memref<102000x128xf32, #tpu.memory_space<hbm>>
    tpu.wait_indirect_dma semaphore(%arg8 : memref<!tpu.dma_semaphore, #tpu.memory_space<semaphore_mem>>) src(%dma_wait3A_20 : memref<102000x128xf32, #tpu.memory_space<hbm>>) dst(%arg6 : memref<128x128xf32, #tpu.memory_space<vmem>>)
    %add3A_21 = arith.constant 0 : i32
    %add3A_22 = arith.addi %mul3A_2, %add3A_21 : i32
    "tpu.region"() ({
      %run_scoped3A = tpu.sem_alloc : memref<!tpu.dma_semaphore, #tpu.memory_space<semaphore_mem>>
      %dma_start3A_606 = arith.constant 0 : i32
      %dma_start3A_607 = tpu.memref_slice %arg4[%add3A_22, %dma_start3A_606] : memref<204800x128xf32, #tpu.memory_space<hbm>> -> memref<128x128xf32, #tpu.memory_space<hbm>>
      %dma_start3A_608 = arith.constant 0 : i32
      %dma_start3A_609 = tpu.memref_slice %arg4[%add3A_22, %dma_start3A_608] : memref<204800x128xf32, #tpu.memory_space<hbm>> -> memref<128x128xf32, #tpu.memory_space<hbm>>
      tpu.enqueue_dma source(%arg6 : memref<128x128xf32, #tpu.memory_space<vmem>>) target(%dma_start3A_609 : memref<128x128xf32, #tpu.memory_space<hbm>>) target_semaphore(%run_scoped3A : memref<!tpu.dma_semaphore, #tpu.memory_space<semaphore_mem>>)
      %dma_wait3A_610 = arith.constant 0 : i32
      %dma_wait3A_611 = tpu.memref_slice %arg4[%add3A_22, %dma_wait3A_610] : memref<204800x128xf32, #tpu.memory_space<hbm>> -> memref<128x128xf32, #tpu.memory_space<hbm>>
      %dma_wait3A_612 = arith.constant 0 : i32
      %dma_wait3A_613 = tpu.memref_slice %arg4[%add3A_22, %dma_wait3A_612] : memref<204800x128xf32, #tpu.memory_space<hbm>> -> memref<128x128xf32, #tpu.memory_space<hbm>>
      tpu.wait_dma2 semaphore(%run_scoped3A : memref<!tpu.dma_semaphore, #tpu.memory_space<semaphore_mem>>) src(%arg6 : memref<128x128xf32, #tpu.memory_space<vmem>>) dst(%dma_wait3A_613 : memref<128x128xf32, #tpu.memory_space<hbm>>)
      tpu.yield
    }) : () -> ()
    %dma_start3A_23 = arith.constant 256 : i32
    %dma_start3A_24 = tpu.memref_slice %arg5[%dma_start3A_23] : memref<6400xi32, #tpu.memory_space<vmem>> -> memref<128xi32, #tpu.memory_space<vmem>>
    %dma_start3A_25 = arith.constant 0 : i32
    %dma_start3A_26 = arith.constant 0 : i32
    %dma_start3A_27 = tpu.memref_slice %arg3[%dma_start3A_25, %dma_start3A_26] : memref<102000x128xf32, #tpu.memory_space<hbm>> -> memref<102000x128xf32, #tpu.memory_space<hbm>>
    tpu.enqueue_indirect_dma source(%dma_start3A_27 : memref<102000x128xf32, #tpu.memory_space<hbm>>) target(%arg6 : memref<128x128xf32, #tpu.memory_space<vmem>>) offsets(%dma_start3A_24 : memref<128xi32, #tpu.memory_space<vmem>>) semaphore(%arg8 : memref<!tpu.dma_semaphore, #tpu.memory_space<semaphore_mem>>)
    %dma_wait3A_28 = arith.constant 128 : i32
    %dma_wait3A_29 = tpu.memref_slice %arg5[%dma_wait3A_28] : memref<6400xi32, #tpu.memory_space<vmem>> -> memref<128xi32, #tpu.memory_space<vmem>>
    %dma_wait3A_30 = arith.constant 0 : i32
    %dma_wait3A_31 = arith.constant 0 : i32
    %dma_wait3A_32 = tpu.memref_slice %arg3[%dma_wait3A_30, %dma_wait3A_31] : memref<102000x128xf32, #tpu.memory_space<hbm>> -> memref<102000x128xf32, #tpu.memory_space<hbm>>
    tpu.wait_indirect_dma semaphore(%arg9 : memref<!tpu.dma_semaphore, #tpu.memory_space<semaphore_mem>>) src(%dma_wait3A_32 : memref<102000x128xf32, #tpu.memory_space<hbm>>) dst(%arg7 : memref<128x128xf32, #tpu.memory_space<vmem>>)
    %add3A_33 = arith.constant 128 : i32
    %add3A_34 = arith.addi %mul3A_2, %add3A_33 : i32
    "tpu.region"() ({
      %run_scoped3A = tpu.sem_alloc : memref<!tpu.dma_semaphore, #tpu.memory_space<semaphore_mem>>
      %dma_start3A_606 = arith.constant 0 : i32
      %dma_start3A_607 = tpu.memref_slice %arg4[%add3A_34, %dma_start3A_606] : memref<204800x128xf32, #tpu.memory_space<hbm>> -> memref<128x128xf32, #tpu.memory_space<hbm>>
      %dma_start3A_608 = arith.constant 0 : i32
      %dma_start3A_609 = tpu.memref_slice %arg4[%add3A_34, %dma_start3A_608] : memref<204800x128xf32, #tpu.memory_space<hbm>> -> memref<128x128xf32, #tpu.memory_space<hbm>>
      tpu.enqueue_dma source(%arg7 : memref<128x128xf32, #tpu.memory_space<vmem>>) target(%dma_start3A_609 : memref<128x128xf32, #tpu.memory_space<hbm>>) target_semaphore(%run_scoped3A : memref<!tpu.dma_semaphore, #tpu.memory_space<semaphore_mem>>)
      %dma_wait3A_610 = arith.constant 0 : i32
      %dma_wait3A_611 = tpu.memref_slice %arg4[%add3A_34, %dma_wait3A_610] : memref<204800x128xf32, #tpu.memory_space<hbm>> -> memref<128x128xf32, #tpu.memory_space<hbm>>
      %dma_wait3A_612 = arith.constant 0 : i32
      %dma_wait3A_613 = tpu.memref_slice %arg4[%add3A_34, %dma_wait3A_612] : memref<204800x128xf32, #tpu.memory_space<hbm>> -> memref<128x128xf32, #tpu.memory_space<hbm>>
      tpu.wait_dma2 semaphore(%run_scoped3A : memref<!tpu.dma_semaphore, #tpu.memory_space<semaphore_mem>>) src(%arg7 : memref<128x128xf32, #tpu.memory_space<vmem>>) dst(%dma_wait3A_613 : memref<128x128xf32, #tpu.memory_space<hbm>>)
      tpu.yield
    }) : () -> ()
    %dma_start3A_35 = arith.constant 384 : i32
    %dma_start3A_36 = tpu.memref_slice %arg5[%dma_start3A_35] : memref<6400xi32, #tpu.memory_space<vmem>> -> memref<128xi32, #tpu.memory_space<vmem>>
    %dma_start3A_37 = arith.constant 0 : i32
    %dma_start3A_38 = arith.constant 0 : i32
    %dma_start3A_39 = tpu.memref_slice %arg3[%dma_start3A_37, %dma_start3A_38] : memref<102000x128xf32, #tpu.memory_space<hbm>> -> memref<102000x128xf32, #tpu.memory_space<hbm>>
    tpu.enqueue_indirect_dma source(%dma_start3A_39 : memref<102000x128xf32, #tpu.memory_space<hbm>>) target(%arg7 : memref<128x128xf32, #tpu.memory_space<vmem>>) offsets(%dma_start3A_36 : memref<128xi32, #tpu.memory_space<vmem>>) semaphore(%arg9 : memref<!tpu.dma_semaphore, #tpu.memory_space<semaphore_mem>>)
    %dma_wait3A_40 = arith.constant 256 : i32
    %dma_wait3A_41 = tpu.memref_slice %arg5[%dma_wait3A_40] : memref<6400xi32, #tpu.memory_space<vmem>> -> memref<128xi32, #tpu.memory_space<vmem>>
    %dma_wait3A_42 = arith.constant 0 : i32
    %dma_wait3A_43 = arith.constant 0 : i32
    %dma_wait3A_44 = tpu.memref_slice %arg3[%dma_wait3A_42, %dma_wait3A_43] : memref<102000x128xf32, #tpu.memory_space<hbm>> -> memref<102000x128xf32, #tpu.memory_space<hbm>>
    tpu.wait_indirect_dma semaphore(%arg8 : memref<!tpu.dma_semaphore, #tpu.memory_space<semaphore_mem>>) src(%dma_wait3A_44 : memref<102000x128xf32, #tpu.memory_space<hbm>>) dst(%arg6 : memref<128x128xf32, #tpu.memory_space<vmem>>)
    %add3A_45 = arith.constant 256 : i32
    %add3A_46 = arith.addi %mul3A_2, %add3A_45 : i32
    "tpu.region"() ({
      %run_scoped3A = tpu.sem_alloc : memref<!tpu.dma_semaphore, #tpu.memory_space<semaphore_mem>>
      %dma_start3A_606 = arith.constant 0 : i32
      %dma_start3A_607 = tpu.memref_slice %arg4[%add3A_46, %dma_start3A_606] : memref<204800x128xf32, #tpu.memory_space<hbm>> -> memref<128x128xf32, #tpu.memory_space<hbm>>
      %dma_start3A_608 = arith.constant 0 : i32
      %dma_start3A_609 = tpu.memref_slice %arg4[%add3A_46, %dma_start3A_608] : memref<204800x128xf32, #tpu.memory_space<hbm>> -> memref<128x128xf32, #tpu.memory_space<hbm>>
      tpu.enqueue_dma source(%arg6 : memref<128x128xf32, #tpu.memory_space<vmem>>) target(%dma_start3A_609 : memref<128x128xf32, #tpu.memory_space<hbm>>) target_semaphore(%run_scoped3A : memref<!tpu.dma_semaphore, #tpu.memory_space<semaphore_mem>>)
      %dma_wait3A_610 = arith.constant 0 : i32
      %dma_wait3A_611 = tpu.memref_slice %arg4[%add3A_46, %dma_wait3A_610] : memref<204800x128xf32, #tpu.memory_space<hbm>> -> memref<128x128xf32, #tpu.memory_space<hbm>>
      %dma_wait3A_612 = arith.constant 0 : i32
      %dma_wait3A_613 = tpu.memref_slice %arg4[%add3A_46, %dma_wait3A_612] : memref<204800x128xf32, #tpu.memory_space<hbm>> -> memref<128x128xf32, #tpu.memory_space<hbm>>
      tpu.wait_dma2 semaphore(%run_scoped3A : memref<!tpu.dma_semaphore, #tpu.memory_space<semaphore_mem>>) src(%arg6 : memref<128x128xf32, #tpu.memory_space<vmem>>) dst(%dma_wait3A_613 : memref<128x128xf32, #tpu.memory_space<hbm>>)
      tpu.yield
    }) : () -> ()
    %dma_start3A_47 = arith.constant 512 : i32
    %dma_start3A_48 = tpu.memref_slice %arg5[%dma_start3A_47] : memref<6400xi32, #tpu.memory_space<vmem>> -> memref<128xi32, #tpu.memory_space<vmem>>
    %dma_start3A_49 = arith.constant 0 : i32
    %dma_start3A_50 = arith.constant 0 : i32
    %dma_start3A_51 = tpu.memref_slice %arg3[%dma_start3A_49, %dma_start3A_50] : memref<102000x128xf32, #tpu.memory_space<hbm>> -> memref<102000x128xf32, #tpu.memory_space<hbm>>
    tpu.enqueue_indirect_dma source(%dma_start3A_51 : memref<102000x128xf32, #tpu.memory_space<hbm>>) target(%arg6 : memref<128x128xf32, #tpu.memory_space<vmem>>) offsets(%dma_start3A_48 : memref<128xi32, #tpu.memory_space<vmem>>) semaphore(%arg8 : memref<!tpu.dma_semaphore, #tpu.memory_space<semaphore_mem>>)
    %dma_wait3A_52 = arith.constant 384 : i32
    %dma_wait3A_53 = tpu.memref_slice %arg5[%dma_wait3A_52] : memref<6400xi32, #tpu.memory_space<vmem>> -> memref<128xi32, #tpu.memory_space<vmem>>
    %dma_wait3A_54 = arith.constant 0 : i32
    %dma_wait3A_55 = arith.constant 0 : i32
    %dma_wait3A_56 = tpu.memref_slice %arg3[%dma_wait3A_54, %dma_wait3A_55] : memref<102000x128xf32, #tpu.memory_space<hbm>> -> memref<102000x128xf32, #tpu.memory_space<hbm>>
    tpu.wait_indirect_dma semaphore(%arg9 : memref<!tpu.dma_semaphore, #tpu.memory_space<semaphore_mem>>) src(%dma_wait3A_56 : memref<102000x128xf32, #tpu.memory_space<hbm>>) dst(%arg7 : memref<128x128xf32, #tpu.memory_space<vmem>>)
    %add3A_57 = arith.constant 384 : i32
    %add3A_58 = arith.addi %mul3A_2, %add3A_57 : i32
    "tpu.region"() ({
      %run_scoped3A = tpu.sem_alloc : memref<!tpu.dma_semaphore, #tpu.memory_space<semaphore_mem>>
      %dma_start3A_606 = arith.constant 0 : i32
      %dma_start3A_607 = tpu.memref_slice %arg4[%add3A_58, %dma_start3A_606] : memref<204800x128xf32, #tpu.memory_space<hbm>> -> memref<128x128xf32, #tpu.memory_space<hbm>>
      %dma_start3A_608 = arith.constant 0 : i32
      %dma_start3A_609 = tpu.memref_slice %arg4[%add3A_58, %dma_start3A_608] : memref<204800x128xf32, #tpu.memory_space<hbm>> -> memref<128x128xf32, #tpu.memory_space<hbm>>
      tpu.enqueue_dma source(%arg7 : memref<128x128xf32, #tpu.memory_space<vmem>>) target(%dma_start3A_609 : memref<128x128xf32, #tpu.memory_space<hbm>>) target_semaphore(%run_scoped3A : memref<!tpu.dma_semaphore, #tpu.memory_space<semaphore_mem>>)
      %dma_wait3A_610 = arith.constant 0 : i32
      %dma_wait3A_611 = tpu.memref_slice %arg4[%add3A_58, %dma_wait3A_610] : memref<204800x128xf32, #tpu.memory_space<hbm>> -> memref<128x128xf32, #tpu.memory_space<hbm>>
      %dma_wait3A_612 = arith.constant 0 : i32
      %dma_wait3A_613 = tpu.memref_slice %arg4[%add3A_58, %dma_wait3A_612] : memref<204800x128xf32, #tpu.memory_space<hbm>> -> memref<128x128xf32, #tpu.memory_space<hbm>>
      tpu.wait_dma2 semaphore(%run_scoped3A : memref<!tpu.dma_semaphore, #tpu.memory_space<semaphore_mem>>) src(%arg7 : memref<128x128xf32, #tpu.memory_space<vmem>>) dst(%dma_wait3A_613 : memref<128x128xf32, #tpu.memory_space<hbm>>)
      tpu.yield
    }) : () -> ()
    %dma_start3A_59 = arith.constant 640 : i32
    %dma_start3A_60 = tpu.memref_slice %arg5[%dma_start3A_59] : memref<6400xi32, #tpu.memory_space<vmem>> -> memref<128xi32, #tpu.memory_space<vmem>>
    %dma_start3A_61 = arith.constant 0 : i32
    %dma_start3A_62 = arith.constant 0 : i32
    %dma_start3A_63 = tpu.memref_slice %arg3[%dma_start3A_61, %dma_start3A_62] : memref<102000x128xf32, #tpu.memory_space<hbm>> -> memref<102000x128xf32, #tpu.memory_space<hbm>>
    tpu.enqueue_indirect_dma source(%dma_start3A_63 : memref<102000x128xf32, #tpu.memory_space<hbm>>) target(%arg7 : memref<128x128xf32, #tpu.memory_space<vmem>>) offsets(%dma_start3A_60 : memref<128xi32, #tpu.memory_space<vmem>>) semaphore(%arg9 : memref<!tpu.dma_semaphore, #tpu.memory_space<semaphore_mem>>)
    %dma_wait3A_64 = arith.constant 512 : i32
    %dma_wait3A_65 = tpu.memref_slice %arg5[%dma_wait3A_64] : memref<6400xi32, #tpu.memory_space<vmem>> -> memref<128xi32, #tpu.memory_space<vmem>>
    %dma_wait3A_66 = arith.constant 0 : i32
    %dma_wait3A_67 = arith.constant 0 : i32
    %dma_wait3A_68 = tpu.memref_slice %arg3[%dma_wait3A_66, %dma_wait3A_67] : memref<102000x128xf32, #tpu.memory_space<hbm>> -> memref<102000x128xf32, #tpu.memory_space<hbm>>
    tpu.wait_indirect_dma semaphore(%arg8 : memref<!tpu.dma_semaphore, #tpu.memory_space<semaphore_mem>>) src(%dma_wait3A_68 : memref<102000x128xf32, #tpu.memory_space<hbm>>) dst(%arg6 : memref<128x128xf32, #tpu.memory_space<vmem>>)
    %add3A_69 = arith.constant 512 : i32
    %add3A_70 = arith.addi %mul3A_2, %add3A_69 : i32
    "tpu.region"() ({
      %run_scoped3A = tpu.sem_alloc : memref<!tpu.dma_semaphore, #tpu.memory_space<semaphore_mem>>
      %dma_start3A_606 = arith.constant 0 : i32
      %dma_start3A_607 = tpu.memref_slice %arg4[%add3A_70, %dma_start3A_606] : memref<204800x128xf32, #tpu.memory_space<hbm>> -> memref<128x128xf32, #tpu.memory_space<hbm>>
      %dma_start3A_608 = arith.constant 0 : i32
      %dma_start3A_609 = tpu.memref_slice %arg4[%add3A_70, %dma_start3A_608] : memref<204800x128xf32, #tpu.memory_space<hbm>> -> memref<128x128xf32, #tpu.memory_space<hbm>>
      tpu.enqueue_dma source(%arg6 : memref<128x128xf32, #tpu.memory_space<vmem>>) target(%dma_start3A_609 : memref<128x128xf32, #tpu.memory_space<hbm>>) target_semaphore(%run_scoped3A : memref<!tpu.dma_semaphore, #tpu.memory_space<semaphore_mem>>)
      %dma_wait3A_610 = arith.constant 0 : i32
      %dma_wait3A_611 = tpu.memref_slice %arg4[%add3A_70, %dma_wait3A_610] : memref<204800x128xf32, #tpu.memory_space<hbm>> -> memref<128x128xf32, #tpu.memory_space<hbm>>
      %dma_wait3A_612 = arith.constant 0 : i32
      %dma_wait3A_613 = tpu.memref_slice %arg4[%add3A_70, %dma_wait3A_612] : memref<204800x128xf32, #tpu.memory_space<hbm>> -> memref<128x128xf32, #tpu.memory_space<hbm>>
      tpu.wait_dma2 semaphore(%run_scoped3A : memref<!tpu.dma_semaphore, #tpu.memory_space<semaphore_mem>>) src(%arg6 : memref<128x128xf32, #tpu.memory_space<vmem>>) dst(%dma_wait3A_613 : memref<128x128xf32, #tpu.memory_space<hbm>>)
      tpu.yield
    }) : () -> ()
    %dma_start3A_71 = arith.constant 768 : i32
    %dma_start3A_72 = tpu.memref_slice %arg5[%dma_start3A_71] : memref<6400xi32, #tpu.memory_space<vmem>> -> memref<128xi32, #tpu.memory_space<vmem>>
    %dma_start3A_73 = arith.constant 0 : i32
    %dma_start3A_74 = arith.constant 0 : i32
    %dma_start3A_75 = tpu.memref_slice %arg3[%dma_start3A_73, %dma_start3A_74] : memref<102000x128xf32, #tpu.memory_space<hbm>> -> memref<102000x128xf32, #tpu.memory_space<hbm>>
    tpu.enqueue_indirect_dma source(%dma_start3A_75 : memref<102000x128xf32, #tpu.memory_space<hbm>>) target(%arg6 : memref<128x128xf32, #tpu.memory_space<vmem>>) offsets(%dma_start3A_72 : memref<128xi32, #tpu.memory_space<vmem>>) semaphore(%arg8 : memref<!tpu.dma_semaphore, #tpu.memory_space<semaphore_mem>>)
    %dma_wait3A_76 = arith.constant 640 : i32
    %dma_wait3A_77 = tpu.memref_slice %arg5[%dma_wait3A_76] : memref<6400xi32, #tpu.memory_space<vmem>> -> memref<128xi32, #tpu.memory_space<vmem>>
    %dma_wait3A_78 = arith.constant 0 : i32
    %dma_wait3A_79 = arith.constant 0 : i32
    %dma_wait3A_80 = tpu.memref_slice %arg3[%dma_wait3A_78, %dma_wait3A_79] : memref<102000x128xf32, #tpu.memory_space<hbm>> -> memref<102000x128xf32, #tpu.memory_space<hbm>>
    tpu.wait_indirect_dma semaphore(%arg9 : memref<!tpu.dma_semaphore, #tpu.memory_space<semaphore_mem>>) src(%dma_wait3A_80 : memref<102000x128xf32, #tpu.memory_space<hbm>>) dst(%arg7 : memref<128x128xf32, #tpu.memory_space<vmem>>)
    %add3A_81 = arith.constant 640 : i32
    %add3A_82 = arith.addi %mul3A_2, %add3A_81 : i32
    "tpu.region"() ({
      %run_scoped3A = tpu.sem_alloc : memref<!tpu.dma_semaphore, #tpu.memory_space<semaphore_mem>>
      %dma_start3A_606 = arith.constant 0 : i32
      %dma_start3A_607 = tpu.memref_slice %arg4[%add3A_82, %dma_start3A_606] : memref<204800x128xf32, #tpu.memory_space<hbm>> -> memref<128x128xf32, #tpu.memory_space<hbm>>
      %dma_start3A_608 = arith.constant 0 : i32
      %dma_start3A_609 = tpu.memref_slice %arg4[%add3A_82, %dma_start3A_608] : memref<204800x128xf32, #tpu.memory_space<hbm>> -> memref<128x128xf32, #tpu.memory_space<hbm>>
      tpu.enqueue_dma source(%arg7 : memref<128x128xf32, #tpu.memory_space<vmem>>) target(%dma_start3A_609 : memref<128x128xf32, #tpu.memory_space<hbm>>) target_semaphore(%run_scoped3A : memref<!tpu.dma_semaphore, #tpu.memory_space<semaphore_mem>>)
      %dma_wait3A_610 = arith.constant 0 : i32
      %dma_wait3A_611 = tpu.memref_slice %arg4[%add3A_82, %dma_wait3A_610] : memref<204800x128xf32, #tpu.memory_space<hbm>> -> memref<128x128xf32, #tpu.memory_space<hbm>>
      %dma_wait3A_612 = arith.constant 0 : i32
      %dma_wait3A_613 = tpu.memref_slice %arg4[%add3A_82, %dma_wait3A_612] : memref<204800x128xf32, #tpu.memory_space<hbm>> -> memref<128x128xf32, #tpu.memory_space<hbm>>
      tpu.wait_dma2 semaphore(%run_scoped3A : memref<!tpu.dma_semaphore, #tpu.memory_space<semaphore_mem>>) src(%arg7 : memref<128x128xf32, #tpu.memory_space<vmem>>) dst(%dma_wait3A_613 : memref<128x128xf32, #tpu.memory_space<hbm>>)
      tpu.yield
    }) : () -> ()
    %dma_start3A_83 = arith.constant 896 : i32
    %dma_start3A_84 = tpu.memref_slice %arg5[%dma_start3A_83] : memref<6400xi32, #tpu.memory_space<vmem>> -> memref<128xi32, #tpu.memory_space<vmem>>
    %dma_start3A_85 = arith.constant 0 : i32
    %dma_start3A_86 = arith.constant 0 : i32
    %dma_start3A_87 = tpu.memref_slice %arg3[%dma_start3A_85, %dma_start3A_86] : memref<102000x128xf32, #tpu.memory_space<hbm>> -> memref<102000x128xf32, #tpu.memory_space<hbm>>
    tpu.enqueue_indirect_dma source(%dma_start3A_87 : memref<102000x128xf32, #tpu.memory_space<hbm>>) target(%arg7 : memref<128x128xf32, #tpu.memory_space<vmem>>) offsets(%dma_start3A_84 : memref<128xi32, #tpu.memory_space<vmem>>) semaphore(%arg9 : memref<!tpu.dma_semaphore, #tpu.memory_space<semaphore_mem>>)
    %dma_wait3A_88 = arith.constant 768 : i32
    %dma_wait3A_89 = tpu.memref_slice %arg5[%dma_wait3A_88] : memref<6400xi32, #tpu.memory_space<vmem>> -> memref<128xi32, #tpu.memory_space<vmem>>
    %dma_wait3A_90 = arith.constant 0 : i32
    %dma_wait3A_91 = arith.constant 0 : i32
    %dma_wait3A_92 = tpu.memref_slice %arg3[%dma_wait3A_90, %dma_wait3A_91] : memref<102000x128xf32, #tpu.memory_space<hbm>> -> memref<102000x128xf32, #tpu.memory_space<hbm>>
    tpu.wait_indirect_dma semaphore(%arg8 : memref<!tpu.dma_semaphore, #tpu.memory_space<semaphore_mem>>) src(%dma_wait3A_92 : memref<102000x128xf32, #tpu.memory_space<hbm>>) dst(%arg6 : memref<128x128xf32, #tpu.memory_space<vmem>>)
    %add3A_93 = arith.constant 768 : i32
    %add3A_94 = arith.addi %mul3A_2, %add3A_93 : i32
    "tpu.region"() ({
      %run_scoped3A = tpu.sem_alloc : memref<!tpu.dma_semaphore, #tpu.memory_space<semaphore_mem>>
      %dma_start3A_606 = arith.constant 0 : i32
      %dma_start3A_607 = tpu.memref_slice %arg4[%add3A_94, %dma_start3A_606] : memref<204800x128xf32, #tpu.memory_space<hbm>> -> memref<128x128xf32, #tpu.memory_space<hbm>>
      %dma_start3A_608 = arith.constant 0 : i32
      %dma_start3A_609 = tpu.memref_slice %arg4[%add3A_94, %dma_start3A_608] : memref<204800x128xf32, #tpu.memory_space<hbm>> -> memref<128x128xf32, #tpu.memory_space<hbm>>
      tpu.enqueue_dma source(%arg6 : memref<128x128xf32, #tpu.memory_space<vmem>>) target(%dma_start3A_609 : memref<128x128xf32, #tpu.memory_space<hbm>>) target_semaphore(%run_scoped3A : memref<!tpu.dma_semaphore, #tpu.memory_space<semaphore_mem>>)
      %dma_wait3A_610 = arith.constant 0 : i32
      %dma_wait3A_611 = tpu.memref_slice %arg4[%add3A_94, %dma_wait3A_610] : memref<204800x128xf32, #tpu.memory_space<hbm>> -> memref<128x128xf32, #tpu.memory_space<hbm>>
      %dma_wait3A_612 = arith.constant 0 : i32
      %dma_wait3A_613 = tpu.memref_slice %arg4[%add3A_94, %dma_wait3A_612] : memref<204800x128xf32, #tpu.memory_space<hbm>> -> memref<128x128xf32, #tpu.memory_space<hbm>>
      tpu.wait_dma2 semaphore(%run_scoped3A : memref<!tpu.dma_semaphore, #tpu.memory_space<semaphore_mem>>) src(%arg6 : memref<128x128xf32, #tpu.memory_space<vmem>>) dst(%dma_wait3A_613 : memref<128x128xf32, #tpu.memory_space<hbm>>)
      tpu.yield
    }) : () -> ()
    %dma_start3A_95 = arith.constant 1024 : i32
    %dma_start3A_96 = tpu.memref_slice %arg5[%dma_start3A_95] : memref<6400xi32, #tpu.memory_space<vmem>> -> memref<128xi32, #tpu.memory_space<vmem>>
    %dma_start3A_97 = arith.constant 0 : i32
    %dma_start3A_98 = arith.constant 0 : i32
    %dma_start3A_99 = tpu.memref_slice %arg3[%dma_start3A_97, %dma_start3A_98] : memref<102000x128xf32, #tpu.memory_space<hbm>> -> memref<102000x128xf32, #tpu.memory_space<hbm>>
    tpu.enqueue_indirect_dma source(%dma_start3A_99 : memref<102000x128xf32, #tpu.memory_space<hbm>>) target(%arg6 : memref<128x128xf32, #tpu.memory_space<vmem>>) offsets(%dma_start3A_96 : memref<128xi32, #tpu.memory_space<vmem>>) semaphore(%arg8 : memref<!tpu.dma_semaphore, #tpu.memory_space<semaphore_mem>>)
    %dma_wait3A_100 = arith.constant 896 : i32
    %dma_wait3A_101 = tpu.memref_slice %arg5[%dma_wait3A_100] : memref<6400xi32, #tpu.memory_space<vmem>> -> memref<128xi32, #tpu.memory_space<vmem>>
    %dma_wait3A_102 = arith.constant 0 : i32
    %dma_wait3A_103 = arith.constant 0 : i32
    %dma_wait3A_104 = tpu.memref_slice %arg3[%dma_wait3A_102, %dma_wait3A_103] : memref<102000x128xf32, #tpu.memory_space<hbm>> -> memref<102000x128xf32, #tpu.memory_space<hbm>>
    tpu.wait_indirect_dma semaphore(%arg9 : memref<!tpu.dma_semaphore, #tpu.memory_space<semaphore_mem>>) src(%dma_wait3A_104 : memref<102000x128xf32, #tpu.memory_space<hbm>>) dst(%arg7 : memref<128x128xf32, #tpu.memory_space<vmem>>)
    %add3A_105 = arith.constant 896 : i32
    %add3A_106 = arith.addi %mul3A_2, %add3A_105 : i32
    "tpu.region"() ({
      %run_scoped3A = tpu.sem_alloc : memref<!tpu.dma_semaphore, #tpu.memory_space<semaphore_mem>>
      %dma_start3A_606 = arith.constant 0 : i32
      %dma_start3A_607 = tpu.memref_slice %arg4[%add3A_106, %dma_start3A_606] : memref<204800x128xf32, #tpu.memory_space<hbm>> -> memref<128x128xf32, #tpu.memory_space<hbm>>
      %dma_start3A_608 = arith.constant 0 : i32
      %dma_start3A_609 = tpu.memref_slice %arg4[%add3A_106, %dma_start3A_608] : memref<204800x128xf32, #tpu.memory_space<hbm>> -> memref<128x128xf32, #tpu.memory_space<hbm>>
      tpu.enqueue_dma source(%arg7 : memref<128x128xf32, #tpu.memory_space<vmem>>) target(%dma_start3A_609 : memref<128x128xf32, #tpu.memory_space<hbm>>) target_semaphore(%run_scoped3A : memref<!tpu.dma_semaphore, #tpu.memory_space<semaphore_mem>>)
      %dma_wait3A_610 = arith.constant 0 : i32
      %dma_wait3A_611 = tpu.memref_slice %arg4[%add3A_106, %dma_wait3A_610] : memref<204800x128xf32, #tpu.memory_space<hbm>> -> memref<128x128xf32, #tpu.memory_space<hbm>>
      %dma_wait3A_612 = arith.constant 0 : i32
      %dma_wait3A_613 = tpu.memref_slice %arg4[%add3A_106, %dma_wait3A_612] : memref<204800x128xf32, #tpu.memory_space<hbm>> -> memref<128x128xf32, #tpu.memory_space<hbm>>
      tpu.wait_dma2 semaphore(%run_scoped3A : memref<!tpu.dma_semaphore, #tpu.memory_space<semaphore_mem>>) src(%arg7 : memref<128x128xf32, #tpu.memory_space<vmem>>) dst(%dma_wait3A_613 : memref<128x128xf32, #tpu.memory_space<hbm>>)
      tpu.yield
    }) : () -> ()
    %dma_start3A_107 = arith.constant 1152 : i32
    %dma_start3A_108 = tpu.memref_slice %arg5[%dma_start3A_107] : memref<6400xi32, #tpu.memory_space<vmem>> -> memref<128xi32, #tpu.memory_space<vmem>>
    %dma_start3A_109 = arith.constant 0 : i32
    %dma_start3A_110 = arith.constant 0 : i32
    %dma_start3A_111 = tpu.memref_slice %arg3[%dma_start3A_109, %dma_start3A_110] : memref<102000x128xf32, #tpu.memory_space<hbm>> -> memref<102000x128xf32, #tpu.memory_space<hbm>>
    tpu.enqueue_indirect_dma source(%dma_start3A_111 : memref<102000x128xf32, #tpu.memory_space<hbm>>) target(%arg7 : memref<128x128xf32, #tpu.memory_space<vmem>>) offsets(%dma_start3A_108 : memref<128xi32, #tpu.memory_space<vmem>>) semaphore(%arg9 : memref<!tpu.dma_semaphore, #tpu.memory_space<semaphore_mem>>)
    %dma_wait3A_112 = arith.constant 1024 : i32
    %dma_wait3A_113 = tpu.memref_slice %arg5[%dma_wait3A_112] : memref<6400xi32, #tpu.memory_space<vmem>> -> memref<128xi32, #tpu.memory_space<vmem>>
    %dma_wait3A_114 = arith.constant 0 : i32
    %dma_wait3A_115 = arith.constant 0 : i32
    %dma_wait3A_116 = tpu.memref_slice %arg3[%dma_wait3A_114, %dma_wait3A_115] : memref<102000x128xf32, #tpu.memory_space<hbm>> -> memref<102000x128xf32, #tpu.memory_space<hbm>>
    tpu.wait_indirect_dma semaphore(%arg8 : memref<!tpu.dma_semaphore, #tpu.memory_space<semaphore_mem>>) src(%dma_wait3A_116 : memref<102000x128xf32, #tpu.memory_space<hbm>>) dst(%arg6 : memref<128x128xf32, #tpu.memory_space<vmem>>)
    %add3A_117 = arith.constant 1024 : i32
    %add3A_118 = arith.addi %mul3A_2, %add3A_117 : i32
    "tpu.region"() ({
      %run_scoped3A = tpu.sem_alloc : memref<!tpu.dma_semaphore, #tpu.memory_space<semaphore_mem>>
      %dma_start3A_606 = arith.constant 0 : i32
      %dma_start3A_607 = tpu.memref_slice %arg4[%add3A_118, %dma_start3A_606] : memref<204800x128xf32, #tpu.memory_space<hbm>> -> memref<128x128xf32, #tpu.memory_space<hbm>>
      %dma_start3A_608 = arith.constant 0 : i32
      %dma_start3A_609 = tpu.memref_slice %arg4[%add3A_118, %dma_start3A_608] : memref<204800x128xf32, #tpu.memory_space<hbm>> -> memref<128x128xf32, #tpu.memory_space<hbm>>
      tpu.enqueue_dma source(%arg6 : memref<128x128xf32, #tpu.memory_space<vmem>>) target(%dma_start3A_609 : memref<128x128xf32, #tpu.memory_space<hbm>>) target_semaphore(%run_scoped3A : memref<!tpu.dma_semaphore, #tpu.memory_space<semaphore_mem>>)
      %dma_wait3A_610 = arith.constant 0 : i32
      %dma_wait3A_611 = tpu.memref_slice %arg4[%add3A_118, %dma_wait3A_610] : memref<204800x128xf32, #tpu.memory_space<hbm>> -> memref<128x128xf32, #tpu.memory_space<hbm>>
      %dma_wait3A_612 = arith.constant 0 : i32
      %dma_wait3A_613 = tpu.memref_slice %arg4[%add3A_118, %dma_wait3A_612] : memref<204800x128xf32, #tpu.memory_space<hbm>> -> memref<128x128xf32, #tpu.memory_space<hbm>>
      tpu.wait_dma2 semaphore(%run_scoped3A : memref<!tpu.dma_semaphore, #tpu.memory_space<semaphore_mem>>) src(%arg6 : memref<128x128xf32, #tpu.memory_space<vmem>>) dst(%dma_wait3A_613 : memref<128x128xf32, #tpu.memory_space<hbm>>)
      tpu.yield
    }) : () -> ()
    %dma_start3A_119 = arith.constant 1280 : i32
    %dma_start3A_120 = tpu.memref_slice %arg5[%dma_start3A_119] : memref<6400xi32, #tpu.memory_space<vmem>> -> memref<128xi32, #tpu.memory_space<vmem>>
    %dma_start3A_121 = arith.constant 0 : i32
    %dma_start3A_122 = arith.constant 0 : i32
    %dma_start3A_123 = tpu.memref_slice %arg3[%dma_start3A_121, %dma_start3A_122] : memref<102000x128xf32, #tpu.memory_space<hbm>> -> memref<102000x128xf32, #tpu.memory_space<hbm>>
    tpu.enqueue_indirect_dma source(%dma_start3A_123 : memref<102000x128xf32, #tpu.memory_space<hbm>>) target(%arg6 : memref<128x128xf32, #tpu.memory_space<vmem>>) offsets(%dma_start3A_120 : memref<128xi32, #tpu.memory_space<vmem>>) semaphore(%arg8 : memref<!tpu.dma_semaphore, #tpu.memory_space<semaphore_mem>>)
    %dma_wait3A_124 = arith.constant 1152 : i32
    %dma_wait3A_125 = tpu.memref_slice %arg5[%dma_wait3A_124] : memref<6400xi32, #tpu.memory_space<vmem>> -> memref<128xi32, #tpu.memory_space<vmem>>
    %dma_wait3A_126 = arith.constant 0 : i32
    %dma_wait3A_127 = arith.constant 0 : i32
    %dma_wait3A_128 = tpu.memref_slice %arg3[%dma_wait3A_126, %dma_wait3A_127] : memref<102000x128xf32, #tpu.memory_space<hbm>> -> memref<102000x128xf32, #tpu.memory_space<hbm>>
    tpu.wait_indirect_dma semaphore(%arg9 : memref<!tpu.dma_semaphore, #tpu.memory_space<semaphore_mem>>) src(%dma_wait3A_128 : memref<102000x128xf32, #tpu.memory_space<hbm>>) dst(%arg7 : memref<128x128xf32, #tpu.memory_space<vmem>>)
    %add3A_129 = arith.constant 1152 : i32
    %add3A_130 = arith.addi %mul3A_2, %add3A_129 : i32
    "tpu.region"() ({
      %run_scoped3A = tpu.sem_alloc : memref<!tpu.dma_semaphore, #tpu.memory_space<semaphore_mem>>
      %dma_start3A_606 = arith.constant 0 : i32
      %dma_start3A_607 = tpu.memref_slice %arg4[%add3A_130, %dma_start3A_606] : memref<204800x128xf32, #tpu.memory_space<hbm>> -> memref<128x128xf32, #tpu.memory_space<hbm>>
      %dma_start3A_608 = arith.constant 0 : i32
      %dma_start3A_609 = tpu.memref_slice %arg4[%add3A_130, %dma_start3A_608] : memref<204800x128xf32, #tpu.memory_space<hbm>> -> memref<128x128xf32, #tpu.memory_space<hbm>>
      tpu.enqueue_dma source(%arg7 : memref<128x128xf32, #tpu.memory_space<vmem>>) target(%dma_start3A_609 : memref<128x128xf32, #tpu.memory_space<hbm>>) target_semaphore(%run_scoped3A : memref<!tpu.dma_semaphore, #tpu.memory_space<semaphore_mem>>)
      %dma_wait3A_610 = arith.constant 0 : i32
      %dma_wait3A_611 = tpu.memref_slice %arg4[%add3A_130, %dma_wait3A_610] : memref<204800x128xf32, #tpu.memory_space<hbm>> -> memref<128x128xf32, #tpu.memory_space<hbm>>
      %dma_wait3A_612 = arith.constant 0 : i32
      %dma_wait3A_613 = tpu.memref_slice %arg4[%add3A_130, %dma_wait3A_612] : memref<204800x128xf32, #tpu.memory_space<hbm>> -> memref<128x128xf32, #tpu.memory_space<hbm>>
      tpu.wait_dma2 semaphore(%run_scoped3A : memref<!tpu.dma_semaphore, #tpu.memory_space<semaphore_mem>>) src(%arg7 : memref<128x128xf32, #tpu.memory_space<vmem>>) dst(%dma_wait3A_613 : memref<128x128xf32, #tpu.memory_space<hbm>>)
      tpu.yield
    }) : () -> ()
    %dma_start3A_131 = arith.constant 1408 : i32
    %dma_start3A_132 = tpu.memref_slice %arg5[%dma_start3A_131] : memref<6400xi32, #tpu.memory_space<vmem>> -> memref<128xi32, #tpu.memory_space<vmem>>
    %dma_start3A_133 = arith.constant 0 : i32
    %dma_start3A_134 = arith.constant 0 : i32
    %dma_start3A_135 = tpu.memref_slice %arg3[%dma_start3A_133, %dma_start3A_134] : memref<102000x128xf32, #tpu.memory_space<hbm>> -> memref<102000x128xf32, #tpu.memory_space<hbm>>
    tpu.enqueue_indirect_dma source(%dma_start3A_135 : memref<102000x128xf32, #tpu.memory_space<hbm>>) target(%arg7 : memref<128x128xf32, #tpu.memory_space<vmem>>) offsets(%dma_start3A_132 : memref<128xi32, #tpu.memory_space<vmem>>) semaphore(%arg9 : memref<!tpu.dma_semaphore, #tpu.memory_space<semaphore_mem>>)
    %dma_wait3A_136 = arith.constant 1280 : i32
    %dma_wait3A_137 = tpu.memref_slice %arg5[%dma_wait3A_136] : memref<6400xi32, #tpu.memory_space<vmem>> -> memref<128xi32, #tpu.memory_space<vmem>>
    %dma_wait3A_138 = arith.constant 0 : i32
    %dma_wait3A_139 = arith.constant 0 : i32
    %dma_wait3A_140 = tpu.memref_slice %arg3[%dma_wait3A_138, %dma_wait3A_139] : memref<102000x128xf32, #tpu.memory_space<hbm>> -> memref<102000x128xf32, #tpu.memory_space<hbm>>
    tpu.wait_indirect_dma semaphore(%arg8 : memref<!tpu.dma_semaphore, #tpu.memory_space<semaphore_mem>>) src(%dma_wait3A_140 : memref<102000x128xf32, #tpu.memory_space<hbm>>) dst(%arg6 : memref<128x128xf32, #tpu.memory_space<vmem>>)
    %add3A_141 = arith.constant 1280 : i32
    %add3A_142 = arith.addi %mul3A_2, %add3A_141 : i32
    "tpu.region"() ({
      %run_scoped3A = tpu.sem_alloc : memref<!tpu.dma_semaphore, #tpu.memory_space<semaphore_mem>>
      %dma_start3A_606 = arith.constant 0 : i32
      %dma_start3A_607 = tpu.memref_slice %arg4[%add3A_142, %dma_start3A_606] : memref<204800x128xf32, #tpu.memory_space<hbm>> -> memref<128x128xf32, #tpu.memory_space<hbm>>
      %dma_start3A_608 = arith.constant 0 : i32
      %dma_start3A_609 = tpu.memref_slice %arg4[%add3A_142, %dma_start3A_608] : memref<204800x128xf32, #tpu.memory_space<hbm>> -> memref<128x128xf32, #tpu.memory_space<hbm>>
      tpu.enqueue_dma source(%arg6 : memref<128x128xf32, #tpu.memory_space<vmem>>) target(%dma_start3A_609 : memref<128x128xf32, #tpu.memory_space<hbm>>) target_semaphore(%run_scoped3A : memref<!tpu.dma_semaphore, #tpu.memory_space<semaphore_mem>>)
      %dma_wait3A_610 = arith.constant 0 : i32
      %dma_wait3A_611 = tpu.memref_slice %arg4[%add3A_142, %dma_wait3A_610] : memref<204800x128xf32, #tpu.memory_space<hbm>> -> memref<128x128xf32, #tpu.memory_space<hbm>>
      %dma_wait3A_612 = arith.constant 0 : i32
      %dma_wait3A_613 = tpu.memref_slice %arg4[%add3A_142, %dma_wait3A_612] : memref<204800x128xf32, #tpu.memory_space<hbm>> -> memref<128x128xf32, #tpu.memory_space<hbm>>
      tpu.wait_dma2 semaphore(%run_scoped3A : memref<!tpu.dma_semaphore, #tpu.memory_space<semaphore_mem>>) src(%arg6 : memref<128x128xf32, #tpu.memory_space<vmem>>) dst(%dma_wait3A_613 : memref<128x128xf32, #tpu.memory_space<hbm>>)
      tpu.yield
    }) : () -> ()
    %dma_start3A_143 = arith.constant 1536 : i32
    %dma_start3A_144 = tpu.memref_slice %arg5[%dma_start3A_143] : memref<6400xi32, #tpu.memory_space<vmem>> -> memref<128xi32, #tpu.memory_space<vmem>>
    %dma_start3A_145 = arith.constant 0 : i32
    %dma_start3A_146 = arith.constant 0 : i32
    %dma_start3A_147 = tpu.memref_slice %arg3[%dma_start3A_145, %dma_start3A_146] : memref<102000x128xf32, #tpu.memory_space<hbm>> -> memref<102000x128xf32, #tpu.memory_space<hbm>>
    tpu.enqueue_indirect_dma source(%dma_start3A_147 : memref<102000x128xf32, #tpu.memory_space<hbm>>) target(%arg6 : memref<128x128xf32, #tpu.memory_space<vmem>>) offsets(%dma_start3A_144 : memref<128xi32, #tpu.memory_space<vmem>>) semaphore(%arg8 : memref<!tpu.dma_semaphore, #tpu.memory_space<semaphore_mem>>)
    %dma_wait3A_148 = arith.constant 1408 : i32
    %dma_wait3A_149 = tpu.memref_slice %arg5[%dma_wait3A_148] : memref<6400xi32, #tpu.memory_space<vmem>> -> memref<128xi32, #tpu.memory_space<vmem>>
    %dma_wait3A_150 = arith.constant 0 : i32
    %dma_wait3A_151 = arith.constant 0 : i32
    %dma_wait3A_152 = tpu.memref_slice %arg3[%dma_wait3A_150, %dma_wait3A_151] : memref<102000x128xf32, #tpu.memory_space<hbm>> -> memref<102000x128xf32, #tpu.memory_space<hbm>>
    tpu.wait_indirect_dma semaphore(%arg9 : memref<!tpu.dma_semaphore, #tpu.memory_space<semaphore_mem>>) src(%dma_wait3A_152 : memref<102000x128xf32, #tpu.memory_space<hbm>>) dst(%arg7 : memref<128x128xf32, #tpu.memory_space<vmem>>)
    %add3A_153 = arith.constant 1408 : i32
    %add3A_154 = arith.addi %mul3A_2, %add3A_153 : i32
    "tpu.region"() ({
      %run_scoped3A = tpu.sem_alloc : memref<!tpu.dma_semaphore, #tpu.memory_space<semaphore_mem>>
      %dma_start3A_606 = arith.constant 0 : i32
      %dma_start3A_607 = tpu.memref_slice %arg4[%add3A_154, %dma_start3A_606] : memref<204800x128xf32, #tpu.memory_space<hbm>> -> memref<128x128xf32, #tpu.memory_space<hbm>>
      %dma_start3A_608 = arith.constant 0 : i32
      %dma_start3A_609 = tpu.memref_slice %arg4[%add3A_154, %dma_start3A_608] : memref<204800x128xf32, #tpu.memory_space<hbm>> -> memref<128x128xf32, #tpu.memory_space<hbm>>
      tpu.enqueue_dma source(%arg7 : memref<128x128xf32, #tpu.memory_space<vmem>>) target(%dma_start3A_609 : memref<128x128xf32, #tpu.memory_space<hbm>>) target_semaphore(%run_scoped3A : memref<!tpu.dma_semaphore, #tpu.memory_space<semaphore_mem>>)
      %dma_wait3A_610 = arith.constant 0 : i32
      %dma_wait3A_611 = tpu.memref_slice %arg4[%add3A_154, %dma_wait3A_610] : memref<204800x128xf32, #tpu.memory_space<hbm>> -> memref<128x128xf32, #tpu.memory_space<hbm>>
      %dma_wait3A_612 = arith.constant 0 : i32
      %dma_wait3A_613 = tpu.memref_slice %arg4[%add3A_154, %dma_wait3A_612] : memref<204800x128xf32, #tpu.memory_space<hbm>> -> memref<128x128xf32, #tpu.memory_space<hbm>>
      tpu.wait_dma2 semaphore(%run_scoped3A : memref<!tpu.dma_semaphore, #tpu.memory_space<semaphore_mem>>) src(%arg7 : memref<128x128xf32, #tpu.memory_space<vmem>>) dst(%dma_wait3A_613 : memref<128x128xf32, #tpu.memory_space<hbm>>)
      tpu.yield
    }) : () -> ()
    %dma_start3A_155 = arith.constant 1664 : i32
    %dma_start3A_156 = tpu.memref_slice %arg5[%dma_start3A_155] : memref<6400xi32, #tpu.memory_space<vmem>> -> memref<128xi32, #tpu.memory_space<vmem>>
    %dma_start3A_157 = arith.constant 0 : i32
    %dma_start3A_158 = arith.constant 0 : i32
    %dma_start3A_159 = tpu.memref_slice %arg3[%dma_start3A_157, %dma_start3A_158] : memref<102000x128xf32, #tpu.memory_space<hbm>> -> memref<102000x128xf32, #tpu.memory_space<hbm>>
    tpu.enqueue_indirect_dma source(%dma_start3A_159 : memref<102000x128xf32, #tpu.memory_space<hbm>>) target(%arg7 : memref<128x128xf32, #tpu.memory_space<vmem>>) offsets(%dma_start3A_156 : memref<128xi32, #tpu.memory_space<vmem>>) semaphore(%arg9 : memref<!tpu.dma_semaphore, #tpu.memory_space<semaphore_mem>>)
    %dma_wait3A_160 = arith.constant 1536 : i32
    %dma_wait3A_161 = tpu.memref_slice %arg5[%dma_wait3A_160] : memref<6400xi32, #tpu.memory_space<vmem>> -> memref<128xi32, #tpu.memory_space<vmem>>
    %dma_wait3A_162 = arith.constant 0 : i32
    %dma_wait3A_163 = arith.constant 0 : i32
    %dma_wait3A_164 = tpu.memref_slice %arg3[%dma_wait3A_162, %dma_wait3A_163] : memref<102000x128xf32, #tpu.memory_space<hbm>> -> memref<102000x128xf32, #tpu.memory_space<hbm>>
    tpu.wait_indirect_dma semaphore(%arg8 : memref<!tpu.dma_semaphore, #tpu.memory_space<semaphore_mem>>) src(%dma_wait3A_164 : memref<102000x128xf32, #tpu.memory_space<hbm>>) dst(%arg6 : memref<128x128xf32, #tpu.memory_space<vmem>>)
    %add3A_165 = arith.constant 1536 : i32
    %add3A_166 = arith.addi %mul3A_2, %add3A_165 : i32
    "tpu.region"() ({
      %run_scoped3A = tpu.sem_alloc : memref<!tpu.dma_semaphore, #tpu.memory_space<semaphore_mem>>
      %dma_start3A_606 = arith.constant 0 : i32
      %dma_start3A_607 = tpu.memref_slice %arg4[%add3A_166, %dma_start3A_606] : memref<204800x128xf32, #tpu.memory_space<hbm>> -> memref<128x128xf32, #tpu.memory_space<hbm>>
      %dma_start3A_608 = arith.constant 0 : i32
      %dma_start3A_609 = tpu.memref_slice %arg4[%add3A_166, %dma_start3A_608] : memref<204800x128xf32, #tpu.memory_space<hbm>> -> memref<128x128xf32, #tpu.memory_space<hbm>>
      tpu.enqueue_dma source(%arg6 : memref<128x128xf32, #tpu.memory_space<vmem>>) target(%dma_start3A_609 : memref<128x128xf32, #tpu.memory_space<hbm>>) target_semaphore(%run_scoped3A : memref<!tpu.dma_semaphore, #tpu.memory_space<semaphore_mem>>)
      %dma_wait3A_610 = arith.constant 0 : i32
      %dma_wait3A_611 = tpu.memref_slice %arg4[%add3A_166, %dma_wait3A_610] : memref<204800x128xf32, #tpu.memory_space<hbm>> -> memref<128x128xf32, #tpu.memory_space<hbm>>
      %dma_wait3A_612 = arith.constant 0 : i32
      %dma_wait3A_613 = tpu.memref_slice %arg4[%add3A_166, %dma_wait3A_612] : memref<204800x128xf32, #tpu.memory_space<hbm>> -> memref<128x128xf32, #tpu.memory_space<hbm>>
      tpu.wait_dma2 semaphore(%run_scoped3A : memref<!tpu.dma_semaphore, #tpu.memory_space<semaphore_mem>>) src(%arg6 : memref<128x128xf32, #tpu.memory_space<vmem>>) dst(%dma_wait3A_613 : memref<128x128xf32, #tpu.memory_space<hbm>>)
      tpu.yield
    }) : () -> ()
    %dma_start3A_167 = arith.constant 1792 : i32
    %dma_start3A_168 = tpu.memref_slice %arg5[%dma_start3A_167] : memref<6400xi32, #tpu.memory_space<vmem>> -> memref<128xi32, #tpu.memory_space<vmem>>
    %dma_start3A_169 = arith.constant 0 : i32
    %dma_start3A_170 = arith.constant 0 : i32
    %dma_start3A_171 = tpu.memref_slice %arg3[%dma_start3A_169, %dma_start3A_170] : memref<102000x128xf32, #tpu.memory_space<hbm>> -> memref<102000x128xf32, #tpu.memory_space<hbm>>
    tpu.enqueue_indirect_dma source(%dma_start3A_171 : memref<102000x128xf32, #tpu.memory_space<hbm>>) target(%arg6 : memref<128x128xf32, #tpu.memory_space<vmem>>) offsets(%dma_start3A_168 : memref<128xi32, #tpu.memory_space<vmem>>) semaphore(%arg8 : memref<!tpu.dma_semaphore, #tpu.memory_space<semaphore_mem>>)
    %dma_wait3A_172 = arith.constant 1664 : i32
    %dma_wait3A_173 = tpu.memref_slice %arg5[%dma_wait3A_172] : memref<6400xi32, #tpu.memory_space<vmem>> -> memref<128xi32, #tpu.memory_space<vmem>>
    %dma_wait3A_174 = arith.constant 0 : i32
    %dma_wait3A_175 = arith.constant 0 : i32
    %dma_wait3A_176 = tpu.memref_slice %arg3[%dma_wait3A_174, %dma_wait3A_175] : memref<102000x128xf32, #tpu.memory_space<hbm>> -> memref<102000x128xf32, #tpu.memory_space<hbm>>
    tpu.wait_indirect_dma semaphore(%arg9 : memref<!tpu.dma_semaphore, #tpu.memory_space<semaphore_mem>>) src(%dma_wait3A_176 : memref<102000x128xf32, #tpu.memory_space<hbm>>) dst(%arg7 : memref<128x128xf32, #tpu.memory_space<vmem>>)
    %add3A_177 = arith.constant 1664 : i32
    %add3A_178 = arith.addi %mul3A_2, %add3A_177 : i32
    "tpu.region"() ({
      %run_scoped3A = tpu.sem_alloc : memref<!tpu.dma_semaphore, #tpu.memory_space<semaphore_mem>>
      %dma_start3A_606 = arith.constant 0 : i32
      %dma_start3A_607 = tpu.memref_slice %arg4[%add3A_178, %dma_start3A_606] : memref<204800x128xf32, #tpu.memory_space<hbm>> -> memref<128x128xf32, #tpu.memory_space<hbm>>
      %dma_start3A_608 = arith.constant 0 : i32
      %dma_start3A_609 = tpu.memref_slice %arg4[%add3A_178, %dma_start3A_608] : memref<204800x128xf32, #tpu.memory_space<hbm>> -> memref<128x128xf32, #tpu.memory_space<hbm>>
      tpu.enqueue_dma source(%arg7 : memref<128x128xf32, #tpu.memory_space<vmem>>) target(%dma_start3A_609 : memref<128x128xf32, #tpu.memory_space<hbm>>) target_semaphore(%run_scoped3A : memref<!tpu.dma_semaphore, #tpu.memory_space<semaphore_mem>>)
      %dma_wait3A_610 = arith.constant 0 : i32
      %dma_wait3A_611 = tpu.memref_slice %arg4[%add3A_178, %dma_wait3A_610] : memref<204800x128xf32, #tpu.memory_space<hbm>> -> memref<128x128xf32, #tpu.memory_space<hbm>>
      %dma_wait3A_612 = arith.constant 0 : i32
      %dma_wait3A_613 = tpu.memref_slice %arg4[%add3A_178, %dma_wait3A_612] : memref<204800x128xf32, #tpu.memory_space<hbm>> -> memref<128x128xf32, #tpu.memory_space<hbm>>
      tpu.wait_dma2 semaphore(%run_scoped3A : memref<!tpu.dma_semaphore, #tpu.memory_space<semaphore_mem>>) src(%arg7 : memref<128x128xf32, #tpu.memory_space<vmem>>) dst(%dma_wait3A_613 : memref<128x128xf32, #tpu.memory_space<hbm>>)
      tpu.yield
    }) : () -> ()
    %dma_start3A_179 = arith.constant 1920 : i32
    %dma_start3A_180 = tpu.memref_slice %arg5[%dma_start3A_179] : memref<6400xi32, #tpu.memory_space<vmem>> -> memref<128xi32, #tpu.memory_space<vmem>>
    %dma_start3A_181 = arith.constant 0 : i32
    %dma_start3A_182 = arith.constant 0 : i32
    %dma_start3A_183 = tpu.memref_slice %arg3[%dma_start3A_181, %dma_start3A_182] : memref<102000x128xf32, #tpu.memory_space<hbm>> -> memref<102000x128xf32, #tpu.memory_space<hbm>>
    tpu.enqueue_indirect_dma source(%dma_start3A_183 : memref<102000x128xf32, #tpu.memory_space<hbm>>) target(%arg7 : memref<128x128xf32, #tpu.memory_space<vmem>>) offsets(%dma_start3A_180 : memref<128xi32, #tpu.memory_space<vmem>>) semaphore(%arg9 : memref<!tpu.dma_semaphore, #tpu.memory_space<semaphore_mem>>)
    %dma_wait3A_184 = arith.constant 1792 : i32
    %dma_wait3A_185 = tpu.memref_slice %arg5[%dma_wait3A_184] : memref<6400xi32, #tpu.memory_space<vmem>> -> memref<128xi32, #tpu.memory_space<vmem>>
    %dma_wait3A_186 = arith.constant 0 : i32
    %dma_wait3A_187 = arith.constant 0 : i32
    %dma_wait3A_188 = tpu.memref_slice %arg3[%dma_wait3A_186, %dma_wait3A_187] : memref<102000x128xf32, #tpu.memory_space<hbm>> -> memref<102000x128xf32, #tpu.memory_space<hbm>>
    tpu.wait_indirect_dma semaphore(%arg8 : memref<!tpu.dma_semaphore, #tpu.memory_space<semaphore_mem>>) src(%dma_wait3A_188 : memref<102000x128xf32, #tpu.memory_space<hbm>>) dst(%arg6 : memref<128x128xf32, #tpu.memory_space<vmem>>)
    %add3A_189 = arith.constant 1792 : i32
    %add3A_190 = arith.addi %mul3A_2, %add3A_189 : i32
    "tpu.region"() ({
      %run_scoped3A = tpu.sem_alloc : memref<!tpu.dma_semaphore, #tpu.memory_space<semaphore_mem>>
      %dma_start3A_606 = arith.constant 0 : i32
      %dma_start3A_607 = tpu.memref_slice %arg4[%add3A_190, %dma_start3A_606] : memref<204800x128xf32, #tpu.memory_space<hbm>> -> memref<128x128xf32, #tpu.memory_space<hbm>>
      %dma_start3A_608 = arith.constant 0 : i32
      %dma_start3A_609 = tpu.memref_slice %arg4[%add3A_190, %dma_start3A_608] : memref<204800x128xf32, #tpu.memory_space<hbm>> -> memref<128x128xf32, #tpu.memory_space<hbm>>
      tpu.enqueue_dma source(%arg6 : memref<128x128xf32, #tpu.memory_space<vmem>>) target(%dma_start3A_609 : memref<128x128xf32, #tpu.memory_space<hbm>>) target_semaphore(%run_scoped3A : memref<!tpu.dma_semaphore, #tpu.memory_space<semaphore_mem>>)
      %dma_wait3A_610 = arith.constant 0 : i32
      %dma_wait3A_611 = tpu.memref_slice %arg4[%add3A_190, %dma_wait3A_610] : memref<204800x128xf32, #tpu.memory_space<hbm>> -> memref<128x128xf32, #tpu.memory_space<hbm>>
      %dma_wait3A_612 = arith.constant 0 : i32
      %dma_wait3A_613 = tpu.memref_slice %arg4[%add3A_190, %dma_wait3A_612] : memref<204800x128xf32, #tpu.memory_space<hbm>> -> memref<128x128xf32, #tpu.memory_space<hbm>>
      tpu.wait_dma2 semaphore(%run_scoped3A : memref<!tpu.dma_semaphore, #tpu.memory_space<semaphore_mem>>) src(%arg6 : memref<128x128xf32, #tpu.memory_space<vmem>>) dst(%dma_wait3A_613 : memref<128x128xf32, #tpu.memory_space<hbm>>)
      tpu.yield
    }) : () -> ()
    %dma_start3A_191 = arith.constant 2048 : i32
    %dma_start3A_192 = tpu.memref_slice %arg5[%dma_start3A_191] : memref<6400xi32, #tpu.memory_space<vmem>> -> memref<128xi32, #tpu.memory_space<vmem>>
    %dma_start3A_193 = arith.constant 0 : i32
    %dma_start3A_194 = arith.constant 0 : i32
    %dma_start3A_195 = tpu.memref_slice %arg3[%dma_start3A_193, %dma_start3A_194] : memref<102000x128xf32, #tpu.memory_space<hbm>> -> memref<102000x128xf32, #tpu.memory_space<hbm>>
    tpu.enqueue_indirect_dma source(%dma_start3A_195 : memref<102000x128xf32, #tpu.memory_space<hbm>>) target(%arg6 : memref<128x128xf32, #tpu.memory_space<vmem>>) offsets(%dma_start3A_192 : memref<128xi32, #tpu.memory_space<vmem>>) semaphore(%arg8 : memref<!tpu.dma_semaphore, #tpu.memory_space<semaphore_mem>>)
    %dma_wait3A_196 = arith.constant 1920 : i32
    %dma_wait3A_197 = tpu.memref_slice %arg5[%dma_wait3A_196] : memref<6400xi32, #tpu.memory_space<vmem>> -> memref<128xi32, #tpu.memory_space<vmem>>
    %dma_wait3A_198 = arith.constant 0 : i32
    %dma_wait3A_199 = arith.constant 0 : i32
    %dma_wait3A_200 = tpu.memref_slice %arg3[%dma_wait3A_198, %dma_wait3A_199] : memref<102000x128xf32, #tpu.memory_space<hbm>> -> memref<102000x128xf32, #tpu.memory_space<hbm>>
    tpu.wait_indirect_dma semaphore(%arg9 : memref<!tpu.dma_semaphore, #tpu.memory_space<semaphore_mem>>) src(%dma_wait3A_200 : memref<102000x128xf32, #tpu.memory_space<hbm>>) dst(%arg7 : memref<128x128xf32, #tpu.memory_space<vmem>>)
    %add3A_201 = arith.constant 1920 : i32
    %add3A_202 = arith.addi %mul3A_2, %add3A_201 : i32
    "tpu.region"() ({
      %run_scoped3A = tpu.sem_alloc : memref<!tpu.dma_semaphore, #tpu.memory_space<semaphore_mem>>
      %dma_start3A_606 = arith.constant 0 : i32
      %dma_start3A_607 = tpu.memref_slice %arg4[%add3A_202, %dma_start3A_606] : memref<204800x128xf32, #tpu.memory_space<hbm>> -> memref<128x128xf32, #tpu.memory_space<hbm>>
      %dma_start3A_608 = arith.constant 0 : i32
      %dma_start3A_609 = tpu.memref_slice %arg4[%add3A_202, %dma_start3A_608] : memref<204800x128xf32, #tpu.memory_space<hbm>> -> memref<128x128xf32, #tpu.memory_space<hbm>>
      tpu.enqueue_dma source(%arg7 : memref<128x128xf32, #tpu.memory_space<vmem>>) target(%dma_start3A_609 : memref<128x128xf32, #tpu.memory_space<hbm>>) target_semaphore(%run_scoped3A : memref<!tpu.dma_semaphore, #tpu.memory_space<semaphore_mem>>)
      %dma_wait3A_610 = arith.constant 0 : i32
      %dma_wait3A_611 = tpu.memref_slice %arg4[%add3A_202, %dma_wait3A_610] : memref<204800x128xf32, #tpu.memory_space<hbm>> -> memref<128x128xf32, #tpu.memory_space<hbm>>
      %dma_wait3A_612 = arith.constant 0 : i32
      %dma_wait3A_613 = tpu.memref_slice %arg4[%add3A_202, %dma_wait3A_612] : memref<204800x128xf32, #tpu.memory_space<hbm>> -> memref<128x128xf32, #tpu.memory_space<hbm>>
      tpu.wait_dma2 semaphore(%run_scoped3A : memref<!tpu.dma_semaphore, #tpu.memory_space<semaphore_mem>>) src(%arg7 : memref<128x128xf32, #tpu.memory_space<vmem>>) dst(%dma_wait3A_613 : memref<128x128xf32, #tpu.memory_space<hbm>>)
      tpu.yield
    }) : () -> ()
    %dma_start3A_203 = arith.constant 2176 : i32
    %dma_start3A_204 = tpu.memref_slice %arg5[%dma_start3A_203] : memref<6400xi32, #tpu.memory_space<vmem>> -> memref<128xi32, #tpu.memory_space<vmem>>
    %dma_start3A_205 = arith.constant 0 : i32
    %dma_start3A_206 = arith.constant 0 : i32
    %dma_start3A_207 = tpu.memref_slice %arg3[%dma_start3A_205, %dma_start3A_206] : memref<102000x128xf32, #tpu.memory_space<hbm>> -> memref<102000x128xf32, #tpu.memory_space<hbm>>
    tpu.enqueue_indirect_dma source(%dma_start3A_207 : memref<102000x128xf32, #tpu.memory_space<hbm>>) target(%arg7 : memref<128x128xf32, #tpu.memory_space<vmem>>) offsets(%dma_start3A_204 : memref<128xi32, #tpu.memory_space<vmem>>) semaphore(%arg9 : memref<!tpu.dma_semaphore, #tpu.memory_space<semaphore_mem>>)
    %dma_wait3A_208 = arith.constant 2048 : i32
    %dma_wait3A_209 = tpu.memref_slice %arg5[%dma_wait3A_208] : memref<6400xi32, #tpu.memory_space<vmem>> -> memref<128xi32, #tpu.memory_space<vmem>>
    %dma_wait3A_210 = arith.constant 0 : i32
    %dma_wait3A_211 = arith.constant 0 : i32
    %dma_wait3A_212 = tpu.memref_slice %arg3[%dma_wait3A_210, %dma_wait3A_211] : memref<102000x128xf32, #tpu.memory_space<hbm>> -> memref<102000x128xf32, #tpu.memory_space<hbm>>
    tpu.wait_indirect_dma semaphore(%arg8 : memref<!tpu.dma_semaphore, #tpu.memory_space<semaphore_mem>>) src(%dma_wait3A_212 : memref<102000x128xf32, #tpu.memory_space<hbm>>) dst(%arg6 : memref<128x128xf32, #tpu.memory_space<vmem>>)
    %add3A_213 = arith.constant 2048 : i32
    %add3A_214 = arith.addi %mul3A_2, %add3A_213 : i32
    "tpu.region"() ({
      %run_scoped3A = tpu.sem_alloc : memref<!tpu.dma_semaphore, #tpu.memory_space<semaphore_mem>>
      %dma_start3A_606 = arith.constant 0 : i32
      %dma_start3A_607 = tpu.memref_slice %arg4[%add3A_214, %dma_start3A_606] : memref<204800x128xf32, #tpu.memory_space<hbm>> -> memref<128x128xf32, #tpu.memory_space<hbm>>
      %dma_start3A_608 = arith.constant 0 : i32
      %dma_start3A_609 = tpu.memref_slice %arg4[%add3A_214, %dma_start3A_608] : memref<204800x128xf32, #tpu.memory_space<hbm>> -> memref<128x128xf32, #tpu.memory_space<hbm>>
      tpu.enqueue_dma source(%arg6 : memref<128x128xf32, #tpu.memory_space<vmem>>) target(%dma_start3A_609 : memref<128x128xf32, #tpu.memory_space<hbm>>) target_semaphore(%run_scoped3A : memref<!tpu.dma_semaphore, #tpu.memory_space<semaphore_mem>>)
      %dma_wait3A_610 = arith.constant 0 : i32
      %dma_wait3A_611 = tpu.memref_slice %arg4[%add3A_214, %dma_wait3A_610] : memref<204800x128xf32, #tpu.memory_space<hbm>> -> memref<128x128xf32, #tpu.memory_space<hbm>>
      %dma_wait3A_612 = arith.constant 0 : i32
      %dma_wait3A_613 = tpu.memref_slice %arg4[%add3A_214, %dma_wait3A_612] : memref<204800x128xf32, #tpu.memory_space<hbm>> -> memref<128x128xf32, #tpu.memory_space<hbm>>
      tpu.wait_dma2 semaphore(%run_scoped3A : memref<!tpu.dma_semaphore, #tpu.memory_space<semaphore_mem>>) src(%arg6 : memref<128x128xf32, #tpu.memory_space<vmem>>) dst(%dma_wait3A_613 : memref<128x128xf32, #tpu.memory_space<hbm>>)
      tpu.yield
    }) : () -> ()
    %dma_start3A_215 = arith.constant 2304 : i32
    %dma_start3A_216 = tpu.memref_slice %arg5[%dma_start3A_215] : memref<6400xi32, #tpu.memory_space<vmem>> -> memref<128xi32, #tpu.memory_space<vmem>>
    %dma_start3A_217 = arith.constant 0 : i32
    %dma_start3A_218 = arith.constant 0 : i32
    %dma_start3A_219 = tpu.memref_slice %arg3[%dma_start3A_217, %dma_start3A_218] : memref<102000x128xf32, #tpu.memory_space<hbm>> -> memref<102000x128xf32, #tpu.memory_space<hbm>>
    tpu.enqueue_indirect_dma source(%dma_start3A_219 : memref<102000x128xf32, #tpu.memory_space<hbm>>) target(%arg6 : memref<128x128xf32, #tpu.memory_space<vmem>>) offsets(%dma_start3A_216 : memref<128xi32, #tpu.memory_space<vmem>>) semaphore(%arg8 : memref<!tpu.dma_semaphore, #tpu.memory_space<semaphore_mem>>)
    %dma_wait3A_220 = arith.constant 2176 : i32
    %dma_wait3A_221 = tpu.memref_slice %arg5[%dma_wait3A_220] : memref<6400xi32, #tpu.memory_space<vmem>> -> memref<128xi32, #tpu.memory_space<vmem>>
    %dma_wait3A_222 = arith.constant 0 : i32
    %dma_wait3A_223 = arith.constant 0 : i32
    %dma_wait3A_224 = tpu.memref_slice %arg3[%dma_wait3A_222, %dma_wait3A_223] : memref<102000x128xf32, #tpu.memory_space<hbm>> -> memref<102000x128xf32, #tpu.memory_space<hbm>>
    tpu.wait_indirect_dma semaphore(%arg9 : memref<!tpu.dma_semaphore, #tpu.memory_space<semaphore_mem>>) src(%dma_wait3A_224 : memref<102000x128xf32, #tpu.memory_space<hbm>>) dst(%arg7 : memref<128x128xf32, #tpu.memory_space<vmem>>)
    %add3A_225 = arith.constant 2176 : i32
    %add3A_226 = arith.addi %mul3A_2, %add3A_225 : i32
    "tpu.region"() ({
      %run_scoped3A = tpu.sem_alloc : memref<!tpu.dma_semaphore, #tpu.memory_space<semaphore_mem>>
      %dma_start3A_606 = arith.constant 0 : i32
      %dma_start3A_607 = tpu.memref_slice %arg4[%add3A_226, %dma_start3A_606] : memref<204800x128xf32, #tpu.memory_space<hbm>> -> memref<128x128xf32, #tpu.memory_space<hbm>>
      %dma_start3A_608 = arith.constant 0 : i32
      %dma_start3A_609 = tpu.memref_slice %arg4[%add3A_226, %dma_start3A_608] : memref<204800x128xf32, #tpu.memory_space<hbm>> -> memref<128x128xf32, #tpu.memory_space<hbm>>
      tpu.enqueue_dma source(%arg7 : memref<128x128xf32, #tpu.memory_space<vmem>>) target(%dma_start3A_609 : memref<128x128xf32, #tpu.memory_space<hbm>>) target_semaphore(%run_scoped3A : memref<!tpu.dma_semaphore, #tpu.memory_space<semaphore_mem>>)
      %dma_wait3A_610 = arith.constant 0 : i32
      %dma_wait3A_611 = tpu.memref_slice %arg4[%add3A_226, %dma_wait3A_610] : memref<204800x128xf32, #tpu.memory_space<hbm>> -> memref<128x128xf32, #tpu.memory_space<hbm>>
      %dma_wait3A_612 = arith.constant 0 : i32
      %dma_wait3A_613 = tpu.memref_slice %arg4[%add3A_226, %dma_wait3A_612] : memref<204800x128xf32, #tpu.memory_space<hbm>> -> memref<128x128xf32, #tpu.memory_space<hbm>>
      tpu.wait_dma2 semaphore(%run_scoped3A : memref<!tpu.dma_semaphore, #tpu.memory_space<semaphore_mem>>) src(%arg7 : memref<128x128xf32, #tpu.memory_space<vmem>>) dst(%dma_wait3A_613 : memref<128x128xf32, #tpu.memory_space<hbm>>)
      tpu.yield
    }) : () -> ()
    %dma_start3A_227 = arith.constant 2432 : i32
    %dma_start3A_228 = tpu.memref_slice %arg5[%dma_start3A_227] : memref<6400xi32, #tpu.memory_space<vmem>> -> memref<128xi32, #tpu.memory_space<vmem>>
    %dma_start3A_229 = arith.constant 0 : i32
    %dma_start3A_230 = arith.constant 0 : i32
    %dma_start3A_231 = tpu.memref_slice %arg3[%dma_start3A_229, %dma_start3A_230] : memref<102000x128xf32, #tpu.memory_space<hbm>> -> memref<102000x128xf32, #tpu.memory_space<hbm>>
    tpu.enqueue_indirect_dma source(%dma_start3A_231 : memref<102000x128xf32, #tpu.memory_space<hbm>>) target(%arg7 : memref<128x128xf32, #tpu.memory_space<vmem>>) offsets(%dma_start3A_228 : memref<128xi32, #tpu.memory_space<vmem>>) semaphore(%arg9 : memref<!tpu.dma_semaphore, #tpu.memory_space<semaphore_mem>>)
    %dma_wait3A_232 = arith.constant 2304 : i32
    %dma_wait3A_233 = tpu.memref_slice %arg5[%dma_wait3A_232] : memref<6400xi32, #tpu.memory_space<vmem>> -> memref<128xi32, #tpu.memory_space<vmem>>
    %dma_wait3A_234 = arith.constant 0 : i32
    %dma_wait3A_235 = arith.constant 0 : i32
    %dma_wait3A_236 = tpu.memref_slice %arg3[%dma_wait3A_234, %dma_wait3A_235] : memref<102000x128xf32, #tpu.memory_space<hbm>> -> memref<102000x128xf32, #tpu.memory_space<hbm>>
    tpu.wait_indirect_dma semaphore(%arg8 : memref<!tpu.dma_semaphore, #tpu.memory_space<semaphore_mem>>) src(%dma_wait3A_236 : memref<102000x128xf32, #tpu.memory_space<hbm>>) dst(%arg6 : memref<128x128xf32, #tpu.memory_space<vmem>>)
    %add3A_237 = arith.constant 2304 : i32
    %add3A_238 = arith.addi %mul3A_2, %add3A_237 : i32
    "tpu.region"() ({
      %run_scoped3A = tpu.sem_alloc : memref<!tpu.dma_semaphore, #tpu.memory_space<semaphore_mem>>
      %dma_start3A_606 = arith.constant 0 : i32
      %dma_start3A_607 = tpu.memref_slice %arg4[%add3A_238, %dma_start3A_606] : memref<204800x128xf32, #tpu.memory_space<hbm>> -> memref<128x128xf32, #tpu.memory_space<hbm>>
      %dma_start3A_608 = arith.constant 0 : i32
      %dma_start3A_609 = tpu.memref_slice %arg4[%add3A_238, %dma_start3A_608] : memref<204800x128xf32, #tpu.memory_space<hbm>> -> memref<128x128xf32, #tpu.memory_space<hbm>>
      tpu.enqueue_dma source(%arg6 : memref<128x128xf32, #tpu.memory_space<vmem>>) target(%dma_start3A_609 : memref<128x128xf32, #tpu.memory_space<hbm>>) target_semaphore(%run_scoped3A : memref<!tpu.dma_semaphore, #tpu.memory_space<semaphore_mem>>)
      %dma_wait3A_610 = arith.constant 0 : i32
      %dma_wait3A_611 = tpu.memref_slice %arg4[%add3A_238, %dma_wait3A_610] : memref<204800x128xf32, #tpu.memory_space<hbm>> -> memref<128x128xf32, #tpu.memory_space<hbm>>
      %dma_wait3A_612 = arith.constant 0 : i32
      %dma_wait3A_613 = tpu.memref_slice %arg4[%add3A_238, %dma_wait3A_612] : memref<204800x128xf32, #tpu.memory_space<hbm>> -> memref<128x128xf32, #tpu.memory_space<hbm>>
      tpu.wait_dma2 semaphore(%run_scoped3A : memref<!tpu.dma_semaphore, #tpu.memory_space<semaphore_mem>>) src(%arg6 : memref<128x128xf32, #tpu.memory_space<vmem>>) dst(%dma_wait3A_613 : memref<128x128xf32, #tpu.memory_space<hbm>>)
      tpu.yield
    }) : () -> ()
    %dma_start3A_239 = arith.constant 2560 : i32
    %dma_start3A_240 = tpu.memref_slice %arg5[%dma_start3A_239] : memref<6400xi32, #tpu.memory_space<vmem>> -> memref<128xi32, #tpu.memory_space<vmem>>
    %dma_start3A_241 = arith.constant 0 : i32
    %dma_start3A_242 = arith.constant 0 : i32
    %dma_start3A_243 = tpu.memref_slice %arg3[%dma_start3A_241, %dma_start3A_242] : memref<102000x128xf32, #tpu.memory_space<hbm>> -> memref<102000x128xf32, #tpu.memory_space<hbm>>
    tpu.enqueue_indirect_dma source(%dma_start3A_243 : memref<102000x128xf32, #tpu.memory_space<hbm>>) target(%arg6 : memref<128x128xf32, #tpu.memory_space<vmem>>) offsets(%dma_start3A_240 : memref<128xi32, #tpu.memory_space<vmem>>) semaphore(%arg8 : memref<!tpu.dma_semaphore, #tpu.memory_space<semaphore_mem>>)
    %dma_wait3A_244 = arith.constant 2432 : i32
    %dma_wait3A_245 = tpu.memref_slice %arg5[%dma_wait3A_244] : memref<6400xi32, #tpu.memory_space<vmem>> -> memref<128xi32, #tpu.memory_space<vmem>>
    %dma_wait3A_246 = arith.constant 0 : i32
    %dma_wait3A_247 = arith.constant 0 : i32
    %dma_wait3A_248 = tpu.memref_slice %arg3[%dma_wait3A_246, %dma_wait3A_247] : memref<102000x128xf32, #tpu.memory_space<hbm>> -> memref<102000x128xf32, #tpu.memory_space<hbm>>
    tpu.wait_indirect_dma semaphore(%arg9 : memref<!tpu.dma_semaphore, #tpu.memory_space<semaphore_mem>>) src(%dma_wait3A_248 : memref<102000x128xf32, #tpu.memory_space<hbm>>) dst(%arg7 : memref<128x128xf32, #tpu.memory_space<vmem>>)
    %add3A_249 = arith.constant 2432 : i32
    %add3A_250 = arith.addi %mul3A_2, %add3A_249 : i32
    "tpu.region"() ({
      %run_scoped3A = tpu.sem_alloc : memref<!tpu.dma_semaphore, #tpu.memory_space<semaphore_mem>>
      %dma_start3A_606 = arith.constant 0 : i32
      %dma_start3A_607 = tpu.memref_slice %arg4[%add3A_250, %dma_start3A_606] : memref<204800x128xf32, #tpu.memory_space<hbm>> -> memref<128x128xf32, #tpu.memory_space<hbm>>
      %dma_start3A_608 = arith.constant 0 : i32
      %dma_start3A_609 = tpu.memref_slice %arg4[%add3A_250, %dma_start3A_608] : memref<204800x128xf32, #tpu.memory_space<hbm>> -> memref<128x128xf32, #tpu.memory_space<hbm>>
      tpu.enqueue_dma source(%arg7 : memref<128x128xf32, #tpu.memory_space<vmem>>) target(%dma_start3A_609 : memref<128x128xf32, #tpu.memory_space<hbm>>) target_semaphore(%run_scoped3A : memref<!tpu.dma_semaphore, #tpu.memory_space<semaphore_mem>>)
      %dma_wait3A_610 = arith.constant 0 : i32
      %dma_wait3A_611 = tpu.memref_slice %arg4[%add3A_250, %dma_wait3A_610] : memref<204800x128xf32, #tpu.memory_space<hbm>> -> memref<128x128xf32, #tpu.memory_space<hbm>>
      %dma_wait3A_612 = arith.constant 0 : i32
      %dma_wait3A_613 = tpu.memref_slice %arg4[%add3A_250, %dma_wait3A_612] : memref<204800x128xf32, #tpu.memory_space<hbm>> -> memref<128x128xf32, #tpu.memory_space<hbm>>
      tpu.wait_dma2 semaphore(%run_scoped3A : memref<!tpu.dma_semaphore, #tpu.memory_space<semaphore_mem>>) src(%arg7 : memref<128x128xf32, #tpu.memory_space<vmem>>) dst(%dma_wait3A_613 : memref<128x128xf32, #tpu.memory_space<hbm>>)
      tpu.yield
    }) : () -> ()
    %dma_start3A_251 = arith.constant 2688 : i32
    %dma_start3A_252 = tpu.memref_slice %arg5[%dma_start3A_251] : memref<6400xi32, #tpu.memory_space<vmem>> -> memref<128xi32, #tpu.memory_space<vmem>>
    %dma_start3A_253 = arith.constant 0 : i32
    %dma_start3A_254 = arith.constant 0 : i32
    %dma_start3A_255 = tpu.memref_slice %arg3[%dma_start3A_253, %dma_start3A_254] : memref<102000x128xf32, #tpu.memory_space<hbm>> -> memref<102000x128xf32, #tpu.memory_space<hbm>>
    tpu.enqueue_indirect_dma source(%dma_start3A_255 : memref<102000x128xf32, #tpu.memory_space<hbm>>) target(%arg7 : memref<128x128xf32, #tpu.memory_space<vmem>>) offsets(%dma_start3A_252 : memref<128xi32, #tpu.memory_space<vmem>>) semaphore(%arg9 : memref<!tpu.dma_semaphore, #tpu.memory_space<semaphore_mem>>)
    %dma_wait3A_256 = arith.constant 2560 : i32
    %dma_wait3A_257 = tpu.memref_slice %arg5[%dma_wait3A_256] : memref<6400xi32, #tpu.memory_space<vmem>> -> memref<128xi32, #tpu.memory_space<vmem>>
    %dma_wait3A_258 = arith.constant 0 : i32
    %dma_wait3A_259 = arith.constant 0 : i32
    %dma_wait3A_260 = tpu.memref_slice %arg3[%dma_wait3A_258, %dma_wait3A_259] : memref<102000x128xf32, #tpu.memory_space<hbm>> -> memref<102000x128xf32, #tpu.memory_space<hbm>>
    tpu.wait_indirect_dma semaphore(%arg8 : memref<!tpu.dma_semaphore, #tpu.memory_space<semaphore_mem>>) src(%dma_wait3A_260 : memref<102000x128xf32, #tpu.memory_space<hbm>>) dst(%arg6 : memref<128x128xf32, #tpu.memory_space<vmem>>)
    %add3A_261 = arith.constant 2560 : i32
    %add3A_262 = arith.addi %mul3A_2, %add3A_261 : i32
    "tpu.region"() ({
      %run_scoped3A = tpu.sem_alloc : memref<!tpu.dma_semaphore, #tpu.memory_space<semaphore_mem>>
      %dma_start3A_606 = arith.constant 0 : i32
      %dma_start3A_607 = tpu.memref_slice %arg4[%add3A_262, %dma_start3A_606] : memref<204800x128xf32, #tpu.memory_space<hbm>> -> memref<128x128xf32, #tpu.memory_space<hbm>>
      %dma_start3A_608 = arith.constant 0 : i32
      %dma_start3A_609 = tpu.memref_slice %arg4[%add3A_262, %dma_start3A_608] : memref<204800x128xf32, #tpu.memory_space<hbm>> -> memref<128x128xf32, #tpu.memory_space<hbm>>
      tpu.enqueue_dma source(%arg6 : memref<128x128xf32, #tpu.memory_space<vmem>>) target(%dma_start3A_609 : memref<128x128xf32, #tpu.memory_space<hbm>>) target_semaphore(%run_scoped3A : memref<!tpu.dma_semaphore, #tpu.memory_space<semaphore_mem>>)
      %dma_wait3A_610 = arith.constant 0 : i32
      %dma_wait3A_611 = tpu.memref_slice %arg4[%add3A_262, %dma_wait3A_610] : memref<204800x128xf32, #tpu.memory_space<hbm>> -> memref<128x128xf32, #tpu.memory_space<hbm>>
      %dma_wait3A_612 = arith.constant 0 : i32
      %dma_wait3A_613 = tpu.memref_slice %arg4[%add3A_262, %dma_wait3A_612] : memref<204800x128xf32, #tpu.memory_space<hbm>> -> memref<128x128xf32, #tpu.memory_space<hbm>>
      tpu.wait_dma2 semaphore(%run_scoped3A : memref<!tpu.dma_semaphore, #tpu.memory_space<semaphore_mem>>) src(%arg6 : memref<128x128xf32, #tpu.memory_space<vmem>>) dst(%dma_wait3A_613 : memref<128x128xf32, #tpu.memory_space<hbm>>)
      tpu.yield
    }) : () -> ()
    %dma_start3A_263 = arith.constant 2816 : i32
    %dma_start3A_264 = tpu.memref_slice %arg5[%dma_start3A_263] : memref<6400xi32, #tpu.memory_space<vmem>> -> memref<128xi32, #tpu.memory_space<vmem>>
    %dma_start3A_265 = arith.constant 0 : i32
    %dma_start3A_266 = arith.constant 0 : i32
    %dma_start3A_267 = tpu.memref_slice %arg3[%dma_start3A_265, %dma_start3A_266] : memref<102000x128xf32, #tpu.memory_space<hbm>> -> memref<102000x128xf32, #tpu.memory_space<hbm>>
    tpu.enqueue_indirect_dma source(%dma_start3A_267 : memref<102000x128xf32, #tpu.memory_space<hbm>>) target(%arg6 : memref<128x128xf32, #tpu.memory_space<vmem>>) offsets(%dma_start3A_264 : memref<128xi32, #tpu.memory_space<vmem>>) semaphore(%arg8 : memref<!tpu.dma_semaphore, #tpu.memory_space<semaphore_mem>>)
    %dma_wait3A_268 = arith.constant 2688 : i32
    %dma_wait3A_269 = tpu.memref_slice %arg5[%dma_wait3A_268] : memref<6400xi32, #tpu.memory_space<vmem>> -> memref<128xi32, #tpu.memory_space<vmem>>
    %dma_wait3A_270 = arith.constant 0 : i32
    %dma_wait3A_271 = arith.constant 0 : i32
    %dma_wait3A_272 = tpu.memref_slice %arg3[%dma_wait3A_270, %dma_wait3A_271] : memref<102000x128xf32, #tpu.memory_space<hbm>> -> memref<102000x128xf32, #tpu.memory_space<hbm>>
    tpu.wait_indirect_dma semaphore(%arg9 : memref<!tpu.dma_semaphore, #tpu.memory_space<semaphore_mem>>) src(%dma_wait3A_272 : memref<102000x128xf32, #tpu.memory_space<hbm>>) dst(%arg7 : memref<128x128xf32, #tpu.memory_space<vmem>>)
    %add3A_273 = arith.constant 2688 : i32
    %add3A_274 = arith.addi %mul3A_2, %add3A_273 : i32
    "tpu.region"() ({
      %run_scoped3A = tpu.sem_alloc : memref<!tpu.dma_semaphore, #tpu.memory_space<semaphore_mem>>
      %dma_start3A_606 = arith.constant 0 : i32
      %dma_start3A_607 = tpu.memref_slice %arg4[%add3A_274, %dma_start3A_606] : memref<204800x128xf32, #tpu.memory_space<hbm>> -> memref<128x128xf32, #tpu.memory_space<hbm>>
      %dma_start3A_608 = arith.constant 0 : i32
      %dma_start3A_609 = tpu.memref_slice %arg4[%add3A_274, %dma_start3A_608] : memref<204800x128xf32, #tpu.memory_space<hbm>> -> memref<128x128xf32, #tpu.memory_space<hbm>>
      tpu.enqueue_dma source(%arg7 : memref<128x128xf32, #tpu.memory_space<vmem>>) target(%dma_start3A_609 : memref<128x128xf32, #tpu.memory_space<hbm>>) target_semaphore(%run_scoped3A : memref<!tpu.dma_semaphore, #tpu.memory_space<semaphore_mem>>)
      %dma_wait3A_610 = arith.constant 0 : i32
      %dma_wait3A_611 = tpu.memref_slice %arg4[%add3A_274, %dma_wait3A_610] : memref<204800x128xf32, #tpu.memory_space<hbm>> -> memref<128x128xf32, #tpu.memory_space<hbm>>
      %dma_wait3A_612 = arith.constant 0 : i32
      %dma_wait3A_613 = tpu.memref_slice %arg4[%add3A_274, %dma_wait3A_612] : memref<204800x128xf32, #tpu.memory_space<hbm>> -> memref<128x128xf32, #tpu.memory_space<hbm>>
      tpu.wait_dma2 semaphore(%run_scoped3A : memref<!tpu.dma_semaphore, #tpu.memory_space<semaphore_mem>>) src(%arg7 : memref<128x128xf32, #tpu.memory_space<vmem>>) dst(%dma_wait3A_613 : memref<128x128xf32, #tpu.memory_space<hbm>>)
      tpu.yield
    }) : () -> ()
    %dma_start3A_275 = arith.constant 2944 : i32
    %dma_start3A_276 = tpu.memref_slice %arg5[%dma_start3A_275] : memref<6400xi32, #tpu.memory_space<vmem>> -> memref<128xi32, #tpu.memory_space<vmem>>
    %dma_start3A_277 = arith.constant 0 : i32
    %dma_start3A_278 = arith.constant 0 : i32
    %dma_start3A_279 = tpu.memref_slice %arg3[%dma_start3A_277, %dma_start3A_278] : memref<102000x128xf32, #tpu.memory_space<hbm>> -> memref<102000x128xf32, #tpu.memory_space<hbm>>
    tpu.enqueue_indirect_dma source(%dma_start3A_279 : memref<102000x128xf32, #tpu.memory_space<hbm>>) target(%arg7 : memref<128x128xf32, #tpu.memory_space<vmem>>) offsets(%dma_start3A_276 : memref<128xi32, #tpu.memory_space<vmem>>) semaphore(%arg9 : memref<!tpu.dma_semaphore, #tpu.memory_space<semaphore_mem>>)
    %dma_wait3A_280 = arith.constant 2816 : i32
    %dma_wait3A_281 = tpu.memref_slice %arg5[%dma_wait3A_280] : memref<6400xi32, #tpu.memory_space<vmem>> -> memref<128xi32, #tpu.memory_space<vmem>>
    %dma_wait3A_282 = arith.constant 0 : i32
    %dma_wait3A_283 = arith.constant 0 : i32
    %dma_wait3A_284 = tpu.memref_slice %arg3[%dma_wait3A_282, %dma_wait3A_283] : memref<102000x128xf32, #tpu.memory_space<hbm>> -> memref<102000x128xf32, #tpu.memory_space<hbm>>
    tpu.wait_indirect_dma semaphore(%arg8 : memref<!tpu.dma_semaphore, #tpu.memory_space<semaphore_mem>>) src(%dma_wait3A_284 : memref<102000x128xf32, #tpu.memory_space<hbm>>) dst(%arg6 : memref<128x128xf32, #tpu.memory_space<vmem>>)
    %add3A_285 = arith.constant 2816 : i32
    %add3A_286 = arith.addi %mul3A_2, %add3A_285 : i32
    "tpu.region"() ({
      %run_scoped3A = tpu.sem_alloc : memref<!tpu.dma_semaphore, #tpu.memory_space<semaphore_mem>>
      %dma_start3A_606 = arith.constant 0 : i32
      %dma_start3A_607 = tpu.memref_slice %arg4[%add3A_286, %dma_start3A_606] : memref<204800x128xf32, #tpu.memory_space<hbm>> -> memref<128x128xf32, #tpu.memory_space<hbm>>
      %dma_start3A_608 = arith.constant 0 : i32
      %dma_start3A_609 = tpu.memref_slice %arg4[%add3A_286, %dma_start3A_608] : memref<204800x128xf32, #tpu.memory_space<hbm>> -> memref<128x128xf32, #tpu.memory_space<hbm>>
      tpu.enqueue_dma source(%arg6 : memref<128x128xf32, #tpu.memory_space<vmem>>) target(%dma_start3A_609 : memref<128x128xf32, #tpu.memory_space<hbm>>) target_semaphore(%run_scoped3A : memref<!tpu.dma_semaphore, #tpu.memory_space<semaphore_mem>>)
      %dma_wait3A_610 = arith.constant 0 : i32
      %dma_wait3A_611 = tpu.memref_slice %arg4[%add3A_286, %dma_wait3A_610] : memref<204800x128xf32, #tpu.memory_space<hbm>> -> memref<128x128xf32, #tpu.memory_space<hbm>>
      %dma_wait3A_612 = arith.constant 0 : i32
      %dma_wait3A_613 = tpu.memref_slice %arg4[%add3A_286, %dma_wait3A_612] : memref<204800x128xf32, #tpu.memory_space<hbm>> -> memref<128x128xf32, #tpu.memory_space<hbm>>
      tpu.wait_dma2 semaphore(%run_scoped3A : memref<!tpu.dma_semaphore, #tpu.memory_space<semaphore_mem>>) src(%arg6 : memref<128x128xf32, #tpu.memory_space<vmem>>) dst(%dma_wait3A_613 : memref<128x128xf32, #tpu.memory_space<hbm>>)
      tpu.yield
    }) : () -> ()
    %dma_start3A_287 = arith.constant 3072 : i32
    %dma_start3A_288 = tpu.memref_slice %arg5[%dma_start3A_287] : memref<6400xi32, #tpu.memory_space<vmem>> -> memref<128xi32, #tpu.memory_space<vmem>>
    %dma_start3A_289 = arith.constant 0 : i32
    %dma_start3A_290 = arith.constant 0 : i32
    %dma_start3A_291 = tpu.memref_slice %arg3[%dma_start3A_289, %dma_start3A_290] : memref<102000x128xf32, #tpu.memory_space<hbm>> -> memref<102000x128xf32, #tpu.memory_space<hbm>>
    tpu.enqueue_indirect_dma source(%dma_start3A_291 : memref<102000x128xf32, #tpu.memory_space<hbm>>) target(%arg6 : memref<128x128xf32, #tpu.memory_space<vmem>>) offsets(%dma_start3A_288 : memref<128xi32, #tpu.memory_space<vmem>>) semaphore(%arg8 : memref<!tpu.dma_semaphore, #tpu.memory_space<semaphore_mem>>)
    %dma_wait3A_292 = arith.constant 2944 : i32
    %dma_wait3A_293 = tpu.memref_slice %arg5[%dma_wait3A_292] : memref<6400xi32, #tpu.memory_space<vmem>> -> memref<128xi32, #tpu.memory_space<vmem>>
    %dma_wait3A_294 = arith.constant 0 : i32
    %dma_wait3A_295 = arith.constant 0 : i32
    %dma_wait3A_296 = tpu.memref_slice %arg3[%dma_wait3A_294, %dma_wait3A_295] : memref<102000x128xf32, #tpu.memory_space<hbm>> -> memref<102000x128xf32, #tpu.memory_space<hbm>>
    tpu.wait_indirect_dma semaphore(%arg9 : memref<!tpu.dma_semaphore, #tpu.memory_space<semaphore_mem>>) src(%dma_wait3A_296 : memref<102000x128xf32, #tpu.memory_space<hbm>>) dst(%arg7 : memref<128x128xf32, #tpu.memory_space<vmem>>)
    %add3A_297 = arith.constant 2944 : i32
    %add3A_298 = arith.addi %mul3A_2, %add3A_297 : i32
    "tpu.region"() ({
      %run_scoped3A = tpu.sem_alloc : memref<!tpu.dma_semaphore, #tpu.memory_space<semaphore_mem>>
      %dma_start3A_606 = arith.constant 0 : i32
      %dma_start3A_607 = tpu.memref_slice %arg4[%add3A_298, %dma_start3A_606] : memref<204800x128xf32, #tpu.memory_space<hbm>> -> memref<128x128xf32, #tpu.memory_space<hbm>>
      %dma_start3A_608 = arith.constant 0 : i32
      %dma_start3A_609 = tpu.memref_slice %arg4[%add3A_298, %dma_start3A_608] : memref<204800x128xf32, #tpu.memory_space<hbm>> -> memref<128x128xf32, #tpu.memory_space<hbm>>
      tpu.enqueue_dma source(%arg7 : memref<128x128xf32, #tpu.memory_space<vmem>>) target(%dma_start3A_609 : memref<128x128xf32, #tpu.memory_space<hbm>>) target_semaphore(%run_scoped3A : memref<!tpu.dma_semaphore, #tpu.memory_space<semaphore_mem>>)
      %dma_wait3A_610 = arith.constant 0 : i32
      %dma_wait3A_611 = tpu.memref_slice %arg4[%add3A_298, %dma_wait3A_610] : memref<204800x128xf32, #tpu.memory_space<hbm>> -> memref<128x128xf32, #tpu.memory_space<hbm>>
      %dma_wait3A_612 = arith.constant 0 : i32
      %dma_wait3A_613 = tpu.memref_slice %arg4[%add3A_298, %dma_wait3A_612] : memref<204800x128xf32, #tpu.memory_space<hbm>> -> memref<128x128xf32, #tpu.memory_space<hbm>>
      tpu.wait_dma2 semaphore(%run_scoped3A : memref<!tpu.dma_semaphore, #tpu.memory_space<semaphore_mem>>) src(%arg7 : memref<128x128xf32, #tpu.memory_space<vmem>>) dst(%dma_wait3A_613 : memref<128x128xf32, #tpu.memory_space<hbm>>)
      tpu.yield
    }) : () -> ()
    %dma_start3A_299 = arith.constant 3200 : i32
    %dma_start3A_300 = tpu.memref_slice %arg5[%dma_start3A_299] : memref<6400xi32, #tpu.memory_space<vmem>> -> memref<128xi32, #tpu.memory_space<vmem>>
    %dma_start3A_301 = arith.constant 0 : i32
    %dma_start3A_302 = arith.constant 0 : i32
    %dma_start3A_303 = tpu.memref_slice %arg3[%dma_start3A_301, %dma_start3A_302] : memref<102000x128xf32, #tpu.memory_space<hbm>> -> memref<102000x128xf32, #tpu.memory_space<hbm>>
    tpu.enqueue_indirect_dma source(%dma_start3A_303 : memref<102000x128xf32, #tpu.memory_space<hbm>>) target(%arg7 : memref<128x128xf32, #tpu.memory_space<vmem>>) offsets(%dma_start3A_300 : memref<128xi32, #tpu.memory_space<vmem>>) semaphore(%arg9 : memref<!tpu.dma_semaphore, #tpu.memory_space<semaphore_mem>>)
    %dma_wait3A_304 = arith.constant 3072 : i32
    %dma_wait3A_305 = tpu.memref_slice %arg5[%dma_wait3A_304] : memref<6400xi32, #tpu.memory_space<vmem>> -> memref<128xi32, #tpu.memory_space<vmem>>
    %dma_wait3A_306 = arith.constant 0 : i32
    %dma_wait3A_307 = arith.constant 0 : i32
    %dma_wait3A_308 = tpu.memref_slice %arg3[%dma_wait3A_306, %dma_wait3A_307] : memref<102000x128xf32, #tpu.memory_space<hbm>> -> memref<102000x128xf32, #tpu.memory_space<hbm>>
    tpu.wait_indirect_dma semaphore(%arg8 : memref<!tpu.dma_semaphore, #tpu.memory_space<semaphore_mem>>) src(%dma_wait3A_308 : memref<102000x128xf32, #tpu.memory_space<hbm>>) dst(%arg6 : memref<128x128xf32, #tpu.memory_space<vmem>>)
    %add3A_309 = arith.constant 3072 : i32
    %add3A_310 = arith.addi %mul3A_2, %add3A_309 : i32
    "tpu.region"() ({
      %run_scoped3A = tpu.sem_alloc : memref<!tpu.dma_semaphore, #tpu.memory_space<semaphore_mem>>
      %dma_start3A_606 = arith.constant 0 : i32
      %dma_start3A_607 = tpu.memref_slice %arg4[%add3A_310, %dma_start3A_606] : memref<204800x128xf32, #tpu.memory_space<hbm>> -> memref<128x128xf32, #tpu.memory_space<hbm>>
      %dma_start3A_608 = arith.constant 0 : i32
      %dma_start3A_609 = tpu.memref_slice %arg4[%add3A_310, %dma_start3A_608] : memref<204800x128xf32, #tpu.memory_space<hbm>> -> memref<128x128xf32, #tpu.memory_space<hbm>>
      tpu.enqueue_dma source(%arg6 : memref<128x128xf32, #tpu.memory_space<vmem>>) target(%dma_start3A_609 : memref<128x128xf32, #tpu.memory_space<hbm>>) target_semaphore(%run_scoped3A : memref<!tpu.dma_semaphore, #tpu.memory_space<semaphore_mem>>)
      %dma_wait3A_610 = arith.constant 0 : i32
      %dma_wait3A_611 = tpu.memref_slice %arg4[%add3A_310, %dma_wait3A_610] : memref<204800x128xf32, #tpu.memory_space<hbm>> -> memref<128x128xf32, #tpu.memory_space<hbm>>
      %dma_wait3A_612 = arith.constant 0 : i32
      %dma_wait3A_613 = tpu.memref_slice %arg4[%add3A_310, %dma_wait3A_612] : memref<204800x128xf32, #tpu.memory_space<hbm>> -> memref<128x128xf32, #tpu.memory_space<hbm>>
      tpu.wait_dma2 semaphore(%run_scoped3A : memref<!tpu.dma_semaphore, #tpu.memory_space<semaphore_mem>>) src(%arg6 : memref<128x128xf32, #tpu.memory_space<vmem>>) dst(%dma_wait3A_613 : memref<128x128xf32, #tpu.memory_space<hbm>>)
      tpu.yield
    }) : () -> ()
    %dma_start3A_311 = arith.constant 3328 : i32
    %dma_start3A_312 = tpu.memref_slice %arg5[%dma_start3A_311] : memref<6400xi32, #tpu.memory_space<vmem>> -> memref<128xi32, #tpu.memory_space<vmem>>
    %dma_start3A_313 = arith.constant 0 : i32
    %dma_start3A_314 = arith.constant 0 : i32
    %dma_start3A_315 = tpu.memref_slice %arg3[%dma_start3A_313, %dma_start3A_314] : memref<102000x128xf32, #tpu.memory_space<hbm>> -> memref<102000x128xf32, #tpu.memory_space<hbm>>
    tpu.enqueue_indirect_dma source(%dma_start3A_315 : memref<102000x128xf32, #tpu.memory_space<hbm>>) target(%arg6 : memref<128x128xf32, #tpu.memory_space<vmem>>) offsets(%dma_start3A_312 : memref<128xi32, #tpu.memory_space<vmem>>) semaphore(%arg8 : memref<!tpu.dma_semaphore, #tpu.memory_space<semaphore_mem>>)
    %dma_wait3A_316 = arith.constant 3200 : i32
    %dma_wait3A_317 = tpu.memref_slice %arg5[%dma_wait3A_316] : memref<6400xi32, #tpu.memory_space<vmem>> -> memref<128xi32, #tpu.memory_space<vmem>>
    %dma_wait3A_318 = arith.constant 0 : i32
    %dma_wait3A_319 = arith.constant 0 : i32
    %dma_wait3A_320 = tpu.memref_slice %arg3[%dma_wait3A_318, %dma_wait3A_319] : memref<102000x128xf32, #tpu.memory_space<hbm>> -> memref<102000x128xf32, #tpu.memory_space<hbm>>
    tpu.wait_indirect_dma semaphore(%arg9 : memref<!tpu.dma_semaphore, #tpu.memory_space<semaphore_mem>>) src(%dma_wait3A_320 : memref<102000x128xf32, #tpu.memory_space<hbm>>) dst(%arg7 : memref<128x128xf32, #tpu.memory_space<vmem>>)
    %add3A_321 = arith.constant 3200 : i32
    %add3A_322 = arith.addi %mul3A_2, %add3A_321 : i32
    "tpu.region"() ({
      %run_scoped3A = tpu.sem_alloc : memref<!tpu.dma_semaphore, #tpu.memory_space<semaphore_mem>>
      %dma_start3A_606 = arith.constant 0 : i32
      %dma_start3A_607 = tpu.memref_slice %arg4[%add3A_322, %dma_start3A_606] : memref<204800x128xf32, #tpu.memory_space<hbm>> -> memref<128x128xf32, #tpu.memory_space<hbm>>
      %dma_start3A_608 = arith.constant 0 : i32
      %dma_start3A_609 = tpu.memref_slice %arg4[%add3A_322, %dma_start3A_608] : memref<204800x128xf32, #tpu.memory_space<hbm>> -> memref<128x128xf32, #tpu.memory_space<hbm>>
      tpu.enqueue_dma source(%arg7 : memref<128x128xf32, #tpu.memory_space<vmem>>) target(%dma_start3A_609 : memref<128x128xf32, #tpu.memory_space<hbm>>) target_semaphore(%run_scoped3A : memref<!tpu.dma_semaphore, #tpu.memory_space<semaphore_mem>>)
      %dma_wait3A_610 = arith.constant 0 : i32
      %dma_wait3A_611 = tpu.memref_slice %arg4[%add3A_322, %dma_wait3A_610] : memref<204800x128xf32, #tpu.memory_space<hbm>> -> memref<128x128xf32, #tpu.memory_space<hbm>>
      %dma_wait3A_612 = arith.constant 0 : i32
      %dma_wait3A_613 = tpu.memref_slice %arg4[%add3A_322, %dma_wait3A_612] : memref<204800x128xf32, #tpu.memory_space<hbm>> -> memref<128x128xf32, #tpu.memory_space<hbm>>
      tpu.wait_dma2 semaphore(%run_scoped3A : memref<!tpu.dma_semaphore, #tpu.memory_space<semaphore_mem>>) src(%arg7 : memref<128x128xf32, #tpu.memory_space<vmem>>) dst(%dma_wait3A_613 : memref<128x128xf32, #tpu.memory_space<hbm>>)
      tpu.yield
    }) : () -> ()
    %dma_start3A_323 = arith.constant 3456 : i32
    %dma_start3A_324 = tpu.memref_slice %arg5[%dma_start3A_323] : memref<6400xi32, #tpu.memory_space<vmem>> -> memref<128xi32, #tpu.memory_space<vmem>>
    %dma_start3A_325 = arith.constant 0 : i32
    %dma_start3A_326 = arith.constant 0 : i32
    %dma_start3A_327 = tpu.memref_slice %arg3[%dma_start3A_325, %dma_start3A_326] : memref<102000x128xf32, #tpu.memory_space<hbm>> -> memref<102000x128xf32, #tpu.memory_space<hbm>>
    tpu.enqueue_indirect_dma source(%dma_start3A_327 : memref<102000x128xf32, #tpu.memory_space<hbm>>) target(%arg7 : memref<128x128xf32, #tpu.memory_space<vmem>>) offsets(%dma_start3A_324 : memref<128xi32, #tpu.memory_space<vmem>>) semaphore(%arg9 : memref<!tpu.dma_semaphore, #tpu.memory_space<semaphore_mem>>)
    %dma_wait3A_328 = arith.constant 3328 : i32
    %dma_wait3A_329 = tpu.memref_slice %arg5[%dma_wait3A_328] : memref<6400xi32, #tpu.memory_space<vmem>> -> memref<128xi32, #tpu.memory_space<vmem>>
    %dma_wait3A_330 = arith.constant 0 : i32
    %dma_wait3A_331 = arith.constant 0 : i32
    %dma_wait3A_332 = tpu.memref_slice %arg3[%dma_wait3A_330, %dma_wait3A_331] : memref<102000x128xf32, #tpu.memory_space<hbm>> -> memref<102000x128xf32, #tpu.memory_space<hbm>>
    tpu.wait_indirect_dma semaphore(%arg8 : memref<!tpu.dma_semaphore, #tpu.memory_space<semaphore_mem>>) src(%dma_wait3A_332 : memref<102000x128xf32, #tpu.memory_space<hbm>>) dst(%arg6 : memref<128x128xf32, #tpu.memory_space<vmem>>)
    %add3A_333 = arith.constant 3328 : i32
    %add3A_334 = arith.addi %mul3A_2, %add3A_333 : i32
    "tpu.region"() ({
      %run_scoped3A = tpu.sem_alloc : memref<!tpu.dma_semaphore, #tpu.memory_space<semaphore_mem>>
      %dma_start3A_606 = arith.constant 0 : i32
      %dma_start3A_607 = tpu.memref_slice %arg4[%add3A_334, %dma_start3A_606] : memref<204800x128xf32, #tpu.memory_space<hbm>> -> memref<128x128xf32, #tpu.memory_space<hbm>>
      %dma_start3A_608 = arith.constant 0 : i32
      %dma_start3A_609 = tpu.memref_slice %arg4[%add3A_334, %dma_start3A_608] : memref<204800x128xf32, #tpu.memory_space<hbm>> -> memref<128x128xf32, #tpu.memory_space<hbm>>
      tpu.enqueue_dma source(%arg6 : memref<128x128xf32, #tpu.memory_space<vmem>>) target(%dma_start3A_609 : memref<128x128xf32, #tpu.memory_space<hbm>>) target_semaphore(%run_scoped3A : memref<!tpu.dma_semaphore, #tpu.memory_space<semaphore_mem>>)
      %dma_wait3A_610 = arith.constant 0 : i32
      %dma_wait3A_611 = tpu.memref_slice %arg4[%add3A_334, %dma_wait3A_610] : memref<204800x128xf32, #tpu.memory_space<hbm>> -> memref<128x128xf32, #tpu.memory_space<hbm>>
      %dma_wait3A_612 = arith.constant 0 : i32
      %dma_wait3A_613 = tpu.memref_slice %arg4[%add3A_334, %dma_wait3A_612] : memref<204800x128xf32, #tpu.memory_space<hbm>> -> memref<128x128xf32, #tpu.memory_space<hbm>>
      tpu.wait_dma2 semaphore(%run_scoped3A : memref<!tpu.dma_semaphore, #tpu.memory_space<semaphore_mem>>) src(%arg6 : memref<128x128xf32, #tpu.memory_space<vmem>>) dst(%dma_wait3A_613 : memref<128x128xf32, #tpu.memory_space<hbm>>)
      tpu.yield
    }) : () -> ()
    %dma_start3A_335 = arith.constant 3584 : i32
    %dma_start3A_336 = tpu.memref_slice %arg5[%dma_start3A_335] : memref<6400xi32, #tpu.memory_space<vmem>> -> memref<128xi32, #tpu.memory_space<vmem>>
    %dma_start3A_337 = arith.constant 0 : i32
    %dma_start3A_338 = arith.constant 0 : i32
    %dma_start3A_339 = tpu.memref_slice %arg3[%dma_start3A_337, %dma_start3A_338] : memref<102000x128xf32, #tpu.memory_space<hbm>> -> memref<102000x128xf32, #tpu.memory_space<hbm>>
    tpu.enqueue_indirect_dma source(%dma_start3A_339 : memref<102000x128xf32, #tpu.memory_space<hbm>>) target(%arg6 : memref<128x128xf32, #tpu.memory_space<vmem>>) offsets(%dma_start3A_336 : memref<128xi32, #tpu.memory_space<vmem>>) semaphore(%arg8 : memref<!tpu.dma_semaphore, #tpu.memory_space<semaphore_mem>>)
    %dma_wait3A_340 = arith.constant 3456 : i32
    %dma_wait3A_341 = tpu.memref_slice %arg5[%dma_wait3A_340] : memref<6400xi32, #tpu.memory_space<vmem>> -> memref<128xi32, #tpu.memory_space<vmem>>
    %dma_wait3A_342 = arith.constant 0 : i32
    %dma_wait3A_343 = arith.constant 0 : i32
    %dma_wait3A_344 = tpu.memref_slice %arg3[%dma_wait3A_342, %dma_wait3A_343] : memref<102000x128xf32, #tpu.memory_space<hbm>> -> memref<102000x128xf32, #tpu.memory_space<hbm>>
    tpu.wait_indirect_dma semaphore(%arg9 : memref<!tpu.dma_semaphore, #tpu.memory_space<semaphore_mem>>) src(%dma_wait3A_344 : memref<102000x128xf32, #tpu.memory_space<hbm>>) dst(%arg7 : memref<128x128xf32, #tpu.memory_space<vmem>>)
    %add3A_345 = arith.constant 3456 : i32
    %add3A_346 = arith.addi %mul3A_2, %add3A_345 : i32
    "tpu.region"() ({
      %run_scoped3A = tpu.sem_alloc : memref<!tpu.dma_semaphore, #tpu.memory_space<semaphore_mem>>
      %dma_start3A_606 = arith.constant 0 : i32
      %dma_start3A_607 = tpu.memref_slice %arg4[%add3A_346, %dma_start3A_606] : memref<204800x128xf32, #tpu.memory_space<hbm>> -> memref<128x128xf32, #tpu.memory_space<hbm>>
      %dma_start3A_608 = arith.constant 0 : i32
      %dma_start3A_609 = tpu.memref_slice %arg4[%add3A_346, %dma_start3A_608] : memref<204800x128xf32, #tpu.memory_space<hbm>> -> memref<128x128xf32, #tpu.memory_space<hbm>>
      tpu.enqueue_dma source(%arg7 : memref<128x128xf32, #tpu.memory_space<vmem>>) target(%dma_start3A_609 : memref<128x128xf32, #tpu.memory_space<hbm>>) target_semaphore(%run_scoped3A : memref<!tpu.dma_semaphore, #tpu.memory_space<semaphore_mem>>)
      %dma_wait3A_610 = arith.constant 0 : i32
      %dma_wait3A_611 = tpu.memref_slice %arg4[%add3A_346, %dma_wait3A_610] : memref<204800x128xf32, #tpu.memory_space<hbm>> -> memref<128x128xf32, #tpu.memory_space<hbm>>
      %dma_wait3A_612 = arith.constant 0 : i32
      %dma_wait3A_613 = tpu.memref_slice %arg4[%add3A_346, %dma_wait3A_612] : memref<204800x128xf32, #tpu.memory_space<hbm>> -> memref<128x128xf32, #tpu.memory_space<hbm>>
      tpu.wait_dma2 semaphore(%run_scoped3A : memref<!tpu.dma_semaphore, #tpu.memory_space<semaphore_mem>>) src(%arg7 : memref<128x128xf32, #tpu.memory_space<vmem>>) dst(%dma_wait3A_613 : memref<128x128xf32, #tpu.memory_space<hbm>>)
      tpu.yield
    }) : () -> ()
    %dma_start3A_347 = arith.constant 3712 : i32
    %dma_start3A_348 = tpu.memref_slice %arg5[%dma_start3A_347] : memref<6400xi32, #tpu.memory_space<vmem>> -> memref<128xi32, #tpu.memory_space<vmem>>
    %dma_start3A_349 = arith.constant 0 : i32
    %dma_start3A_350 = arith.constant 0 : i32
    %dma_start3A_351 = tpu.memref_slice %arg3[%dma_start3A_349, %dma_start3A_350] : memref<102000x128xf32, #tpu.memory_space<hbm>> -> memref<102000x128xf32, #tpu.memory_space<hbm>>
    tpu.enqueue_indirect_dma source(%dma_start3A_351 : memref<102000x128xf32, #tpu.memory_space<hbm>>) target(%arg7 : memref<128x128xf32, #tpu.memory_space<vmem>>) offsets(%dma_start3A_348 : memref<128xi32, #tpu.memory_space<vmem>>) semaphore(%arg9 : memref<!tpu.dma_semaphore, #tpu.memory_space<semaphore_mem>>)
    %dma_wait3A_352 = arith.constant 3584 : i32
    %dma_wait3A_353 = tpu.memref_slice %arg5[%dma_wait3A_352] : memref<6400xi32, #tpu.memory_space<vmem>> -> memref<128xi32, #tpu.memory_space<vmem>>
    %dma_wait3A_354 = arith.constant 0 : i32
    %dma_wait3A_355 = arith.constant 0 : i32
    %dma_wait3A_356 = tpu.memref_slice %arg3[%dma_wait3A_354, %dma_wait3A_355] : memref<102000x128xf32, #tpu.memory_space<hbm>> -> memref<102000x128xf32, #tpu.memory_space<hbm>>
    tpu.wait_indirect_dma semaphore(%arg8 : memref<!tpu.dma_semaphore, #tpu.memory_space<semaphore_mem>>) src(%dma_wait3A_356 : memref<102000x128xf32, #tpu.memory_space<hbm>>) dst(%arg6 : memref<128x128xf32, #tpu.memory_space<vmem>>)
    %add3A_357 = arith.constant 3584 : i32
    %add3A_358 = arith.addi %mul3A_2, %add3A_357 : i32
    "tpu.region"() ({
      %run_scoped3A = tpu.sem_alloc : memref<!tpu.dma_semaphore, #tpu.memory_space<semaphore_mem>>
      %dma_start3A_606 = arith.constant 0 : i32
      %dma_start3A_607 = tpu.memref_slice %arg4[%add3A_358, %dma_start3A_606] : memref<204800x128xf32, #tpu.memory_space<hbm>> -> memref<128x128xf32, #tpu.memory_space<hbm>>
      %dma_start3A_608 = arith.constant 0 : i32
      %dma_start3A_609 = tpu.memref_slice %arg4[%add3A_358, %dma_start3A_608] : memref<204800x128xf32, #tpu.memory_space<hbm>> -> memref<128x128xf32, #tpu.memory_space<hbm>>
      tpu.enqueue_dma source(%arg6 : memref<128x128xf32, #tpu.memory_space<vmem>>) target(%dma_start3A_609 : memref<128x128xf32, #tpu.memory_space<hbm>>) target_semaphore(%run_scoped3A : memref<!tpu.dma_semaphore, #tpu.memory_space<semaphore_mem>>)
      %dma_wait3A_610 = arith.constant 0 : i32
      %dma_wait3A_611 = tpu.memref_slice %arg4[%add3A_358, %dma_wait3A_610] : memref<204800x128xf32, #tpu.memory_space<hbm>> -> memref<128x128xf32, #tpu.memory_space<hbm>>
      %dma_wait3A_612 = arith.constant 0 : i32
      %dma_wait3A_613 = tpu.memref_slice %arg4[%add3A_358, %dma_wait3A_612] : memref<204800x128xf32, #tpu.memory_space<hbm>> -> memref<128x128xf32, #tpu.memory_space<hbm>>
      tpu.wait_dma2 semaphore(%run_scoped3A : memref<!tpu.dma_semaphore, #tpu.memory_space<semaphore_mem>>) src(%arg6 : memref<128x128xf32, #tpu.memory_space<vmem>>) dst(%dma_wait3A_613 : memref<128x128xf32, #tpu.memory_space<hbm>>)
      tpu.yield
    }) : () -> ()
    %dma_start3A_359 = arith.constant 3840 : i32
    %dma_start3A_360 = tpu.memref_slice %arg5[%dma_start3A_359] : memref<6400xi32, #tpu.memory_space<vmem>> -> memref<128xi32, #tpu.memory_space<vmem>>
    %dma_start3A_361 = arith.constant 0 : i32
    %dma_start3A_362 = arith.constant 0 : i32
    %dma_start3A_363 = tpu.memref_slice %arg3[%dma_start3A_361, %dma_start3A_362] : memref<102000x128xf32, #tpu.memory_space<hbm>> -> memref<102000x128xf32, #tpu.memory_space<hbm>>
    tpu.enqueue_indirect_dma source(%dma_start3A_363 : memref<102000x128xf32, #tpu.memory_space<hbm>>) target(%arg6 : memref<128x128xf32, #tpu.memory_space<vmem>>) offsets(%dma_start3A_360 : memref<128xi32, #tpu.memory_space<vmem>>) semaphore(%arg8 : memref<!tpu.dma_semaphore, #tpu.memory_space<semaphore_mem>>)
    %dma_wait3A_364 = arith.constant 3712 : i32
    %dma_wait3A_365 = tpu.memref_slice %arg5[%dma_wait3A_364] : memref<6400xi32, #tpu.memory_space<vmem>> -> memref<128xi32, #tpu.memory_space<vmem>>
    %dma_wait3A_366 = arith.constant 0 : i32
    %dma_wait3A_367 = arith.constant 0 : i32
    %dma_wait3A_368 = tpu.memref_slice %arg3[%dma_wait3A_366, %dma_wait3A_367] : memref<102000x128xf32, #tpu.memory_space<hbm>> -> memref<102000x128xf32, #tpu.memory_space<hbm>>
    tpu.wait_indirect_dma semaphore(%arg9 : memref<!tpu.dma_semaphore, #tpu.memory_space<semaphore_mem>>) src(%dma_wait3A_368 : memref<102000x128xf32, #tpu.memory_space<hbm>>) dst(%arg7 : memref<128x128xf32, #tpu.memory_space<vmem>>)
    %add3A_369 = arith.constant 3712 : i32
    %add3A_370 = arith.addi %mul3A_2, %add3A_369 : i32
    "tpu.region"() ({
      %run_scoped3A = tpu.sem_alloc : memref<!tpu.dma_semaphore, #tpu.memory_space<semaphore_mem>>
      %dma_start3A_606 = arith.constant 0 : i32
      %dma_start3A_607 = tpu.memref_slice %arg4[%add3A_370, %dma_start3A_606] : memref<204800x128xf32, #tpu.memory_space<hbm>> -> memref<128x128xf32, #tpu.memory_space<hbm>>
      %dma_start3A_608 = arith.constant 0 : i32
      %dma_start3A_609 = tpu.memref_slice %arg4[%add3A_370, %dma_start3A_608] : memref<204800x128xf32, #tpu.memory_space<hbm>> -> memref<128x128xf32, #tpu.memory_space<hbm>>
      tpu.enqueue_dma source(%arg7 : memref<128x128xf32, #tpu.memory_space<vmem>>) target(%dma_start3A_609 : memref<128x128xf32, #tpu.memory_space<hbm>>) target_semaphore(%run_scoped3A : memref<!tpu.dma_semaphore, #tpu.memory_space<semaphore_mem>>)
      %dma_wait3A_610 = arith.constant 0 : i32
      %dma_wait3A_611 = tpu.memref_slice %arg4[%add3A_370, %dma_wait3A_610] : memref<204800x128xf32, #tpu.memory_space<hbm>> -> memref<128x128xf32, #tpu.memory_space<hbm>>
      %dma_wait3A_612 = arith.constant 0 : i32
      %dma_wait3A_613 = tpu.memref_slice %arg4[%add3A_370, %dma_wait3A_612] : memref<204800x128xf32, #tpu.memory_space<hbm>> -> memref<128x128xf32, #tpu.memory_space<hbm>>
      tpu.wait_dma2 semaphore(%run_scoped3A : memref<!tpu.dma_semaphore, #tpu.memory_space<semaphore_mem>>) src(%arg7 : memref<128x128xf32, #tpu.memory_space<vmem>>) dst(%dma_wait3A_613 : memref<128x128xf32, #tpu.memory_space<hbm>>)
      tpu.yield
    }) : () -> ()
    %dma_start3A_371 = arith.constant 3968 : i32
    %dma_start3A_372 = tpu.memref_slice %arg5[%dma_start3A_371] : memref<6400xi32, #tpu.memory_space<vmem>> -> memref<128xi32, #tpu.memory_space<vmem>>
    %dma_start3A_373 = arith.constant 0 : i32
    %dma_start3A_374 = arith.constant 0 : i32
    %dma_start3A_375 = tpu.memref_slice %arg3[%dma_start3A_373, %dma_start3A_374] : memref<102000x128xf32, #tpu.memory_space<hbm>> -> memref<102000x128xf32, #tpu.memory_space<hbm>>
    tpu.enqueue_indirect_dma source(%dma_start3A_375 : memref<102000x128xf32, #tpu.memory_space<hbm>>) target(%arg7 : memref<128x128xf32, #tpu.memory_space<vmem>>) offsets(%dma_start3A_372 : memref<128xi32, #tpu.memory_space<vmem>>) semaphore(%arg9 : memref<!tpu.dma_semaphore, #tpu.memory_space<semaphore_mem>>)
    %dma_wait3A_376 = arith.constant 3840 : i32
    %dma_wait3A_377 = tpu.memref_slice %arg5[%dma_wait3A_376] : memref<6400xi32, #tpu.memory_space<vmem>> -> memref<128xi32, #tpu.memory_space<vmem>>
    %dma_wait3A_378 = arith.constant 0 : i32
    %dma_wait3A_379 = arith.constant 0 : i32
    %dma_wait3A_380 = tpu.memref_slice %arg3[%dma_wait3A_378, %dma_wait3A_379] : memref<102000x128xf32, #tpu.memory_space<hbm>> -> memref<102000x128xf32, #tpu.memory_space<hbm>>
    tpu.wait_indirect_dma semaphore(%arg8 : memref<!tpu.dma_semaphore, #tpu.memory_space<semaphore_mem>>) src(%dma_wait3A_380 : memref<102000x128xf32, #tpu.memory_space<hbm>>) dst(%arg6 : memref<128x128xf32, #tpu.memory_space<vmem>>)
    %add3A_381 = arith.constant 3840 : i32
    %add3A_382 = arith.addi %mul3A_2, %add3A_381 : i32
    "tpu.region"() ({
      %run_scoped3A = tpu.sem_alloc : memref<!tpu.dma_semaphore, #tpu.memory_space<semaphore_mem>>
      %dma_start3A_606 = arith.constant 0 : i32
      %dma_start3A_607 = tpu.memref_slice %arg4[%add3A_382, %dma_start3A_606] : memref<204800x128xf32, #tpu.memory_space<hbm>> -> memref<128x128xf32, #tpu.memory_space<hbm>>
      %dma_start3A_608 = arith.constant 0 : i32
      %dma_start3A_609 = tpu.memref_slice %arg4[%add3A_382, %dma_start3A_608] : memref<204800x128xf32, #tpu.memory_space<hbm>> -> memref<128x128xf32, #tpu.memory_space<hbm>>
      tpu.enqueue_dma source(%arg6 : memref<128x128xf32, #tpu.memory_space<vmem>>) target(%dma_start3A_609 : memref<128x128xf32, #tpu.memory_space<hbm>>) target_semaphore(%run_scoped3A : memref<!tpu.dma_semaphore, #tpu.memory_space<semaphore_mem>>)
      %dma_wait3A_610 = arith.constant 0 : i32
      %dma_wait3A_611 = tpu.memref_slice %arg4[%add3A_382, %dma_wait3A_610] : memref<204800x128xf32, #tpu.memory_space<hbm>> -> memref<128x128xf32, #tpu.memory_space<hbm>>
      %dma_wait3A_612 = arith.constant 0 : i32
      %dma_wait3A_613 = tpu.memref_slice %arg4[%add3A_382, %dma_wait3A_612] : memref<204800x128xf32, #tpu.memory_space<hbm>> -> memref<128x128xf32, #tpu.memory_space<hbm>>
      tpu.wait_dma2 semaphore(%run_scoped3A : memref<!tpu.dma_semaphore, #tpu.memory_space<semaphore_mem>>) src(%arg6 : memref<128x128xf32, #tpu.memory_space<vmem>>) dst(%dma_wait3A_613 : memref<128x128xf32, #tpu.memory_space<hbm>>)
      tpu.yield
    }) : () -> ()
    %dma_start3A_383 = arith.constant 4096 : i32
    %dma_start3A_384 = tpu.memref_slice %arg5[%dma_start3A_383] : memref<6400xi32, #tpu.memory_space<vmem>> -> memref<128xi32, #tpu.memory_space<vmem>>
    %dma_start3A_385 = arith.constant 0 : i32
    %dma_start3A_386 = arith.constant 0 : i32
    %dma_start3A_387 = tpu.memref_slice %arg3[%dma_start3A_385, %dma_start3A_386] : memref<102000x128xf32, #tpu.memory_space<hbm>> -> memref<102000x128xf32, #tpu.memory_space<hbm>>
    tpu.enqueue_indirect_dma source(%dma_start3A_387 : memref<102000x128xf32, #tpu.memory_space<hbm>>) target(%arg6 : memref<128x128xf32, #tpu.memory_space<vmem>>) offsets(%dma_start3A_384 : memref<128xi32, #tpu.memory_space<vmem>>) semaphore(%arg8 : memref<!tpu.dma_semaphore, #tpu.memory_space<semaphore_mem>>)
    %dma_wait3A_388 = arith.constant 3968 : i32
    %dma_wait3A_389 = tpu.memref_slice %arg5[%dma_wait3A_388] : memref<6400xi32, #tpu.memory_space<vmem>> -> memref<128xi32, #tpu.memory_space<vmem>>
    %dma_wait3A_390 = arith.constant 0 : i32
    %dma_wait3A_391 = arith.constant 0 : i32
    %dma_wait3A_392 = tpu.memref_slice %arg3[%dma_wait3A_390, %dma_wait3A_391] : memref<102000x128xf32, #tpu.memory_space<hbm>> -> memref<102000x128xf32, #tpu.memory_space<hbm>>
    tpu.wait_indirect_dma semaphore(%arg9 : memref<!tpu.dma_semaphore, #tpu.memory_space<semaphore_mem>>) src(%dma_wait3A_392 : memref<102000x128xf32, #tpu.memory_space<hbm>>) dst(%arg7 : memref<128x128xf32, #tpu.memory_space<vmem>>)
    %add3A_393 = arith.constant 3968 : i32
    %add3A_394 = arith.addi %mul3A_2, %add3A_393 : i32
    "tpu.region"() ({
      %run_scoped3A = tpu.sem_alloc : memref<!tpu.dma_semaphore, #tpu.memory_space<semaphore_mem>>
      %dma_start3A_606 = arith.constant 0 : i32
      %dma_start3A_607 = tpu.memref_slice %arg4[%add3A_394, %dma_start3A_606] : memref<204800x128xf32, #tpu.memory_space<hbm>> -> memref<128x128xf32, #tpu.memory_space<hbm>>
      %dma_start3A_608 = arith.constant 0 : i32
      %dma_start3A_609 = tpu.memref_slice %arg4[%add3A_394, %dma_start3A_608] : memref<204800x128xf32, #tpu.memory_space<hbm>> -> memref<128x128xf32, #tpu.memory_space<hbm>>
      tpu.enqueue_dma source(%arg7 : memref<128x128xf32, #tpu.memory_space<vmem>>) target(%dma_start3A_609 : memref<128x128xf32, #tpu.memory_space<hbm>>) target_semaphore(%run_scoped3A : memref<!tpu.dma_semaphore, #tpu.memory_space<semaphore_mem>>)
      %dma_wait3A_610 = arith.constant 0 : i32
      %dma_wait3A_611 = tpu.memref_slice %arg4[%add3A_394, %dma_wait3A_610] : memref<204800x128xf32, #tpu.memory_space<hbm>> -> memref<128x128xf32, #tpu.memory_space<hbm>>
      %dma_wait3A_612 = arith.constant 0 : i32
      %dma_wait3A_613 = tpu.memref_slice %arg4[%add3A_394, %dma_wait3A_612] : memref<204800x128xf32, #tpu.memory_space<hbm>> -> memref<128x128xf32, #tpu.memory_space<hbm>>
      tpu.wait_dma2 semaphore(%run_scoped3A : memref<!tpu.dma_semaphore, #tpu.memory_space<semaphore_mem>>) src(%arg7 : memref<128x128xf32, #tpu.memory_space<vmem>>) dst(%dma_wait3A_613 : memref<128x128xf32, #tpu.memory_space<hbm>>)
      tpu.yield
    }) : () -> ()
    %dma_start3A_395 = arith.constant 4224 : i32
    %dma_start3A_396 = tpu.memref_slice %arg5[%dma_start3A_395] : memref<6400xi32, #tpu.memory_space<vmem>> -> memref<128xi32, #tpu.memory_space<vmem>>
    %dma_start3A_397 = arith.constant 0 : i32
    %dma_start3A_398 = arith.constant 0 : i32
    %dma_start3A_399 = tpu.memref_slice %arg3[%dma_start3A_397, %dma_start3A_398] : memref<102000x128xf32, #tpu.memory_space<hbm>> -> memref<102000x128xf32, #tpu.memory_space<hbm>>
    tpu.enqueue_indirect_dma source(%dma_start3A_399 : memref<102000x128xf32, #tpu.memory_space<hbm>>) target(%arg7 : memref<128x128xf32, #tpu.memory_space<vmem>>) offsets(%dma_start3A_396 : memref<128xi32, #tpu.memory_space<vmem>>) semaphore(%arg9 : memref<!tpu.dma_semaphore, #tpu.memory_space<semaphore_mem>>)
    %dma_wait3A_400 = arith.constant 4096 : i32
    %dma_wait3A_401 = tpu.memref_slice %arg5[%dma_wait3A_400] : memref<6400xi32, #tpu.memory_space<vmem>> -> memref<128xi32, #tpu.memory_space<vmem>>
    %dma_wait3A_402 = arith.constant 0 : i32
    %dma_wait3A_403 = arith.constant 0 : i32
    %dma_wait3A_404 = tpu.memref_slice %arg3[%dma_wait3A_402, %dma_wait3A_403] : memref<102000x128xf32, #tpu.memory_space<hbm>> -> memref<102000x128xf32, #tpu.memory_space<hbm>>
    tpu.wait_indirect_dma semaphore(%arg8 : memref<!tpu.dma_semaphore, #tpu.memory_space<semaphore_mem>>) src(%dma_wait3A_404 : memref<102000x128xf32, #tpu.memory_space<hbm>>) dst(%arg6 : memref<128x128xf32, #tpu.memory_space<vmem>>)
    %add3A_405 = arith.constant 4096 : i32
    %add3A_406 = arith.addi %mul3A_2, %add3A_405 : i32
    "tpu.region"() ({
      %run_scoped3A = tpu.sem_alloc : memref<!tpu.dma_semaphore, #tpu.memory_space<semaphore_mem>>
      %dma_start3A_606 = arith.constant 0 : i32
      %dma_start3A_607 = tpu.memref_slice %arg4[%add3A_406, %dma_start3A_606] : memref<204800x128xf32, #tpu.memory_space<hbm>> -> memref<128x128xf32, #tpu.memory_space<hbm>>
      %dma_start3A_608 = arith.constant 0 : i32
      %dma_start3A_609 = tpu.memref_slice %arg4[%add3A_406, %dma_start3A_608] : memref<204800x128xf32, #tpu.memory_space<hbm>> -> memref<128x128xf32, #tpu.memory_space<hbm>>
      tpu.enqueue_dma source(%arg6 : memref<128x128xf32, #tpu.memory_space<vmem>>) target(%dma_start3A_609 : memref<128x128xf32, #tpu.memory_space<hbm>>) target_semaphore(%run_scoped3A : memref<!tpu.dma_semaphore, #tpu.memory_space<semaphore_mem>>)
      %dma_wait3A_610 = arith.constant 0 : i32
      %dma_wait3A_611 = tpu.memref_slice %arg4[%add3A_406, %dma_wait3A_610] : memref<204800x128xf32, #tpu.memory_space<hbm>> -> memref<128x128xf32, #tpu.memory_space<hbm>>
      %dma_wait3A_612 = arith.constant 0 : i32
      %dma_wait3A_613 = tpu.memref_slice %arg4[%add3A_406, %dma_wait3A_612] : memref<204800x128xf32, #tpu.memory_space<hbm>> -> memref<128x128xf32, #tpu.memory_space<hbm>>
      tpu.wait_dma2 semaphore(%run_scoped3A : memref<!tpu.dma_semaphore, #tpu.memory_space<semaphore_mem>>) src(%arg6 : memref<128x128xf32, #tpu.memory_space<vmem>>) dst(%dma_wait3A_613 : memref<128x128xf32, #tpu.memory_space<hbm>>)
      tpu.yield
    }) : () -> ()
    %dma_start3A_407 = arith.constant 4352 : i32
    %dma_start3A_408 = tpu.memref_slice %arg5[%dma_start3A_407] : memref<6400xi32, #tpu.memory_space<vmem>> -> memref<128xi32, #tpu.memory_space<vmem>>
    %dma_start3A_409 = arith.constant 0 : i32
    %dma_start3A_410 = arith.constant 0 : i32
    %dma_start3A_411 = tpu.memref_slice %arg3[%dma_start3A_409, %dma_start3A_410] : memref<102000x128xf32, #tpu.memory_space<hbm>> -> memref<102000x128xf32, #tpu.memory_space<hbm>>
    tpu.enqueue_indirect_dma source(%dma_start3A_411 : memref<102000x128xf32, #tpu.memory_space<hbm>>) target(%arg6 : memref<128x128xf32, #tpu.memory_space<vmem>>) offsets(%dma_start3A_408 : memref<128xi32, #tpu.memory_space<vmem>>) semaphore(%arg8 : memref<!tpu.dma_semaphore, #tpu.memory_space<semaphore_mem>>)
    %dma_wait3A_412 = arith.constant 4224 : i32
    %dma_wait3A_413 = tpu.memref_slice %arg5[%dma_wait3A_412] : memref<6400xi32, #tpu.memory_space<vmem>> -> memref<128xi32, #tpu.memory_space<vmem>>
    %dma_wait3A_414 = arith.constant 0 : i32
    %dma_wait3A_415 = arith.constant 0 : i32
    %dma_wait3A_416 = tpu.memref_slice %arg3[%dma_wait3A_414, %dma_wait3A_415] : memref<102000x128xf32, #tpu.memory_space<hbm>> -> memref<102000x128xf32, #tpu.memory_space<hbm>>
    tpu.wait_indirect_dma semaphore(%arg9 : memref<!tpu.dma_semaphore, #tpu.memory_space<semaphore_mem>>) src(%dma_wait3A_416 : memref<102000x128xf32, #tpu.memory_space<hbm>>) dst(%arg7 : memref<128x128xf32, #tpu.memory_space<vmem>>)
    %add3A_417 = arith.constant 4224 : i32
    %add3A_418 = arith.addi %mul3A_2, %add3A_417 : i32
    "tpu.region"() ({
      %run_scoped3A = tpu.sem_alloc : memref<!tpu.dma_semaphore, #tpu.memory_space<semaphore_mem>>
      %dma_start3A_606 = arith.constant 0 : i32
      %dma_start3A_607 = tpu.memref_slice %arg4[%add3A_418, %dma_start3A_606] : memref<204800x128xf32, #tpu.memory_space<hbm>> -> memref<128x128xf32, #tpu.memory_space<hbm>>
      %dma_start3A_608 = arith.constant 0 : i32
      %dma_start3A_609 = tpu.memref_slice %arg4[%add3A_418, %dma_start3A_608] : memref<204800x128xf32, #tpu.memory_space<hbm>> -> memref<128x128xf32, #tpu.memory_space<hbm>>
      tpu.enqueue_dma source(%arg7 : memref<128x128xf32, #tpu.memory_space<vmem>>) target(%dma_start3A_609 : memref<128x128xf32, #tpu.memory_space<hbm>>) target_semaphore(%run_scoped3A : memref<!tpu.dma_semaphore, #tpu.memory_space<semaphore_mem>>)
      %dma_wait3A_610 = arith.constant 0 : i32
      %dma_wait3A_611 = tpu.memref_slice %arg4[%add3A_418, %dma_wait3A_610] : memref<204800x128xf32, #tpu.memory_space<hbm>> -> memref<128x128xf32, #tpu.memory_space<hbm>>
      %dma_wait3A_612 = arith.constant 0 : i32
      %dma_wait3A_613 = tpu.memref_slice %arg4[%add3A_418, %dma_wait3A_612] : memref<204800x128xf32, #tpu.memory_space<hbm>> -> memref<128x128xf32, #tpu.memory_space<hbm>>
      tpu.wait_dma2 semaphore(%run_scoped3A : memref<!tpu.dma_semaphore, #tpu.memory_space<semaphore_mem>>) src(%arg7 : memref<128x128xf32, #tpu.memory_space<vmem>>) dst(%dma_wait3A_613 : memref<128x128xf32, #tpu.memory_space<hbm>>)
      tpu.yield
    }) : () -> ()
    %dma_start3A_419 = arith.constant 4480 : i32
    %dma_start3A_420 = tpu.memref_slice %arg5[%dma_start3A_419] : memref<6400xi32, #tpu.memory_space<vmem>> -> memref<128xi32, #tpu.memory_space<vmem>>
    %dma_start3A_421 = arith.constant 0 : i32
    %dma_start3A_422 = arith.constant 0 : i32
    %dma_start3A_423 = tpu.memref_slice %arg3[%dma_start3A_421, %dma_start3A_422] : memref<102000x128xf32, #tpu.memory_space<hbm>> -> memref<102000x128xf32, #tpu.memory_space<hbm>>
    tpu.enqueue_indirect_dma source(%dma_start3A_423 : memref<102000x128xf32, #tpu.memory_space<hbm>>) target(%arg7 : memref<128x128xf32, #tpu.memory_space<vmem>>) offsets(%dma_start3A_420 : memref<128xi32, #tpu.memory_space<vmem>>) semaphore(%arg9 : memref<!tpu.dma_semaphore, #tpu.memory_space<semaphore_mem>>)
    %dma_wait3A_424 = arith.constant 4352 : i32
    %dma_wait3A_425 = tpu.memref_slice %arg5[%dma_wait3A_424] : memref<6400xi32, #tpu.memory_space<vmem>> -> memref<128xi32, #tpu.memory_space<vmem>>
    %dma_wait3A_426 = arith.constant 0 : i32
    %dma_wait3A_427 = arith.constant 0 : i32
    %dma_wait3A_428 = tpu.memref_slice %arg3[%dma_wait3A_426, %dma_wait3A_427] : memref<102000x128xf32, #tpu.memory_space<hbm>> -> memref<102000x128xf32, #tpu.memory_space<hbm>>
    tpu.wait_indirect_dma semaphore(%arg8 : memref<!tpu.dma_semaphore, #tpu.memory_space<semaphore_mem>>) src(%dma_wait3A_428 : memref<102000x128xf32, #tpu.memory_space<hbm>>) dst(%arg6 : memref<128x128xf32, #tpu.memory_space<vmem>>)
    %add3A_429 = arith.constant 4352 : i32
    %add3A_430 = arith.addi %mul3A_2, %add3A_429 : i32
    "tpu.region"() ({
      %run_scoped3A = tpu.sem_alloc : memref<!tpu.dma_semaphore, #tpu.memory_space<semaphore_mem>>
      %dma_start3A_606 = arith.constant 0 : i32
      %dma_start3A_607 = tpu.memref_slice %arg4[%add3A_430, %dma_start3A_606] : memref<204800x128xf32, #tpu.memory_space<hbm>> -> memref<128x128xf32, #tpu.memory_space<hbm>>
      %dma_start3A_608 = arith.constant 0 : i32
      %dma_start3A_609 = tpu.memref_slice %arg4[%add3A_430, %dma_start3A_608] : memref<204800x128xf32, #tpu.memory_space<hbm>> -> memref<128x128xf32, #tpu.memory_space<hbm>>
      tpu.enqueue_dma source(%arg6 : memref<128x128xf32, #tpu.memory_space<vmem>>) target(%dma_start3A_609 : memref<128x128xf32, #tpu.memory_space<hbm>>) target_semaphore(%run_scoped3A : memref<!tpu.dma_semaphore, #tpu.memory_space<semaphore_mem>>)
      %dma_wait3A_610 = arith.constant 0 : i32
      %dma_wait3A_611 = tpu.memref_slice %arg4[%add3A_430, %dma_wait3A_610] : memref<204800x128xf32, #tpu.memory_space<hbm>> -> memref<128x128xf32, #tpu.memory_space<hbm>>
      %dma_wait3A_612 = arith.constant 0 : i32
      %dma_wait3A_613 = tpu.memref_slice %arg4[%add3A_430, %dma_wait3A_612] : memref<204800x128xf32, #tpu.memory_space<hbm>> -> memref<128x128xf32, #tpu.memory_space<hbm>>
      tpu.wait_dma2 semaphore(%run_scoped3A : memref<!tpu.dma_semaphore, #tpu.memory_space<semaphore_mem>>) src(%arg6 : memref<128x128xf32, #tpu.memory_space<vmem>>) dst(%dma_wait3A_613 : memref<128x128xf32, #tpu.memory_space<hbm>>)
      tpu.yield
    }) : () -> ()
    %dma_start3A_431 = arith.constant 4608 : i32
    %dma_start3A_432 = tpu.memref_slice %arg5[%dma_start3A_431] : memref<6400xi32, #tpu.memory_space<vmem>> -> memref<128xi32, #tpu.memory_space<vmem>>
    %dma_start3A_433 = arith.constant 0 : i32
    %dma_start3A_434 = arith.constant 0 : i32
    %dma_start3A_435 = tpu.memref_slice %arg3[%dma_start3A_433, %dma_start3A_434] : memref<102000x128xf32, #tpu.memory_space<hbm>> -> memref<102000x128xf32, #tpu.memory_space<hbm>>
    tpu.enqueue_indirect_dma source(%dma_start3A_435 : memref<102000x128xf32, #tpu.memory_space<hbm>>) target(%arg6 : memref<128x128xf32, #tpu.memory_space<vmem>>) offsets(%dma_start3A_432 : memref<128xi32, #tpu.memory_space<vmem>>) semaphore(%arg8 : memref<!tpu.dma_semaphore, #tpu.memory_space<semaphore_mem>>)
    %dma_wait3A_436 = arith.constant 4480 : i32
    %dma_wait3A_437 = tpu.memref_slice %arg5[%dma_wait3A_436] : memref<6400xi32, #tpu.memory_space<vmem>> -> memref<128xi32, #tpu.memory_space<vmem>>
    %dma_wait3A_438 = arith.constant 0 : i32
    %dma_wait3A_439 = arith.constant 0 : i32
    %dma_wait3A_440 = tpu.memref_slice %arg3[%dma_wait3A_438, %dma_wait3A_439] : memref<102000x128xf32, #tpu.memory_space<hbm>> -> memref<102000x128xf32, #tpu.memory_space<hbm>>
    tpu.wait_indirect_dma semaphore(%arg9 : memref<!tpu.dma_semaphore, #tpu.memory_space<semaphore_mem>>) src(%dma_wait3A_440 : memref<102000x128xf32, #tpu.memory_space<hbm>>) dst(%arg7 : memref<128x128xf32, #tpu.memory_space<vmem>>)
    %add3A_441 = arith.constant 4480 : i32
    %add3A_442 = arith.addi %mul3A_2, %add3A_441 : i32
    "tpu.region"() ({
      %run_scoped3A = tpu.sem_alloc : memref<!tpu.dma_semaphore, #tpu.memory_space<semaphore_mem>>
      %dma_start3A_606 = arith.constant 0 : i32
      %dma_start3A_607 = tpu.memref_slice %arg4[%add3A_442, %dma_start3A_606] : memref<204800x128xf32, #tpu.memory_space<hbm>> -> memref<128x128xf32, #tpu.memory_space<hbm>>
      %dma_start3A_608 = arith.constant 0 : i32
      %dma_start3A_609 = tpu.memref_slice %arg4[%add3A_442, %dma_start3A_608] : memref<204800x128xf32, #tpu.memory_space<hbm>> -> memref<128x128xf32, #tpu.memory_space<hbm>>
      tpu.enqueue_dma source(%arg7 : memref<128x128xf32, #tpu.memory_space<vmem>>) target(%dma_start3A_609 : memref<128x128xf32, #tpu.memory_space<hbm>>) target_semaphore(%run_scoped3A : memref<!tpu.dma_semaphore, #tpu.memory_space<semaphore_mem>>)
      %dma_wait3A_610 = arith.constant 0 : i32
      %dma_wait3A_611 = tpu.memref_slice %arg4[%add3A_442, %dma_wait3A_610] : memref<204800x128xf32, #tpu.memory_space<hbm>> -> memref<128x128xf32, #tpu.memory_space<hbm>>
      %dma_wait3A_612 = arith.constant 0 : i32
      %dma_wait3A_613 = tpu.memref_slice %arg4[%add3A_442, %dma_wait3A_612] : memref<204800x128xf32, #tpu.memory_space<hbm>> -> memref<128x128xf32, #tpu.memory_space<hbm>>
      tpu.wait_dma2 semaphore(%run_scoped3A : memref<!tpu.dma_semaphore, #tpu.memory_space<semaphore_mem>>) src(%arg7 : memref<128x128xf32, #tpu.memory_space<vmem>>) dst(%dma_wait3A_613 : memref<128x128xf32, #tpu.memory_space<hbm>>)
      tpu.yield
    }) : () -> ()
    %dma_start3A_443 = arith.constant 4736 : i32
    %dma_start3A_444 = tpu.memref_slice %arg5[%dma_start3A_443] : memref<6400xi32, #tpu.memory_space<vmem>> -> memref<128xi32, #tpu.memory_space<vmem>>
    %dma_start3A_445 = arith.constant 0 : i32
    %dma_start3A_446 = arith.constant 0 : i32
    %dma_start3A_447 = tpu.memref_slice %arg3[%dma_start3A_445, %dma_start3A_446] : memref<102000x128xf32, #tpu.memory_space<hbm>> -> memref<102000x128xf32, #tpu.memory_space<hbm>>
    tpu.enqueue_indirect_dma source(%dma_start3A_447 : memref<102000x128xf32, #tpu.memory_space<hbm>>) target(%arg7 : memref<128x128xf32, #tpu.memory_space<vmem>>) offsets(%dma_start3A_444 : memref<128xi32, #tpu.memory_space<vmem>>) semaphore(%arg9 : memref<!tpu.dma_semaphore, #tpu.memory_space<semaphore_mem>>)
    %dma_wait3A_448 = arith.constant 4608 : i32
    %dma_wait3A_449 = tpu.memref_slice %arg5[%dma_wait3A_448] : memref<6400xi32, #tpu.memory_space<vmem>> -> memref<128xi32, #tpu.memory_space<vmem>>
    %dma_wait3A_450 = arith.constant 0 : i32
    %dma_wait3A_451 = arith.constant 0 : i32
    %dma_wait3A_452 = tpu.memref_slice %arg3[%dma_wait3A_450, %dma_wait3A_451] : memref<102000x128xf32, #tpu.memory_space<hbm>> -> memref<102000x128xf32, #tpu.memory_space<hbm>>
    tpu.wait_indirect_dma semaphore(%arg8 : memref<!tpu.dma_semaphore, #tpu.memory_space<semaphore_mem>>) src(%dma_wait3A_452 : memref<102000x128xf32, #tpu.memory_space<hbm>>) dst(%arg6 : memref<128x128xf32, #tpu.memory_space<vmem>>)
    %add3A_453 = arith.constant 4608 : i32
    %add3A_454 = arith.addi %mul3A_2, %add3A_453 : i32
    "tpu.region"() ({
      %run_scoped3A = tpu.sem_alloc : memref<!tpu.dma_semaphore, #tpu.memory_space<semaphore_mem>>
      %dma_start3A_606 = arith.constant 0 : i32
      %dma_start3A_607 = tpu.memref_slice %arg4[%add3A_454, %dma_start3A_606] : memref<204800x128xf32, #tpu.memory_space<hbm>> -> memref<128x128xf32, #tpu.memory_space<hbm>>
      %dma_start3A_608 = arith.constant 0 : i32
      %dma_start3A_609 = tpu.memref_slice %arg4[%add3A_454, %dma_start3A_608] : memref<204800x128xf32, #tpu.memory_space<hbm>> -> memref<128x128xf32, #tpu.memory_space<hbm>>
      tpu.enqueue_dma source(%arg6 : memref<128x128xf32, #tpu.memory_space<vmem>>) target(%dma_start3A_609 : memref<128x128xf32, #tpu.memory_space<hbm>>) target_semaphore(%run_scoped3A : memref<!tpu.dma_semaphore, #tpu.memory_space<semaphore_mem>>)
      %dma_wait3A_610 = arith.constant 0 : i32
      %dma_wait3A_611 = tpu.memref_slice %arg4[%add3A_454, %dma_wait3A_610] : memref<204800x128xf32, #tpu.memory_space<hbm>> -> memref<128x128xf32, #tpu.memory_space<hbm>>
      %dma_wait3A_612 = arith.constant 0 : i32
      %dma_wait3A_613 = tpu.memref_slice %arg4[%add3A_454, %dma_wait3A_612] : memref<204800x128xf32, #tpu.memory_space<hbm>> -> memref<128x128xf32, #tpu.memory_space<hbm>>
      tpu.wait_dma2 semaphore(%run_scoped3A : memref<!tpu.dma_semaphore, #tpu.memory_space<semaphore_mem>>) src(%arg6 : memref<128x128xf32, #tpu.memory_space<vmem>>) dst(%dma_wait3A_613 : memref<128x128xf32, #tpu.memory_space<hbm>>)
      tpu.yield
    }) : () -> ()
    %dma_start3A_455 = arith.constant 4864 : i32
    %dma_start3A_456 = tpu.memref_slice %arg5[%dma_start3A_455] : memref<6400xi32, #tpu.memory_space<vmem>> -> memref<128xi32, #tpu.memory_space<vmem>>
    %dma_start3A_457 = arith.constant 0 : i32
    %dma_start3A_458 = arith.constant 0 : i32
    %dma_start3A_459 = tpu.memref_slice %arg3[%dma_start3A_457, %dma_start3A_458] : memref<102000x128xf32, #tpu.memory_space<hbm>> -> memref<102000x128xf32, #tpu.memory_space<hbm>>
    tpu.enqueue_indirect_dma source(%dma_start3A_459 : memref<102000x128xf32, #tpu.memory_space<hbm>>) target(%arg6 : memref<128x128xf32, #tpu.memory_space<vmem>>) offsets(%dma_start3A_456 : memref<128xi32, #tpu.memory_space<vmem>>) semaphore(%arg8 : memref<!tpu.dma_semaphore, #tpu.memory_space<semaphore_mem>>)
    %dma_wait3A_460 = arith.constant 4736 : i32
    %dma_wait3A_461 = tpu.memref_slice %arg5[%dma_wait3A_460] : memref<6400xi32, #tpu.memory_space<vmem>> -> memref<128xi32, #tpu.memory_space<vmem>>
    %dma_wait3A_462 = arith.constant 0 : i32
    %dma_wait3A_463 = arith.constant 0 : i32
    %dma_wait3A_464 = tpu.memref_slice %arg3[%dma_wait3A_462, %dma_wait3A_463] : memref<102000x128xf32, #tpu.memory_space<hbm>> -> memref<102000x128xf32, #tpu.memory_space<hbm>>
    tpu.wait_indirect_dma semaphore(%arg9 : memref<!tpu.dma_semaphore, #tpu.memory_space<semaphore_mem>>) src(%dma_wait3A_464 : memref<102000x128xf32, #tpu.memory_space<hbm>>) dst(%arg7 : memref<128x128xf32, #tpu.memory_space<vmem>>)
    %add3A_465 = arith.constant 4736 : i32
    %add3A_466 = arith.addi %mul3A_2, %add3A_465 : i32
    "tpu.region"() ({
      %run_scoped3A = tpu.sem_alloc : memref<!tpu.dma_semaphore, #tpu.memory_space<semaphore_mem>>
      %dma_start3A_606 = arith.constant 0 : i32
      %dma_start3A_607 = tpu.memref_slice %arg4[%add3A_466, %dma_start3A_606] : memref<204800x128xf32, #tpu.memory_space<hbm>> -> memref<128x128xf32, #tpu.memory_space<hbm>>
      %dma_start3A_608 = arith.constant 0 : i32
      %dma_start3A_609 = tpu.memref_slice %arg4[%add3A_466, %dma_start3A_608] : memref<204800x128xf32, #tpu.memory_space<hbm>> -> memref<128x128xf32, #tpu.memory_space<hbm>>
      tpu.enqueue_dma source(%arg7 : memref<128x128xf32, #tpu.memory_space<vmem>>) target(%dma_start3A_609 : memref<128x128xf32, #tpu.memory_space<hbm>>) target_semaphore(%run_scoped3A : memref<!tpu.dma_semaphore, #tpu.memory_space<semaphore_mem>>)
      %dma_wait3A_610 = arith.constant 0 : i32
      %dma_wait3A_611 = tpu.memref_slice %arg4[%add3A_466, %dma_wait3A_610] : memref<204800x128xf32, #tpu.memory_space<hbm>> -> memref<128x128xf32, #tpu.memory_space<hbm>>
      %dma_wait3A_612 = arith.constant 0 : i32
      %dma_wait3A_613 = tpu.memref_slice %arg4[%add3A_466, %dma_wait3A_612] : memref<204800x128xf32, #tpu.memory_space<hbm>> -> memref<128x128xf32, #tpu.memory_space<hbm>>
      tpu.wait_dma2 semaphore(%run_scoped3A : memref<!tpu.dma_semaphore, #tpu.memory_space<semaphore_mem>>) src(%arg7 : memref<128x128xf32, #tpu.memory_space<vmem>>) dst(%dma_wait3A_613 : memref<128x128xf32, #tpu.memory_space<hbm>>)
      tpu.yield
    }) : () -> ()
    %dma_start3A_467 = arith.constant 4992 : i32
    %dma_start3A_468 = tpu.memref_slice %arg5[%dma_start3A_467] : memref<6400xi32, #tpu.memory_space<vmem>> -> memref<128xi32, #tpu.memory_space<vmem>>
    %dma_start3A_469 = arith.constant 0 : i32
    %dma_start3A_470 = arith.constant 0 : i32
    %dma_start3A_471 = tpu.memref_slice %arg3[%dma_start3A_469, %dma_start3A_470] : memref<102000x128xf32, #tpu.memory_space<hbm>> -> memref<102000x128xf32, #tpu.memory_space<hbm>>
    tpu.enqueue_indirect_dma source(%dma_start3A_471 : memref<102000x128xf32, #tpu.memory_space<hbm>>) target(%arg7 : memref<128x128xf32, #tpu.memory_space<vmem>>) offsets(%dma_start3A_468 : memref<128xi32, #tpu.memory_space<vmem>>) semaphore(%arg9 : memref<!tpu.dma_semaphore, #tpu.memory_space<semaphore_mem>>)
    %dma_wait3A_472 = arith.constant 4864 : i32
    %dma_wait3A_473 = tpu.memref_slice %arg5[%dma_wait3A_472] : memref<6400xi32, #tpu.memory_space<vmem>> -> memref<128xi32, #tpu.memory_space<vmem>>
    %dma_wait3A_474 = arith.constant 0 : i32
    %dma_wait3A_475 = arith.constant 0 : i32
    %dma_wait3A_476 = tpu.memref_slice %arg3[%dma_wait3A_474, %dma_wait3A_475] : memref<102000x128xf32, #tpu.memory_space<hbm>> -> memref<102000x128xf32, #tpu.memory_space<hbm>>
    tpu.wait_indirect_dma semaphore(%arg8 : memref<!tpu.dma_semaphore, #tpu.memory_space<semaphore_mem>>) src(%dma_wait3A_476 : memref<102000x128xf32, #tpu.memory_space<hbm>>) dst(%arg6 : memref<128x128xf32, #tpu.memory_space<vmem>>)
    %add3A_477 = arith.constant 4864 : i32
    %add3A_478 = arith.addi %mul3A_2, %add3A_477 : i32
    "tpu.region"() ({
      %run_scoped3A = tpu.sem_alloc : memref<!tpu.dma_semaphore, #tpu.memory_space<semaphore_mem>>
      %dma_start3A_606 = arith.constant 0 : i32
      %dma_start3A_607 = tpu.memref_slice %arg4[%add3A_478, %dma_start3A_606] : memref<204800x128xf32, #tpu.memory_space<hbm>> -> memref<128x128xf32, #tpu.memory_space<hbm>>
      %dma_start3A_608 = arith.constant 0 : i32
      %dma_start3A_609 = tpu.memref_slice %arg4[%add3A_478, %dma_start3A_608] : memref<204800x128xf32, #tpu.memory_space<hbm>> -> memref<128x128xf32, #tpu.memory_space<hbm>>
      tpu.enqueue_dma source(%arg6 : memref<128x128xf32, #tpu.memory_space<vmem>>) target(%dma_start3A_609 : memref<128x128xf32, #tpu.memory_space<hbm>>) target_semaphore(%run_scoped3A : memref<!tpu.dma_semaphore, #tpu.memory_space<semaphore_mem>>)
      %dma_wait3A_610 = arith.constant 0 : i32
      %dma_wait3A_611 = tpu.memref_slice %arg4[%add3A_478, %dma_wait3A_610] : memref<204800x128xf32, #tpu.memory_space<hbm>> -> memref<128x128xf32, #tpu.memory_space<hbm>>
      %dma_wait3A_612 = arith.constant 0 : i32
      %dma_wait3A_613 = tpu.memref_slice %arg4[%add3A_478, %dma_wait3A_612] : memref<204800x128xf32, #tpu.memory_space<hbm>> -> memref<128x128xf32, #tpu.memory_space<hbm>>
      tpu.wait_dma2 semaphore(%run_scoped3A : memref<!tpu.dma_semaphore, #tpu.memory_space<semaphore_mem>>) src(%arg6 : memref<128x128xf32, #tpu.memory_space<vmem>>) dst(%dma_wait3A_613 : memref<128x128xf32, #tpu.memory_space<hbm>>)
      tpu.yield
    }) : () -> ()
    %dma_start3A_479 = arith.constant 5120 : i32
    %dma_start3A_480 = tpu.memref_slice %arg5[%dma_start3A_479] : memref<6400xi32, #tpu.memory_space<vmem>> -> memref<128xi32, #tpu.memory_space<vmem>>
    %dma_start3A_481 = arith.constant 0 : i32
    %dma_start3A_482 = arith.constant 0 : i32
    %dma_start3A_483 = tpu.memref_slice %arg3[%dma_start3A_481, %dma_start3A_482] : memref<102000x128xf32, #tpu.memory_space<hbm>> -> memref<102000x128xf32, #tpu.memory_space<hbm>>
    tpu.enqueue_indirect_dma source(%dma_start3A_483 : memref<102000x128xf32, #tpu.memory_space<hbm>>) target(%arg6 : memref<128x128xf32, #tpu.memory_space<vmem>>) offsets(%dma_start3A_480 : memref<128xi32, #tpu.memory_space<vmem>>) semaphore(%arg8 : memref<!tpu.dma_semaphore, #tpu.memory_space<semaphore_mem>>)
    %dma_wait3A_484 = arith.constant 4992 : i32
    %dma_wait3A_485 = tpu.memref_slice %arg5[%dma_wait3A_484] : memref<6400xi32, #tpu.memory_space<vmem>> -> memref<128xi32, #tpu.memory_space<vmem>>
    %dma_wait3A_486 = arith.constant 0 : i32
    %dma_wait3A_487 = arith.constant 0 : i32
    %dma_wait3A_488 = tpu.memref_slice %arg3[%dma_wait3A_486, %dma_wait3A_487] : memref<102000x128xf32, #tpu.memory_space<hbm>> -> memref<102000x128xf32, #tpu.memory_space<hbm>>
    tpu.wait_indirect_dma semaphore(%arg9 : memref<!tpu.dma_semaphore, #tpu.memory_space<semaphore_mem>>) src(%dma_wait3A_488 : memref<102000x128xf32, #tpu.memory_space<hbm>>) dst(%arg7 : memref<128x128xf32, #tpu.memory_space<vmem>>)
    %add3A_489 = arith.constant 4992 : i32
    %add3A_490 = arith.addi %mul3A_2, %add3A_489 : i32
    "tpu.region"() ({
      %run_scoped3A = tpu.sem_alloc : memref<!tpu.dma_semaphore, #tpu.memory_space<semaphore_mem>>
      %dma_start3A_606 = arith.constant 0 : i32
      %dma_start3A_607 = tpu.memref_slice %arg4[%add3A_490, %dma_start3A_606] : memref<204800x128xf32, #tpu.memory_space<hbm>> -> memref<128x128xf32, #tpu.memory_space<hbm>>
      %dma_start3A_608 = arith.constant 0 : i32
      %dma_start3A_609 = tpu.memref_slice %arg4[%add3A_490, %dma_start3A_608] : memref<204800x128xf32, #tpu.memory_space<hbm>> -> memref<128x128xf32, #tpu.memory_space<hbm>>
      tpu.enqueue_dma source(%arg7 : memref<128x128xf32, #tpu.memory_space<vmem>>) target(%dma_start3A_609 : memref<128x128xf32, #tpu.memory_space<hbm>>) target_semaphore(%run_scoped3A : memref<!tpu.dma_semaphore, #tpu.memory_space<semaphore_mem>>)
      %dma_wait3A_610 = arith.constant 0 : i32
      %dma_wait3A_611 = tpu.memref_slice %arg4[%add3A_490, %dma_wait3A_610] : memref<204800x128xf32, #tpu.memory_space<hbm>> -> memref<128x128xf32, #tpu.memory_space<hbm>>
      %dma_wait3A_612 = arith.constant 0 : i32
      %dma_wait3A_613 = tpu.memref_slice %arg4[%add3A_490, %dma_wait3A_612] : memref<204800x128xf32, #tpu.memory_space<hbm>> -> memref<128x128xf32, #tpu.memory_space<hbm>>
      tpu.wait_dma2 semaphore(%run_scoped3A : memref<!tpu.dma_semaphore, #tpu.memory_space<semaphore_mem>>) src(%arg7 : memref<128x128xf32, #tpu.memory_space<vmem>>) dst(%dma_wait3A_613 : memref<128x128xf32, #tpu.memory_space<hbm>>)
      tpu.yield
    }) : () -> ()
    %dma_start3A_491 = arith.constant 5248 : i32
    %dma_start3A_492 = tpu.memref_slice %arg5[%dma_start3A_491] : memref<6400xi32, #tpu.memory_space<vmem>> -> memref<128xi32, #tpu.memory_space<vmem>>
    %dma_start3A_493 = arith.constant 0 : i32
    %dma_start3A_494 = arith.constant 0 : i32
    %dma_start3A_495 = tpu.memref_slice %arg3[%dma_start3A_493, %dma_start3A_494] : memref<102000x128xf32, #tpu.memory_space<hbm>> -> memref<102000x128xf32, #tpu.memory_space<hbm>>
    tpu.enqueue_indirect_dma source(%dma_start3A_495 : memref<102000x128xf32, #tpu.memory_space<hbm>>) target(%arg7 : memref<128x128xf32, #tpu.memory_space<vmem>>) offsets(%dma_start3A_492 : memref<128xi32, #tpu.memory_space<vmem>>) semaphore(%arg9 : memref<!tpu.dma_semaphore, #tpu.memory_space<semaphore_mem>>)
    %dma_wait3A_496 = arith.constant 5120 : i32
    %dma_wait3A_497 = tpu.memref_slice %arg5[%dma_wait3A_496] : memref<6400xi32, #tpu.memory_space<vmem>> -> memref<128xi32, #tpu.memory_space<vmem>>
    %dma_wait3A_498 = arith.constant 0 : i32
    %dma_wait3A_499 = arith.constant 0 : i32
    %dma_wait3A_500 = tpu.memref_slice %arg3[%dma_wait3A_498, %dma_wait3A_499] : memref<102000x128xf32, #tpu.memory_space<hbm>> -> memref<102000x128xf32, #tpu.memory_space<hbm>>
    tpu.wait_indirect_dma semaphore(%arg8 : memref<!tpu.dma_semaphore, #tpu.memory_space<semaphore_mem>>) src(%dma_wait3A_500 : memref<102000x128xf32, #tpu.memory_space<hbm>>) dst(%arg6 : memref<128x128xf32, #tpu.memory_space<vmem>>)
    %add3A_501 = arith.constant 5120 : i32
    %add3A_502 = arith.addi %mul3A_2, %add3A_501 : i32
    "tpu.region"() ({
      %run_scoped3A = tpu.sem_alloc : memref<!tpu.dma_semaphore, #tpu.memory_space<semaphore_mem>>
      %dma_start3A_606 = arith.constant 0 : i32
      %dma_start3A_607 = tpu.memref_slice %arg4[%add3A_502, %dma_start3A_606] : memref<204800x128xf32, #tpu.memory_space<hbm>> -> memref<128x128xf32, #tpu.memory_space<hbm>>
      %dma_start3A_608 = arith.constant 0 : i32
      %dma_start3A_609 = tpu.memref_slice %arg4[%add3A_502, %dma_start3A_608] : memref<204800x128xf32, #tpu.memory_space<hbm>> -> memref<128x128xf32, #tpu.memory_space<hbm>>
      tpu.enqueue_dma source(%arg6 : memref<128x128xf32, #tpu.memory_space<vmem>>) target(%dma_start3A_609 : memref<128x128xf32, #tpu.memory_space<hbm>>) target_semaphore(%run_scoped3A : memref<!tpu.dma_semaphore, #tpu.memory_space<semaphore_mem>>)
      %dma_wait3A_610 = arith.constant 0 : i32
      %dma_wait3A_611 = tpu.memref_slice %arg4[%add3A_502, %dma_wait3A_610] : memref<204800x128xf32, #tpu.memory_space<hbm>> -> memref<128x128xf32, #tpu.memory_space<hbm>>
      %dma_wait3A_612 = arith.constant 0 : i32
      %dma_wait3A_613 = tpu.memref_slice %arg4[%add3A_502, %dma_wait3A_612] : memref<204800x128xf32, #tpu.memory_space<hbm>> -> memref<128x128xf32, #tpu.memory_space<hbm>>
      tpu.wait_dma2 semaphore(%run_scoped3A : memref<!tpu.dma_semaphore, #tpu.memory_space<semaphore_mem>>) src(%arg6 : memref<128x128xf32, #tpu.memory_space<vmem>>) dst(%dma_wait3A_613 : memref<128x128xf32, #tpu.memory_space<hbm>>)
      tpu.yield
    }) : () -> ()
    %dma_start3A_503 = arith.constant 5376 : i32
    %dma_start3A_504 = tpu.memref_slice %arg5[%dma_start3A_503] : memref<6400xi32, #tpu.memory_space<vmem>> -> memref<128xi32, #tpu.memory_space<vmem>>
    %dma_start3A_505 = arith.constant 0 : i32
    %dma_start3A_506 = arith.constant 0 : i32
    %dma_start3A_507 = tpu.memref_slice %arg3[%dma_start3A_505, %dma_start3A_506] : memref<102000x128xf32, #tpu.memory_space<hbm>> -> memref<102000x128xf32, #tpu.memory_space<hbm>>
    tpu.enqueue_indirect_dma source(%dma_start3A_507 : memref<102000x128xf32, #tpu.memory_space<hbm>>) target(%arg6 : memref<128x128xf32, #tpu.memory_space<vmem>>) offsets(%dma_start3A_504 : memref<128xi32, #tpu.memory_space<vmem>>) semaphore(%arg8 : memref<!tpu.dma_semaphore, #tpu.memory_space<semaphore_mem>>)
    %dma_wait3A_508 = arith.constant 5248 : i32
    %dma_wait3A_509 = tpu.memref_slice %arg5[%dma_wait3A_508] : memref<6400xi32, #tpu.memory_space<vmem>> -> memref<128xi32, #tpu.memory_space<vmem>>
    %dma_wait3A_510 = arith.constant 0 : i32
    %dma_wait3A_511 = arith.constant 0 : i32
    %dma_wait3A_512 = tpu.memref_slice %arg3[%dma_wait3A_510, %dma_wait3A_511] : memref<102000x128xf32, #tpu.memory_space<hbm>> -> memref<102000x128xf32, #tpu.memory_space<hbm>>
    tpu.wait_indirect_dma semaphore(%arg9 : memref<!tpu.dma_semaphore, #tpu.memory_space<semaphore_mem>>) src(%dma_wait3A_512 : memref<102000x128xf32, #tpu.memory_space<hbm>>) dst(%arg7 : memref<128x128xf32, #tpu.memory_space<vmem>>)
    %add3A_513 = arith.constant 5248 : i32
    %add3A_514 = arith.addi %mul3A_2, %add3A_513 : i32
    "tpu.region"() ({
      %run_scoped3A = tpu.sem_alloc : memref<!tpu.dma_semaphore, #tpu.memory_space<semaphore_mem>>
      %dma_start3A_606 = arith.constant 0 : i32
      %dma_start3A_607 = tpu.memref_slice %arg4[%add3A_514, %dma_start3A_606] : memref<204800x128xf32, #tpu.memory_space<hbm>> -> memref<128x128xf32, #tpu.memory_space<hbm>>
      %dma_start3A_608 = arith.constant 0 : i32
      %dma_start3A_609 = tpu.memref_slice %arg4[%add3A_514, %dma_start3A_608] : memref<204800x128xf32, #tpu.memory_space<hbm>> -> memref<128x128xf32, #tpu.memory_space<hbm>>
      tpu.enqueue_dma source(%arg7 : memref<128x128xf32, #tpu.memory_space<vmem>>) target(%dma_start3A_609 : memref<128x128xf32, #tpu.memory_space<hbm>>) target_semaphore(%run_scoped3A : memref<!tpu.dma_semaphore, #tpu.memory_space<semaphore_mem>>)
      %dma_wait3A_610 = arith.constant 0 : i32
      %dma_wait3A_611 = tpu.memref_slice %arg4[%add3A_514, %dma_wait3A_610] : memref<204800x128xf32, #tpu.memory_space<hbm>> -> memref<128x128xf32, #tpu.memory_space<hbm>>
      %dma_wait3A_612 = arith.constant 0 : i32
      %dma_wait3A_613 = tpu.memref_slice %arg4[%add3A_514, %dma_wait3A_612] : memref<204800x128xf32, #tpu.memory_space<hbm>> -> memref<128x128xf32, #tpu.memory_space<hbm>>
      tpu.wait_dma2 semaphore(%run_scoped3A : memref<!tpu.dma_semaphore, #tpu.memory_space<semaphore_mem>>) src(%arg7 : memref<128x128xf32, #tpu.memory_space<vmem>>) dst(%dma_wait3A_613 : memref<128x128xf32, #tpu.memory_space<hbm>>)
      tpu.yield
    }) : () -> ()
    %dma_start3A_515 = arith.constant 5504 : i32
    %dma_start3A_516 = tpu.memref_slice %arg5[%dma_start3A_515] : memref<6400xi32, #tpu.memory_space<vmem>> -> memref<128xi32, #tpu.memory_space<vmem>>
    %dma_start3A_517 = arith.constant 0 : i32
    %dma_start3A_518 = arith.constant 0 : i32
    %dma_start3A_519 = tpu.memref_slice %arg3[%dma_start3A_517, %dma_start3A_518] : memref<102000x128xf32, #tpu.memory_space<hbm>> -> memref<102000x128xf32, #tpu.memory_space<hbm>>
    tpu.enqueue_indirect_dma source(%dma_start3A_519 : memref<102000x128xf32, #tpu.memory_space<hbm>>) target(%arg7 : memref<128x128xf32, #tpu.memory_space<vmem>>) offsets(%dma_start3A_516 : memref<128xi32, #tpu.memory_space<vmem>>) semaphore(%arg9 : memref<!tpu.dma_semaphore, #tpu.memory_space<semaphore_mem>>)
    %dma_wait3A_520 = arith.constant 5376 : i32
    %dma_wait3A_521 = tpu.memref_slice %arg5[%dma_wait3A_520] : memref<6400xi32, #tpu.memory_space<vmem>> -> memref<128xi32, #tpu.memory_space<vmem>>
    %dma_wait3A_522 = arith.constant 0 : i32
    %dma_wait3A_523 = arith.constant 0 : i32
    %dma_wait3A_524 = tpu.memref_slice %arg3[%dma_wait3A_522, %dma_wait3A_523] : memref<102000x128xf32, #tpu.memory_space<hbm>> -> memref<102000x128xf32, #tpu.memory_space<hbm>>
    tpu.wait_indirect_dma semaphore(%arg8 : memref<!tpu.dma_semaphore, #tpu.memory_space<semaphore_mem>>) src(%dma_wait3A_524 : memref<102000x128xf32, #tpu.memory_space<hbm>>) dst(%arg6 : memref<128x128xf32, #tpu.memory_space<vmem>>)
    %add3A_525 = arith.constant 5376 : i32
    %add3A_526 = arith.addi %mul3A_2, %add3A_525 : i32
    "tpu.region"() ({
      %run_scoped3A = tpu.sem_alloc : memref<!tpu.dma_semaphore, #tpu.memory_space<semaphore_mem>>
      %dma_start3A_606 = arith.constant 0 : i32
      %dma_start3A_607 = tpu.memref_slice %arg4[%add3A_526, %dma_start3A_606] : memref<204800x128xf32, #tpu.memory_space<hbm>> -> memref<128x128xf32, #tpu.memory_space<hbm>>
      %dma_start3A_608 = arith.constant 0 : i32
      %dma_start3A_609 = tpu.memref_slice %arg4[%add3A_526, %dma_start3A_608] : memref<204800x128xf32, #tpu.memory_space<hbm>> -> memref<128x128xf32, #tpu.memory_space<hbm>>
      tpu.enqueue_dma source(%arg6 : memref<128x128xf32, #tpu.memory_space<vmem>>) target(%dma_start3A_609 : memref<128x128xf32, #tpu.memory_space<hbm>>) target_semaphore(%run_scoped3A : memref<!tpu.dma_semaphore, #tpu.memory_space<semaphore_mem>>)
      %dma_wait3A_610 = arith.constant 0 : i32
      %dma_wait3A_611 = tpu.memref_slice %arg4[%add3A_526, %dma_wait3A_610] : memref<204800x128xf32, #tpu.memory_space<hbm>> -> memref<128x128xf32, #tpu.memory_space<hbm>>
      %dma_wait3A_612 = arith.constant 0 : i32
      %dma_wait3A_613 = tpu.memref_slice %arg4[%add3A_526, %dma_wait3A_612] : memref<204800x128xf32, #tpu.memory_space<hbm>> -> memref<128x128xf32, #tpu.memory_space<hbm>>
      tpu.wait_dma2 semaphore(%run_scoped3A : memref<!tpu.dma_semaphore, #tpu.memory_space<semaphore_mem>>) src(%arg6 : memref<128x128xf32, #tpu.memory_space<vmem>>) dst(%dma_wait3A_613 : memref<128x128xf32, #tpu.memory_space<hbm>>)
      tpu.yield
    }) : () -> ()
    %dma_start3A_527 = arith.constant 5632 : i32
    %dma_start3A_528 = tpu.memref_slice %arg5[%dma_start3A_527] : memref<6400xi32, #tpu.memory_space<vmem>> -> memref<128xi32, #tpu.memory_space<vmem>>
    %dma_start3A_529 = arith.constant 0 : i32
    %dma_start3A_530 = arith.constant 0 : i32
    %dma_start3A_531 = tpu.memref_slice %arg3[%dma_start3A_529, %dma_start3A_530] : memref<102000x128xf32, #tpu.memory_space<hbm>> -> memref<102000x128xf32, #tpu.memory_space<hbm>>
    tpu.enqueue_indirect_dma source(%dma_start3A_531 : memref<102000x128xf32, #tpu.memory_space<hbm>>) target(%arg6 : memref<128x128xf32, #tpu.memory_space<vmem>>) offsets(%dma_start3A_528 : memref<128xi32, #tpu.memory_space<vmem>>) semaphore(%arg8 : memref<!tpu.dma_semaphore, #tpu.memory_space<semaphore_mem>>)
    %dma_wait3A_532 = arith.constant 5504 : i32
    %dma_wait3A_533 = tpu.memref_slice %arg5[%dma_wait3A_532] : memref<6400xi32, #tpu.memory_space<vmem>> -> memref<128xi32, #tpu.memory_space<vmem>>
    %dma_wait3A_534 = arith.constant 0 : i32
    %dma_wait3A_535 = arith.constant 0 : i32
    %dma_wait3A_536 = tpu.memref_slice %arg3[%dma_wait3A_534, %dma_wait3A_535] : memref<102000x128xf32, #tpu.memory_space<hbm>> -> memref<102000x128xf32, #tpu.memory_space<hbm>>
    tpu.wait_indirect_dma semaphore(%arg9 : memref<!tpu.dma_semaphore, #tpu.memory_space<semaphore_mem>>) src(%dma_wait3A_536 : memref<102000x128xf32, #tpu.memory_space<hbm>>) dst(%arg7 : memref<128x128xf32, #tpu.memory_space<vmem>>)
    %add3A_537 = arith.constant 5504 : i32
    %add3A_538 = arith.addi %mul3A_2, %add3A_537 : i32
    "tpu.region"() ({
      %run_scoped3A = tpu.sem_alloc : memref<!tpu.dma_semaphore, #tpu.memory_space<semaphore_mem>>
      %dma_start3A_606 = arith.constant 0 : i32
      %dma_start3A_607 = tpu.memref_slice %arg4[%add3A_538, %dma_start3A_606] : memref<204800x128xf32, #tpu.memory_space<hbm>> -> memref<128x128xf32, #tpu.memory_space<hbm>>
      %dma_start3A_608 = arith.constant 0 : i32
      %dma_start3A_609 = tpu.memref_slice %arg4[%add3A_538, %dma_start3A_608] : memref<204800x128xf32, #tpu.memory_space<hbm>> -> memref<128x128xf32, #tpu.memory_space<hbm>>
      tpu.enqueue_dma source(%arg7 : memref<128x128xf32, #tpu.memory_space<vmem>>) target(%dma_start3A_609 : memref<128x128xf32, #tpu.memory_space<hbm>>) target_semaphore(%run_scoped3A : memref<!tpu.dma_semaphore, #tpu.memory_space<semaphore_mem>>)
      %dma_wait3A_610 = arith.constant 0 : i32
      %dma_wait3A_611 = tpu.memref_slice %arg4[%add3A_538, %dma_wait3A_610] : memref<204800x128xf32, #tpu.memory_space<hbm>> -> memref<128x128xf32, #tpu.memory_space<hbm>>
      %dma_wait3A_612 = arith.constant 0 : i32
      %dma_wait3A_613 = tpu.memref_slice %arg4[%add3A_538, %dma_wait3A_612] : memref<204800x128xf32, #tpu.memory_space<hbm>> -> memref<128x128xf32, #tpu.memory_space<hbm>>
      tpu.wait_dma2 semaphore(%run_scoped3A : memref<!tpu.dma_semaphore, #tpu.memory_space<semaphore_mem>>) src(%arg7 : memref<128x128xf32, #tpu.memory_space<vmem>>) dst(%dma_wait3A_613 : memref<128x128xf32, #tpu.memory_space<hbm>>)
      tpu.yield
    }) : () -> ()
    %dma_start3A_539 = arith.constant 5760 : i32
    %dma_start3A_540 = tpu.memref_slice %arg5[%dma_start3A_539] : memref<6400xi32, #tpu.memory_space<vmem>> -> memref<128xi32, #tpu.memory_space<vmem>>
    %dma_start3A_541 = arith.constant 0 : i32
    %dma_start3A_542 = arith.constant 0 : i32
    %dma_start3A_543 = tpu.memref_slice %arg3[%dma_start3A_541, %dma_start3A_542] : memref<102000x128xf32, #tpu.memory_space<hbm>> -> memref<102000x128xf32, #tpu.memory_space<hbm>>
    tpu.enqueue_indirect_dma source(%dma_start3A_543 : memref<102000x128xf32, #tpu.memory_space<hbm>>) target(%arg7 : memref<128x128xf32, #tpu.memory_space<vmem>>) offsets(%dma_start3A_540 : memref<128xi32, #tpu.memory_space<vmem>>) semaphore(%arg9 : memref<!tpu.dma_semaphore, #tpu.memory_space<semaphore_mem>>)
    %dma_wait3A_544 = arith.constant 5632 : i32
    %dma_wait3A_545 = tpu.memref_slice %arg5[%dma_wait3A_544] : memref<6400xi32, #tpu.memory_space<vmem>> -> memref<128xi32, #tpu.memory_space<vmem>>
    %dma_wait3A_546 = arith.constant 0 : i32
    %dma_wait3A_547 = arith.constant 0 : i32
    %dma_wait3A_548 = tpu.memref_slice %arg3[%dma_wait3A_546, %dma_wait3A_547] : memref<102000x128xf32, #tpu.memory_space<hbm>> -> memref<102000x128xf32, #tpu.memory_space<hbm>>
    tpu.wait_indirect_dma semaphore(%arg8 : memref<!tpu.dma_semaphore, #tpu.memory_space<semaphore_mem>>) src(%dma_wait3A_548 : memref<102000x128xf32, #tpu.memory_space<hbm>>) dst(%arg6 : memref<128x128xf32, #tpu.memory_space<vmem>>)
    %add3A_549 = arith.constant 5632 : i32
    %add3A_550 = arith.addi %mul3A_2, %add3A_549 : i32
    "tpu.region"() ({
      %run_scoped3A = tpu.sem_alloc : memref<!tpu.dma_semaphore, #tpu.memory_space<semaphore_mem>>
      %dma_start3A_606 = arith.constant 0 : i32
      %dma_start3A_607 = tpu.memref_slice %arg4[%add3A_550, %dma_start3A_606] : memref<204800x128xf32, #tpu.memory_space<hbm>> -> memref<128x128xf32, #tpu.memory_space<hbm>>
      %dma_start3A_608 = arith.constant 0 : i32
      %dma_start3A_609 = tpu.memref_slice %arg4[%add3A_550, %dma_start3A_608] : memref<204800x128xf32, #tpu.memory_space<hbm>> -> memref<128x128xf32, #tpu.memory_space<hbm>>
      tpu.enqueue_dma source(%arg6 : memref<128x128xf32, #tpu.memory_space<vmem>>) target(%dma_start3A_609 : memref<128x128xf32, #tpu.memory_space<hbm>>) target_semaphore(%run_scoped3A : memref<!tpu.dma_semaphore, #tpu.memory_space<semaphore_mem>>)
      %dma_wait3A_610 = arith.constant 0 : i32
      %dma_wait3A_611 = tpu.memref_slice %arg4[%add3A_550, %dma_wait3A_610] : memref<204800x128xf32, #tpu.memory_space<hbm>> -> memref<128x128xf32, #tpu.memory_space<hbm>>
      %dma_wait3A_612 = arith.constant 0 : i32
      %dma_wait3A_613 = tpu.memref_slice %arg4[%add3A_550, %dma_wait3A_612] : memref<204800x128xf32, #tpu.memory_space<hbm>> -> memref<128x128xf32, #tpu.memory_space<hbm>>
      tpu.wait_dma2 semaphore(%run_scoped3A : memref<!tpu.dma_semaphore, #tpu.memory_space<semaphore_mem>>) src(%arg6 : memref<128x128xf32, #tpu.memory_space<vmem>>) dst(%dma_wait3A_613 : memref<128x128xf32, #tpu.memory_space<hbm>>)
      tpu.yield
    }) : () -> ()
    %dma_start3A_551 = arith.constant 5888 : i32
    %dma_start3A_552 = tpu.memref_slice %arg5[%dma_start3A_551] : memref<6400xi32, #tpu.memory_space<vmem>> -> memref<128xi32, #tpu.memory_space<vmem>>
    %dma_start3A_553 = arith.constant 0 : i32
    %dma_start3A_554 = arith.constant 0 : i32
    %dma_start3A_555 = tpu.memref_slice %arg3[%dma_start3A_553, %dma_start3A_554] : memref<102000x128xf32, #tpu.memory_space<hbm>> -> memref<102000x128xf32, #tpu.memory_space<hbm>>
    tpu.enqueue_indirect_dma source(%dma_start3A_555 : memref<102000x128xf32, #tpu.memory_space<hbm>>) target(%arg6 : memref<128x128xf32, #tpu.memory_space<vmem>>) offsets(%dma_start3A_552 : memref<128xi32, #tpu.memory_space<vmem>>) semaphore(%arg8 : memref<!tpu.dma_semaphore, #tpu.memory_space<semaphore_mem>>)
    %dma_wait3A_556 = arith.constant 5760 : i32
    %dma_wait3A_557 = tpu.memref_slice %arg5[%dma_wait3A_556] : memref<6400xi32, #tpu.memory_space<vmem>> -> memref<128xi32, #tpu.memory_space<vmem>>
    %dma_wait3A_558 = arith.constant 0 : i32
    %dma_wait3A_559 = arith.constant 0 : i32
    %dma_wait3A_560 = tpu.memref_slice %arg3[%dma_wait3A_558, %dma_wait3A_559] : memref<102000x128xf32, #tpu.memory_space<hbm>> -> memref<102000x128xf32, #tpu.memory_space<hbm>>
    tpu.wait_indirect_dma semaphore(%arg9 : memref<!tpu.dma_semaphore, #tpu.memory_space<semaphore_mem>>) src(%dma_wait3A_560 : memref<102000x128xf32, #tpu.memory_space<hbm>>) dst(%arg7 : memref<128x128xf32, #tpu.memory_space<vmem>>)
    %add3A_561 = arith.constant 5760 : i32
    %add3A_562 = arith.addi %mul3A_2, %add3A_561 : i32
    "tpu.region"() ({
      %run_scoped3A = tpu.sem_alloc : memref<!tpu.dma_semaphore, #tpu.memory_space<semaphore_mem>>
      %dma_start3A_606 = arith.constant 0 : i32
      %dma_start3A_607 = tpu.memref_slice %arg4[%add3A_562, %dma_start3A_606] : memref<204800x128xf32, #tpu.memory_space<hbm>> -> memref<128x128xf32, #tpu.memory_space<hbm>>
      %dma_start3A_608 = arith.constant 0 : i32
      %dma_start3A_609 = tpu.memref_slice %arg4[%add3A_562, %dma_start3A_608] : memref<204800x128xf32, #tpu.memory_space<hbm>> -> memref<128x128xf32, #tpu.memory_space<hbm>>
      tpu.enqueue_dma source(%arg7 : memref<128x128xf32, #tpu.memory_space<vmem>>) target(%dma_start3A_609 : memref<128x128xf32, #tpu.memory_space<hbm>>) target_semaphore(%run_scoped3A : memref<!tpu.dma_semaphore, #tpu.memory_space<semaphore_mem>>)
      %dma_wait3A_610 = arith.constant 0 : i32
      %dma_wait3A_611 = tpu.memref_slice %arg4[%add3A_562, %dma_wait3A_610] : memref<204800x128xf32, #tpu.memory_space<hbm>> -> memref<128x128xf32, #tpu.memory_space<hbm>>
      %dma_wait3A_612 = arith.constant 0 : i32
      %dma_wait3A_613 = tpu.memref_slice %arg4[%add3A_562, %dma_wait3A_612] : memref<204800x128xf32, #tpu.memory_space<hbm>> -> memref<128x128xf32, #tpu.memory_space<hbm>>
      tpu.wait_dma2 semaphore(%run_scoped3A : memref<!tpu.dma_semaphore, #tpu.memory_space<semaphore_mem>>) src(%arg7 : memref<128x128xf32, #tpu.memory_space<vmem>>) dst(%dma_wait3A_613 : memref<128x128xf32, #tpu.memory_space<hbm>>)
      tpu.yield
    }) : () -> ()
    %dma_start3A_563 = arith.constant 6016 : i32
    %dma_start3A_564 = tpu.memref_slice %arg5[%dma_start3A_563] : memref<6400xi32, #tpu.memory_space<vmem>> -> memref<128xi32, #tpu.memory_space<vmem>>
    %dma_start3A_565 = arith.constant 0 : i32
    %dma_start3A_566 = arith.constant 0 : i32
    %dma_start3A_567 = tpu.memref_slice %arg3[%dma_start3A_565, %dma_start3A_566] : memref<102000x128xf32, #tpu.memory_space<hbm>> -> memref<102000x128xf32, #tpu.memory_space<hbm>>
    tpu.enqueue_indirect_dma source(%dma_start3A_567 : memref<102000x128xf32, #tpu.memory_space<hbm>>) target(%arg7 : memref<128x128xf32, #tpu.memory_space<vmem>>) offsets(%dma_start3A_564 : memref<128xi32, #tpu.memory_space<vmem>>) semaphore(%arg9 : memref<!tpu.dma_semaphore, #tpu.memory_space<semaphore_mem>>)
    %dma_wait3A_568 = arith.constant 5888 : i32
    %dma_wait3A_569 = tpu.memref_slice %arg5[%dma_wait3A_568] : memref<6400xi32, #tpu.memory_space<vmem>> -> memref<128xi32, #tpu.memory_space<vmem>>
    %dma_wait3A_570 = arith.constant 0 : i32
    %dma_wait3A_571 = arith.constant 0 : i32
    %dma_wait3A_572 = tpu.memref_slice %arg3[%dma_wait3A_570, %dma_wait3A_571] : memref<102000x128xf32, #tpu.memory_space<hbm>> -> memref<102000x128xf32, #tpu.memory_space<hbm>>
    tpu.wait_indirect_dma semaphore(%arg8 : memref<!tpu.dma_semaphore, #tpu.memory_space<semaphore_mem>>) src(%dma_wait3A_572 : memref<102000x128xf32, #tpu.memory_space<hbm>>) dst(%arg6 : memref<128x128xf32, #tpu.memory_space<vmem>>)
    %add3A_573 = arith.constant 5888 : i32
    %add3A_574 = arith.addi %mul3A_2, %add3A_573 : i32
    "tpu.region"() ({
      %run_scoped3A = tpu.sem_alloc : memref<!tpu.dma_semaphore, #tpu.memory_space<semaphore_mem>>
      %dma_start3A_606 = arith.constant 0 : i32
      %dma_start3A_607 = tpu.memref_slice %arg4[%add3A_574, %dma_start3A_606] : memref<204800x128xf32, #tpu.memory_space<hbm>> -> memref<128x128xf32, #tpu.memory_space<hbm>>
      %dma_start3A_608 = arith.constant 0 : i32
      %dma_start3A_609 = tpu.memref_slice %arg4[%add3A_574, %dma_start3A_608] : memref<204800x128xf32, #tpu.memory_space<hbm>> -> memref<128x128xf32, #tpu.memory_space<hbm>>
      tpu.enqueue_dma source(%arg6 : memref<128x128xf32, #tpu.memory_space<vmem>>) target(%dma_start3A_609 : memref<128x128xf32, #tpu.memory_space<hbm>>) target_semaphore(%run_scoped3A : memref<!tpu.dma_semaphore, #tpu.memory_space<semaphore_mem>>)
      %dma_wait3A_610 = arith.constant 0 : i32
      %dma_wait3A_611 = tpu.memref_slice %arg4[%add3A_574, %dma_wait3A_610] : memref<204800x128xf32, #tpu.memory_space<hbm>> -> memref<128x128xf32, #tpu.memory_space<hbm>>
      %dma_wait3A_612 = arith.constant 0 : i32
      %dma_wait3A_613 = tpu.memref_slice %arg4[%add3A_574, %dma_wait3A_612] : memref<204800x128xf32, #tpu.memory_space<hbm>> -> memref<128x128xf32, #tpu.memory_space<hbm>>
      tpu.wait_dma2 semaphore(%run_scoped3A : memref<!tpu.dma_semaphore, #tpu.memory_space<semaphore_mem>>) src(%arg6 : memref<128x128xf32, #tpu.memory_space<vmem>>) dst(%dma_wait3A_613 : memref<128x128xf32, #tpu.memory_space<hbm>>)
      tpu.yield
    }) : () -> ()
    %dma_start3A_575 = arith.constant 6144 : i32
    %dma_start3A_576 = tpu.memref_slice %arg5[%dma_start3A_575] : memref<6400xi32, #tpu.memory_space<vmem>> -> memref<128xi32, #tpu.memory_space<vmem>>
    %dma_start3A_577 = arith.constant 0 : i32
    %dma_start3A_578 = arith.constant 0 : i32
    %dma_start3A_579 = tpu.memref_slice %arg3[%dma_start3A_577, %dma_start3A_578] : memref<102000x128xf32, #tpu.memory_space<hbm>> -> memref<102000x128xf32, #tpu.memory_space<hbm>>
    tpu.enqueue_indirect_dma source(%dma_start3A_579 : memref<102000x128xf32, #tpu.memory_space<hbm>>) target(%arg6 : memref<128x128xf32, #tpu.memory_space<vmem>>) offsets(%dma_start3A_576 : memref<128xi32, #tpu.memory_space<vmem>>) semaphore(%arg8 : memref<!tpu.dma_semaphore, #tpu.memory_space<semaphore_mem>>)
    %dma_wait3A_580 = arith.constant 6016 : i32
    %dma_wait3A_581 = tpu.memref_slice %arg5[%dma_wait3A_580] : memref<6400xi32, #tpu.memory_space<vmem>> -> memref<128xi32, #tpu.memory_space<vmem>>
    %dma_wait3A_582 = arith.constant 0 : i32
    %dma_wait3A_583 = arith.constant 0 : i32
    %dma_wait3A_584 = tpu.memref_slice %arg3[%dma_wait3A_582, %dma_wait3A_583] : memref<102000x128xf32, #tpu.memory_space<hbm>> -> memref<102000x128xf32, #tpu.memory_space<hbm>>
    tpu.wait_indirect_dma semaphore(%arg9 : memref<!tpu.dma_semaphore, #tpu.memory_space<semaphore_mem>>) src(%dma_wait3A_584 : memref<102000x128xf32, #tpu.memory_space<hbm>>) dst(%arg7 : memref<128x128xf32, #tpu.memory_space<vmem>>)
    %add3A_585 = arith.constant 6016 : i32
    %add3A_586 = arith.addi %mul3A_2, %add3A_585 : i32
    "tpu.region"() ({
      %run_scoped3A = tpu.sem_alloc : memref<!tpu.dma_semaphore, #tpu.memory_space<semaphore_mem>>
      %dma_start3A_606 = arith.constant 0 : i32
      %dma_start3A_607 = tpu.memref_slice %arg4[%add3A_586, %dma_start3A_606] : memref<204800x128xf32, #tpu.memory_space<hbm>> -> memref<128x128xf32, #tpu.memory_space<hbm>>
      %dma_start3A_608 = arith.constant 0 : i32
      %dma_start3A_609 = tpu.memref_slice %arg4[%add3A_586, %dma_start3A_608] : memref<204800x128xf32, #tpu.memory_space<hbm>> -> memref<128x128xf32, #tpu.memory_space<hbm>>
      tpu.enqueue_dma source(%arg7 : memref<128x128xf32, #tpu.memory_space<vmem>>) target(%dma_start3A_609 : memref<128x128xf32, #tpu.memory_space<hbm>>) target_semaphore(%run_scoped3A : memref<!tpu.dma_semaphore, #tpu.memory_space<semaphore_mem>>)
      %dma_wait3A_610 = arith.constant 0 : i32
      %dma_wait3A_611 = tpu.memref_slice %arg4[%add3A_586, %dma_wait3A_610] : memref<204800x128xf32, #tpu.memory_space<hbm>> -> memref<128x128xf32, #tpu.memory_space<hbm>>
      %dma_wait3A_612 = arith.constant 0 : i32
      %dma_wait3A_613 = tpu.memref_slice %arg4[%add3A_586, %dma_wait3A_612] : memref<204800x128xf32, #tpu.memory_space<hbm>> -> memref<128x128xf32, #tpu.memory_space<hbm>>
      tpu.wait_dma2 semaphore(%run_scoped3A : memref<!tpu.dma_semaphore, #tpu.memory_space<semaphore_mem>>) src(%arg7 : memref<128x128xf32, #tpu.memory_space<vmem>>) dst(%dma_wait3A_613 : memref<128x128xf32, #tpu.memory_space<hbm>>)
      tpu.yield
    }) : () -> ()
    %dma_start3A_587 = arith.constant 6272 : i32
    %dma_start3A_588 = tpu.memref_slice %arg5[%dma_start3A_587] : memref<6400xi32, #tpu.memory_space<vmem>> -> memref<128xi32, #tpu.memory_space<vmem>>
    %dma_start3A_589 = arith.constant 0 : i32
    %dma_start3A_590 = arith.constant 0 : i32
    %dma_start3A_591 = tpu.memref_slice %arg3[%dma_start3A_589, %dma_start3A_590] : memref<102000x128xf32, #tpu.memory_space<hbm>> -> memref<102000x128xf32, #tpu.memory_space<hbm>>
    tpu.enqueue_indirect_dma source(%dma_start3A_591 : memref<102000x128xf32, #tpu.memory_space<hbm>>) target(%arg7 : memref<128x128xf32, #tpu.memory_space<vmem>>) offsets(%dma_start3A_588 : memref<128xi32, #tpu.memory_space<vmem>>) semaphore(%arg9 : memref<!tpu.dma_semaphore, #tpu.memory_space<semaphore_mem>>)
    %dma_wait3A_592 = arith.constant 6144 : i32
    %dma_wait3A_593 = tpu.memref_slice %arg5[%dma_wait3A_592] : memref<6400xi32, #tpu.memory_space<vmem>> -> memref<128xi32, #tpu.memory_space<vmem>>
    %dma_wait3A_594 = arith.constant 0 : i32
    %dma_wait3A_595 = arith.constant 0 : i32
    %dma_wait3A_596 = tpu.memref_slice %arg3[%dma_wait3A_594, %dma_wait3A_595] : memref<102000x128xf32, #tpu.memory_space<hbm>> -> memref<102000x128xf32, #tpu.memory_space<hbm>>
    tpu.wait_indirect_dma semaphore(%arg8 : memref<!tpu.dma_semaphore, #tpu.memory_space<semaphore_mem>>) src(%dma_wait3A_596 : memref<102000x128xf32, #tpu.memory_space<hbm>>) dst(%arg6 : memref<128x128xf32, #tpu.memory_space<vmem>>)
    %add3A_597 = arith.constant 6144 : i32
    %add3A_598 = arith.addi %mul3A_2, %add3A_597 : i32
    "tpu.region"() ({
      %run_scoped3A = tpu.sem_alloc : memref<!tpu.dma_semaphore, #tpu.memory_space<semaphore_mem>>
      %dma_start3A_606 = arith.constant 0 : i32
      %dma_start3A_607 = tpu.memref_slice %arg4[%add3A_598, %dma_start3A_606] : memref<204800x128xf32, #tpu.memory_space<hbm>> -> memref<128x128xf32, #tpu.memory_space<hbm>>
      %dma_start3A_608 = arith.constant 0 : i32
      %dma_start3A_609 = tpu.memref_slice %arg4[%add3A_598, %dma_start3A_608] : memref<204800x128xf32, #tpu.memory_space<hbm>> -> memref<128x128xf32, #tpu.memory_space<hbm>>
      tpu.enqueue_dma source(%arg6 : memref<128x128xf32, #tpu.memory_space<vmem>>) target(%dma_start3A_609 : memref<128x128xf32, #tpu.memory_space<hbm>>) target_semaphore(%run_scoped3A : memref<!tpu.dma_semaphore, #tpu.memory_space<semaphore_mem>>)
      %dma_wait3A_610 = arith.constant 0 : i32
      %dma_wait3A_611 = tpu.memref_slice %arg4[%add3A_598, %dma_wait3A_610] : memref<204800x128xf32, #tpu.memory_space<hbm>> -> memref<128x128xf32, #tpu.memory_space<hbm>>
      %dma_wait3A_612 = arith.constant 0 : i32
      %dma_wait3A_613 = tpu.memref_slice %arg4[%add3A_598, %dma_wait3A_612] : memref<204800x128xf32, #tpu.memory_space<hbm>> -> memref<128x128xf32, #tpu.memory_space<hbm>>
      tpu.wait_dma2 semaphore(%run_scoped3A : memref<!tpu.dma_semaphore, #tpu.memory_space<semaphore_mem>>) src(%arg6 : memref<128x128xf32, #tpu.memory_space<vmem>>) dst(%dma_wait3A_613 : memref<128x128xf32, #tpu.memory_space<hbm>>)
      tpu.yield
    }) : () -> ()
    %dma_wait3A_599 = arith.constant 6272 : i32
    %dma_wait3A_600 = tpu.memref_slice %arg5[%dma_wait3A_599] : memref<6400xi32, #tpu.memory_space<vmem>> -> memref<128xi32, #tpu.memory_space<vmem>>
    %dma_wait3A_601 = arith.constant 0 : i32
    %dma_wait3A_602 = arith.constant 0 : i32
    %dma_wait3A_603 = tpu.memref_slice %arg3[%dma_wait3A_601, %dma_wait3A_602] : memref<102000x128xf32, #tpu.memory_space<hbm>> -> memref<102000x128xf32, #tpu.memory_space<hbm>>
    tpu.wait_indirect_dma semaphore(%arg9 : memref<!tpu.dma_semaphore, #tpu.memory_space<semaphore_mem>>) src(%dma_wait3A_603 : memref<102000x128xf32, #tpu.memory_space<hbm>>) dst(%arg7 : memref<128x128xf32, #tpu.memory_space<vmem>>)
    %add3A_604 = arith.constant 6272 : i32
    %add3A_605 = arith.addi %mul3A_2, %add3A_604 : i32
    "tpu.region"() ({
      %run_scoped3A = tpu.sem_alloc : memref<!tpu.dma_semaphore, #tpu.memory_space<semaphore_mem>>
      %dma_start3A_606 = arith.constant 0 : i32
      %dma_start3A_607 = tpu.memref_slice %arg4[%add3A_605, %dma_start3A_606] : memref<204800x128xf32, #tpu.memory_space<hbm>> -> memref<128x128xf32, #tpu.memory_space<hbm>>
      %dma_start3A_608 = arith.constant 0 : i32
      %dma_start3A_609 = tpu.memref_slice %arg4[%add3A_605, %dma_start3A_608] : memref<204800x128xf32, #tpu.memory_space<hbm>> -> memref<128x128xf32, #tpu.memory_space<hbm>>
      tpu.enqueue_dma source(%arg7 : memref<128x128xf32, #tpu.memory_space<vmem>>) target(%dma_start3A_609 : memref<128x128xf32, #tpu.memory_space<hbm>>) target_semaphore(%run_scoped3A : memref<!tpu.dma_semaphore, #tpu.memory_space<semaphore_mem>>)
      %dma_wait3A_610 = arith.constant 0 : i32
      %dma_wait3A_611 = tpu.memref_slice %arg4[%add3A_605, %dma_wait3A_610] : memref<204800x128xf32, #tpu.memory_space<hbm>> -> memref<128x128xf32, #tpu.memory_space<hbm>>
      %dma_wait3A_612 = arith.constant 0 : i32
      %dma_wait3A_613 = tpu.memref_slice %arg4[%add3A_605, %dma_wait3A_612] : memref<204800x128xf32, #tpu.memory_space<hbm>> -> memref<128x128xf32, #tpu.memory_space<hbm>>
      tpu.wait_dma2 semaphore(%run_scoped3A : memref<!tpu.dma_semaphore, #tpu.memory_space<semaphore_mem>>) src(%arg7 : memref<128x128xf32, #tpu.memory_space<vmem>>) dst(%dma_wait3A_613 : memref<128x128xf32, #tpu.memory_space<hbm>>)
      tpu.yield
    }) : () -> ()
    return
  }
}

module attributes {stable_mosaic.version = 14 : i64} {
  func.func @_tc_combine_kernel(%arg0: i32, %arg1: memref<1x2048x1xi32, #tpu.memory_space<vmem>>, %arg2: memref<1x2048x4xf32, #tpu.memory_space<vmem>>, %arg3: memref<1x2048x128xf32, #tpu.memory_space<vmem>>, %arg4: memref<4x256xf32, #tpu.memory_space<vmem>>, %arg5: memref<256xf32, #tpu.memory_space<vmem>>, %arg6: memref<256x128xf32, #tpu.memory_space<vmem>>, %arg7: memref<128xf32, #tpu.memory_space<vmem>>, %arg8: memref<1x2048x128xf32, #tpu.memory_space<vmem>>) attributes {dimension_semantics = [#tpu.dimension_semantics<arbitrary>], iteration_bounds = array<i64: 100>, scalar_prefetch = 0 : i64, scratch_operands = 0 : i64, tpu.core_type = #tpu.core_type<tc>, window_params = [{transform_indices = @transform_0, window_bounds = array<i64: 1, 2048, 1>}, {transform_indices = @transform_1, window_bounds = array<i64: 1, 2048, 4>}, {transform_indices = @transform_2, window_bounds = array<i64: 1, 2048, 128>}, {pipeline_mode = #tpu.pipeline_mode<synchronous>, transform_indices = @transform_3, window_bounds = array<i64: 4, 256>}, {pipeline_mode = #tpu.pipeline_mode<synchronous>, transform_indices = @transform_4, window_bounds = array<i64: 256>}, {pipeline_mode = #tpu.pipeline_mode<synchronous>, transform_indices = @transform_5, window_bounds = array<i64: 256, 128>}, {pipeline_mode = #tpu.pipeline_mode<synchronous>, transform_indices = @transform_6, window_bounds = array<i64: 128>}, {transform_indices = @transform_7, window_bounds = array<i64: 1, 2048, 128>}]} {
    %get3A = arith.constant 0 : index
    %get3A_0 = arith.constant 0 : index
    %get3A_1 = arith.constant 0 : index
    %get3A_2 = vector.load %arg1[%get3A, %get3A_0, %get3A_1] : memref<1x2048x1xi32, #tpu.memory_space<vmem>>, vector<1x2048x1xi32>
    %get3A_3 = vector.shape_cast %get3A_2 : vector<1x2048x1xi32> to vector<2048x1xi32>
    %get3A_4 = arith.constant 0 : index
    %get3A_5 = arith.constant 0 : index
    %get3A_6 = arith.constant 0 : index
    %get3A_7 = vector.load %arg2[%get3A_4, %get3A_5, %get3A_6] : memref<1x2048x4xf32, #tpu.memory_space<vmem>>, vector<1x2048x4xf32>
    %get3A_8 = vector.shape_cast %get3A_7 : vector<1x2048x4xf32> to vector<2048x4xf32>
    %get3A_9 = arith.constant 0 : index
    %get3A_10 = arith.constant 0 : index
    %get3A_11 = vector.load %arg4[%get3A_9, %get3A_10] : memref<4x256xf32, #tpu.memory_space<vmem>>, vector<4x256xf32>
    %dot_general3A = arith.constant dense<0.000000e+00> : vector<2048x256xf32>
    %dot_general3A_12 = tpu.matmul %get3A_8, %get3A_11, %dot_general3A {dimension_numbers = #tpu.dot_dimension_numbers<[1], [0], [0], [1], [0, 0, 1, 1], [], []>, transpose_lhs_hint = false} : vector<2048x4xf32>, vector<4x256xf32>, vector<2048x256xf32> -> vector<2048x256xf32>
    %get3A_13 = arith.constant 0 : index
    %get3A_14 = vector.load %arg5[%get3A_13] : memref<256xf32, #tpu.memory_space<vmem>>, vector<256xf32>
    %broadcast_in_dim3A = vector.shape_cast %get3A_14 : vector<256xf32> to vector<1x256xf32>
    %add3A = vector.broadcast %broadcast_in_dim3A : vector<1x256xf32> to vector<2048x256xf32>
    %add3A_15 = arith.addf %dot_general3A_12, %add3A : vector<2048x256xf32>
    %tanh3A = math.tanh %add3A_15 : vector<2048x256xf32>
    %convert_element_type3A = arith.truncf %tanh3A : vector<2048x256xf32> to vector<2048x256xbf16>
    %get3A_16 = arith.constant 0 : index
    %get3A_17 = arith.constant 0 : index
    %get3A_18 = vector.load %arg6[%get3A_16, %get3A_17] : memref<256x128xf32, #tpu.memory_space<vmem>>, vector<256x128xf32>
    %convert_element_type3A_19 = arith.truncf %get3A_18 : vector<256x128xf32> to vector<256x128xbf16>
    %dot_general3A_20 = arith.constant dense<0.000000e+00> : vector<2048x128xf32>
    %dot_general3A_21 = tpu.matmul %convert_element_type3A, %convert_element_type3A_19, %dot_general3A_20 {dimension_numbers = #tpu.dot_dimension_numbers<[1], [0], [0], [1], [0, 0, 1, 1], [], []>, transpose_lhs_hint = false} : vector<2048x256xbf16>, vector<256x128xbf16>, vector<2048x128xf32> -> vector<2048x128xf32>
    %get3A_22 = arith.constant 0 : index
    %get3A_23 = vector.load %arg7[%get3A_22] : memref<128xf32, #tpu.memory_space<vmem>>, vector<128xf32>
    %broadcast_in_dim3A_24 = vector.shape_cast %get3A_23 : vector<128xf32> to vector<1x128xf32>
    %add3A_25 = vector.broadcast %broadcast_in_dim3A_24 : vector<1x128xf32> to vector<2048x128xf32>
    %add3A_26 = arith.addf %dot_general3A_21, %add3A_25 : vector<2048x128xf32>
    %ge3A = arith.constant 100500 : i32
    %ge3A_27 = vector.broadcast %ge3A : i32 to vector<2048x1xi32>
    %ge3A_28 = arith.cmpi sge, %get3A_3, %ge3A_27 : vector<2048x1xi32>
    %get3A_29 = arith.constant 0 : index
    %get3A_30 = arith.constant 0 : index
    %get3A_31 = arith.constant 0 : index
    %get3A_32 = vector.load %arg3[%get3A_29, %get3A_30, %get3A_31] : memref<1x2048x128xf32, #tpu.memory_space<vmem>>, vector<1x2048x128xf32>
    %get3A_33 = vector.shape_cast %get3A_32 : vector<1x2048x128xf32> to vector<2048x128xf32>
    %jit3A = arith.constant 0.000000e+00 : f32
    %broadcast_in_dim3A_34 = vector.shape_cast %ge3A_28 : vector<2048x1xi1> to vector<2048x1xi1>
    %broadcast_in_dim3A_35 = vector.broadcast %broadcast_in_dim3A_34 : vector<2048x1xi1> to vector<2048x128xi1>
    %broadcast_in_dim3A_36 = vector.broadcast %jit3A : f32 to vector<2048x128xf32>
    %select_n3A = arith.select %broadcast_in_dim3A_35, %add3A_26, %broadcast_in_dim3A_36 : vector<2048x128xi1>, vector<2048x128xf32>
    %add3A_37 = arith.addf %get3A_33, %select_n3A : vector<2048x128xf32>
    %swap3A = arith.constant 0 : index
    %swap3A_38 = arith.constant 0 : index
    %swap3A_39 = arith.constant 0 : index
    %swap3A_40 = vector.load %arg8[%swap3A, %swap3A_38, %swap3A_39] : memref<1x2048x128xf32, #tpu.memory_space<vmem>>, vector<1x2048x128xf32>
    %swap3A_41 = vector.shape_cast %swap3A_40 : vector<1x2048x128xf32> to vector<2048x128xf32>
    %swap3A_42 = vector.shape_cast %add3A_37 : vector<2048x128xf32> to vector<1x2048x128xf32>
    tpu.vector_store %arg8[%swap3A, %swap3A_38, %swap3A_39], %swap3A_42 {strides = array<i32>} : memref<1x2048x128xf32, #tpu.memory_space<vmem>>, vector<1x2048x128xf32>,
    return
  }
  func.func @transform_0(%arg0: i32) -> (i32, i32, i32) {
    %c0_i32 = arith.constant 0 : i32
    %c0_i32_0 = arith.constant 0 : i32
    %c0_i32_1 = arith.constant 0 : i32
    return %arg0, %c0_i32, %c0_i32_0 : i32, i32, i32
  }
  func.func @transform_1(%arg0: i32) -> (i32, i32, i32) {
    %c0_i32 = arith.constant 0 : i32
    %c0_i32_0 = arith.constant 0 : i32
    %c0_i32_1 = arith.constant 0 : i32
    return %arg0, %c0_i32, %c0_i32_0 : i32, i32, i32
  }
  func.func @transform_2(%arg0: i32) -> (i32, i32, i32) {
    %c0_i32 = arith.constant 0 : i32
    %c0_i32_0 = arith.constant 0 : i32
    %c0_i32_1 = arith.constant 0 : i32
    return %arg0, %c0_i32, %c0_i32_0 : i32, i32, i32
  }
  func.func @transform_3(%arg0: i32) -> (i32, i32) {
    %c0_i32 = arith.constant 0 : i32
    %c0_i32_0 = arith.constant 0 : i32
    %c0_i32_1 = arith.constant 0 : i32
    return %c0_i32, %c0_i32_0 : i32, i32
  }
  func.func @transform_4(%arg0: i32) -> i32 {
    %c0_i32 = arith.constant 0 : i32
    %c0_i32_0 = arith.constant 0 : i32
    return %c0_i32 : i32
  }
  func.func @transform_5(%arg0: i32) -> (i32, i32) {
    %c0_i32 = arith.constant 0 : i32
    %c0_i32_0 = arith.constant 0 : i32
    %c0_i32_1 = arith.constant 0 : i32
    return %c0_i32, %c0_i32_0 : i32, i32
  }
  func.func @transform_6(%arg0: i32) -> i32 {
    %c0_i32 = arith.constant 0 : i32
    %c0_i32_0 = arith.constant 0 : i32
    return %c0_i32 : i32
  }
  func.func @transform_7(%arg0: i32) -> (i32, i32, i32) {
    %c0_i32 = arith.constant 0 : i32
    %c0_i32_0 = arith.constant 0 : i32
    %c0_i32_1 = arith.constant 0 : i32
    return %arg0, %c0_i32, %c0_i32_0 : i32, i32, i32
  }
}

</mosaic_0001>

<sc_bundles>
// kernel: kernel.4.cloned.1.call-start
scs
__scs_entry_jumppad:
0x0: {  	(pc) =	sbr.rel $0x88, $3  }
0x1: {  	(tag) =	ssettag $0x0;
	lr =	simm.s32 $0x1  }
0x2: {  	[smem:$0x3F99] =	sst lr;
	_ =	strace $0xD0000000  }
0x3: {  	_ = 	snop  }
0x4: {  	_ = 	snop  }
0x5: {  	_ = 	snop  }
0x6: {  	_ = 	snop  }
0x7: {  	_ = 	snop  }
__scs_overlays_trampoline_lowered:
0x8: {  	[smem:$0x3FA8] =	sst s0  }
0x9: {  	[smem:$0x3FA9] =	sst s1  }
0xa: {  	[smem:$0x3FAA] =	sst s2  }
0xb: {  	[smem:$0x3FAB] =	sst s3  }
0xc: {  	[smem:$0x3FAC] =	sst s4  }
0xd: {  	[smem:$0x3FAD] =	sst s5  }
0xe: {  	[smem:$0x3FAE] =	sst s6  }
0xf: {  	[smem:$0x3FAF] =	sst s7  }
0x10: {  	[smem:$0x3FB0] =	sst s8  }
0x11: {  	[smem:$0x3FB1] =	sst s9;
	s0 =	simm.s32 @!p0 $0x0  }
0x12: {  	s1 =	sld [smem:$0x3F97];
	s0 =	simm.s32 @p0 $0x1  }
0x13: {  	[smem:$0x3FB2] =	sst s0;
	s0 =	simm.s32 @!p1 $0x0  }
0x14: {  	s2 =	sld [smem:$0x3F96];
	s0 =	simm.s32 @p1 $0x1  }
0x15: {  	[smem:$0x3FB3] =	sst s0;
	s0 =	simm.s32 @!p2 $0x0  }
0x16: {  	s3 =	sld [smem:$0x3FDB];
	s0 =	simm.s32 @p2 $0x1  }
0x17: {  	s4 =	simm.s32 $0x1BF5;
	[smem:$0x3FB5] =	sst s0  }
0x18: {  	s0 =	sld [smem:$0x3F98];
	_ =	swait.ge [sflag:s4], $0x0  }
0x19: {  	s7 =	sld [smem:$0x3F99]  }
0x1a: {  	s8 =	sadd.s32 $0xFFFFE003, lr  }
0x1b: {  	s9 =	sadd.s32 $0xFFFFFEF7, lr;
	s5 =	simm.s32 $0xFFFFFFFF;
	p2 =	slt.u32 s8, $0xFFFFF086  }
0x1c: {  	p1 =	slt.u32 s9, $0xF7A;
	s5 =	simm.s32 @!p2 $0x0  }
0x1d: {  	s5 =	simm.s32 @p1 $0x1;
	p0 =	seq.s32 s7, s2  }
0x1e: {  	s7 =	smul.u32 @!p0 $0xF7A, s2;
	p2 =	seq.s32 @!p0 s5, $0x0  }
0x1f: {  	s9 =	smul.u32 $0xF7A, s1;
	s8 =	simm.s32 @!p0 $0x1BF5;
	p2 =	por !p2, p0  }
0x20: {  	[sflag:s8] =	ssyncset.s32 @!p0 $0xFFFFF086;
	s6 =	sadd.s32 @!p0 s3, s7;
	s7 =	simm.s32 @!p0 $0x108  }
0x21: {  	s3 =	sadd.s32 s3, s9;
	s6 =	sadd.s32 @!p0 $0x88, s6;
	s7 =	simm.s32 @p2 $0x1082  }
0x22: {  	[simem:s7], [sflag:s8] =	dma.local @!p0 [hbm:s6], $0xF7A  }
0x23: {  	s9 =	sor.u32 $0xD0000000, s2;
	s6 =	simm.s32 $0x108;
	_ =	swait.ge @!p0 [sflag:s8], $0x0  }
0x24: {  	s3 =	sadd.s32 $0x88, s3;
	s6 =	simm.s32 @!p1 $0x1082;
	[sflag:s4] =	ssyncset.s32 $0xFFFFF086  }
0x25: {  	[simem:s6], [sflag:s4] =	dma.local [hbm:s3], $0xF7A  }
0x26: {  	[smem:$0x3F99] =	sst s1;
	(tag) =	ssettag s2;
	_ =	strace s9  }
0x27: {  	s1 =	sld [smem:$0x3FA9]  }
0x28: {  	s2 =	sld [smem:$0x3FAA]  }
0x29: {  	s4 =	sld [smem:$0x3FAC]  }
0x2a: {  	p0 =	seq.s32 s5, $0x0;
	s5 =	sld [smem:$0x3FAD]  }
0x2b: {  	s6 =	sld [smem:$0x3FAE]  }
0x2c: {  	s7 =	sld [smem:$0x3FAF]  }
0x2d: {  	s3 =	simm.s32 $0x108;
	s8 =	sld [smem:$0x3FB0]  }
0x2e: {  	s3 =	simm.s32 @!p0 $0x1082;
	s9 =	sld [smem:$0x3FB1]  }
0x2f: {  	lr =	sadd.s32 s0, s3;
	s0 =	sld [smem:$0x3FA8]  }
0x30: {  	s3 =	sld [smem:$0x3FAB]  }
0x31: {  	[smem:$0x3FB4] =	sst s10  }
0x32: {  	s10 =	sld [smem:$0x3FB2];
	_ =	sdelay $0x3  }
0x33: {  	p0 =	seq.s32 s10, $0x1;
	s10 =	sld [smem:$0x3FB4];
	_ =	sdelay $0x3  }
0x34: {  	[smem:$0x3FB4] =	sst s10  }
0x35: {  	s10 =	sld [smem:$0x3FB3];
	_ =	sdelay $0x3  }
0x36: {  	p1 =	seq.s32 s10, $0x1;
	s10 =	sld [smem:$0x3FB4];
	_ =	sdelay $0x3  }
0x37: {  	[smem:$0x3FB4] =	sst s10  }
0x38: {  	s10 =	sld [smem:$0x3FB5]  }
0x39: {  	_ = 	snop;
	(pc) =	sbr.ind lr, $3  }
0x3a: {  	_ = 	snop  }
0x3b: {  	_ = 	snop  }
0x3c: {  	p2 =	seq.s32 s10, $0x1;
	s10 =	sld [smem:$0x3FB4]  }
0x3d: {  	_ =	shalt  }
0x3e: {  	_ =	shalt  }
0x3f: {  	_ =	shalt  }
0x40: {  	_ =	shalt  }
0x41: {  	_ =	shalt  }
0x42: {  	_ =	shalt  }
0x43: {  	_ =	shalt  }
0x44: {  	_ =	shalt  }
0x45: {  	_ =	shalt  }
0x46: {  	_ =	shalt  }
0x47: {  	_ =	shalt  }
0x48: {  	_ =	shalt  }
0x49: {  	_ =	shalt  }
0x4a: {  	_ =	shalt  }
0x4b: {  	_ =	shalt  }
0x4c: {  	_ =	shalt  }
0x4d: {  	_ =	shalt  }
0x4e: {  	_ =	shalt  }
0x4f: {  	_ =	shalt  }
0x50: {  	_ =	shalt  }
0x51: {  	_ =	shalt  }
0x52: {  	_ =	shalt  }
0x53: {  	_ =	shalt  }
0x54: {  	_ =	shalt  }
0x55: {  	_ =	shalt  }
0x56: {  	_ =	shalt  }
0x57: {  	_ =	shalt  }
0x58: {  	_ =	shalt  }
0x59: {  	_ =	shalt  }
0x5a: {  	_ =	shalt  }
0x5b: {  	_ =	shalt  }
0x5c: {  	_ =	shalt  }
0x5d: {  	_ =	shalt  }
0x5e: {  	_ =	shalt  }
0x5f: {  	_ =	shalt  }
0x60: {  	_ =	shalt  }
0x61: {  	_ =	shalt  }
0x62: {  	_ =	shalt  }
0x63: {  	_ =	shalt  }
0x64: {  	_ =	shalt  }
0x65: {  	_ =	shalt  }
0x66: {  	_ =	shalt  }
0x67: {  	_ =	shalt  }
0x68: {  	_ =	shalt  }
0x69: {  	_ =	shalt  }
0x6a: {  	_ =	shalt  }
0x6b: {  	_ =	shalt  }
0x6c: {  	_ =	shalt  }
0x6d: {  	_ =	shalt  }
0x6e: {  	_ =	shalt  }
0x6f: {  	_ =	shalt  }
0x70: {  	_ =	shalt  }
0x71: {  	_ =	shalt  }
0x72: {  	_ =	shalt  }
0x73: {  	_ =	shalt  }
0x74: {  	_ =	shalt  }
0x75: {  	_ =	shalt  }
0x76: {  	_ =	shalt  }
0x77: {  	_ =	shalt  }
0x78: {  	_ =	shalt  }
0x79: {  	_ =	shalt  }
0x7a: {  	_ =	shalt  }
0x7b: {  	_ =	shalt  }
0x7c: {  	_ =	shalt  }
0x7d: {  	_ =	shalt  }
0x7e: {  	_ =	shalt  }
0x7f: {  	_ =	shalt  }
0x80: {  	_ =	shalt  }
0x81: {  	_ =	shalt  }
0x82: {  	_ =	shalt  }
0x83: {  	_ =	shalt  }
0x84: {  	_ =	shalt  }
0x85: {  	_ =	shalt  }
0x86: {  	_ =	shalt  }
0x87: {  	_ =	shalt  }
.Lfunc_end0:
.L_simem_size_0:
called_computation_lowered:
.L_overlay_start_0:
0x88: {  	s2 =	sld [smem:$0x3FD9]  }
0x89: {  	s3 =	sld [smem:$0x3FFE];
	_ =	sdelay $0x1  }
0x8a: {  	s1 =	srdreg.scid  }
0x8b: {  	s0 =	sand.u32 $0x1, s1  }
0x8c: {  	s17 =	sshll.u32 s0, $0xA;
	s2 =	sadd.s32 s3, s2  }
0x8d: {  	s2 =	sadd.s32 s2, s17  }
0x8e: {  	[smem:$0x3FC0] =	sst s2  }
0x8f: {  	_ = 	snop  }
0x90: {  	s2 =	sld [smem:$0x3FD0];
	(tm) =	ssettm $0x1  }
0x91: {  	s18 =	sld [smem:$0x3FFB];
	_ =	sdelay $0x3  }
0x92: {  	_ =	strace s18  }
0x93: {  	s3 =	sld [smem:$0x3FFC];
	_ =	sdelay $0x3  }
0x94: {  	_ =	strace s3  }
0x95: {  	s3 =	sld [smem:$0x3FFD];
	_ =	sdelay $0x3  }
0x96: {  	_ =	strace s3  }
0x97: {  	_ =	strace $0x8FFFFFFF  }
0x98: {  	s19 =	sld [smem:$0x3FDB];
	_ =	sdelay $0x1  }
0x99: {  	s4 =	simm.s32 $_scs_section_size  }
0x9a: {  	s5 =	simm.s32 $_size__tile_overlayer_lowered;
	s6 =	simm.s32 $_tile_overlayer_lowered  }
0x9b: {  	s22 =	simm.s32 $0x1BFF;
	s21 =	sshll.u32 s6, $0x1;
	s3 =	sadd.s32 s4, s19  }
0x9c: {  	s7 =	simm.s32 $0x0;
	s20 =	sshll.u32 s5, $0x1;
	s5 =	sadd.s32 s21, s3  }
0x9d: {  	[timem:s7], [sflag:s22] =	dma.local [hbm:s5], s20  }
0x9e: {  	_ =	swait.ge [sflag:s22], s20  }
0x9f: {  	s4 =	ssub.s32 $0x0, s20;
	[sflag:s22] =	ssyncset.done $0x0  }
0xa0: {  	[sflag:s22] =	ssyncadd.s32 s4;
	_ =	sdelay $0x1  }
0xa1: {  	s23 =	simm.s32 $0x1B8B  }
0xa2: {  	_ =	swait.ge [sflag:s23], $0x1  }
0xa3: {  	[sflag:s23] =	ssyncset.done $0x0  }
0xa4: {  	s25 =	simm.s32 $0x1B8E;
	s24 =	sld [smem:$0x3FFE];
	[sflag:s23] =	ssyncadd.s32 $0xFFFFFFFF  }
0xa5: {  	s26 =	simm.s32 $execute0_lowered;
	[smem:$0x3FD2] =	sst s25  }
0xa6: {  	s5 =	sshll.u32 s26, $0x1;
	_ =	strace $0x80000046;
	[dreg:$0x1] =	wrdreg $0xFFFFFFFF  }
0xa7: {  	s28 =	simm.s32 $_size_execute0_lowered;
	s3 =	sadd.s32 s3, s5;
	[dreg:$0x0] =	wrdreg $0x0  }
0xa8: {  	s5 =	sshll.u32 s28, $0x1;
	[dreg:$0x2] =	wrdreg s3  }
0xa9: {  	[dreg:$0x3] =	wrdreg s5  }
0xaa: {  	[dreg:$0x4] =	wrdreg $0xC0  }
0xab: {  	_ =	task [dreg:s7], $0x5FFFF  }
0xac: {  	[dreg:$0x1] =	wrdreg $0xFFFFFFFF  }
0xad: {  	[dreg:$0x0] =	wrdreg $0x60  }
0xae: {  	[dreg:$0x2] =	wrdreg s24  }
0xaf: {  	[dreg:$0x3] =	wrdreg s2  }
0xb0: {  	[dreg:$0x4] =	wrdreg $0x9  }
0xb1: {  	_ =	task.clear_ibuf [dreg:s7], $0x5FFFF;
	_ =	strace $0x90000046  }
0xb2: {  	s29 =	simm.s32 $0x9;
	_ =	strace $0x80000048  }
0xb3: {  	_ =	swait.ge [sflag:s29], $0x1  }
0xb4: {  	[sflag:s29] =	ssyncadd.s32 $0xFFFFFFFF  }
0xb5: {  	_ =	strace $0x90000048  }
0xb6: {  	_ =	sfence  }
0xb7: {  	s30 =	sld [smem:$0x0];
	_ =	sdelay $0x2  }
0xb8: {  	s31 =	sshll.u32 s1, $0xD;
	s1 =	sshrl.u32 s1, $0x2  }
0xb9: {  	s3 =	sand.u32 $0x4000, s31;
	s1 =	sadd.s32 s1, s30  }
0xba: {  	s0 =	sor.u32 s3, s0;
	s1 =	sshll.u32 s1, $0x11  }
0xbb: {  	s0 =	sor.u32 s1, s0  }
0xbc: {  	s0 =	sadd.s32 $0x8F2B, s0  }
0xbd: {  	[sflag:s0] =	ssyncadd.remote.s32 $0x1  }
0xbe: {  	_ =	sfence.sel $0xFFFF  }
0xbf: {  	[dreg:$0x0] =	wrdreg $0xFFFFFFFF;
	(pc) =	sbr.abs _section_cstart, $3  }
0xc0: {  	[dreg:$0x1] =	wrdreg $0xFFFFFFFF  }
0xc1: {  	_ =	task.clear_ibuf [dreg:s7], $0x2FFFF;
	_ =	strace $0x9FFFFFFF  }
0xc2: {  	(tm) =	ssettm $0x7FFFFFFF  }
0xc3: {  	_ =	shalt  }
tec
execute0_lowered:
.L_overlay_start_1:
0x0: {  	(tag) =	ssettag $0x1  }
0x1: {  	s1 =	srdreg.scid;
	s3 =	stileid.u32  }
0x2: {  	s1 =	sand.u32 $0x1, s1;
	s4 =	sshll.u32 s3, $0x1  }
0x3: {  	s4 =	sor.u32 s1, s4  }
0x4: {  	s0 =	rddreg [dreg:$0x0];
	s5 =	smul.u32 $0x320, s4  }
0x5: {  	s2 =	rddreg [dreg:$0x1];
	s3 =	simm.s32 $0x0;
	s6 =	smul.u32 $0xC8000, s4  }
0x6: {  	[smem:$0x7FF] =	sst s3;
	s4 =	smul.u32 $0x19000, s4  }
0x7: {  	s5 =	sadd.s32 s5, s0;
	s0 =	sadd.s32 $0xF600, s0;
	s6 =	sshrl.u32 s6, $0x3  }
0x8: {  	s5 =	sadd.s32 $0x9200, s5;
	s4 =	sadd.s32 s0, s4;
	s0 =	sadd.s32 s0, s6  }
0x9: {  	_ =	strace $0x80000047;
	[dreg:$0x3] =	wrdreg s5;
	s17 =	sadd.s32 $0x1000, s0  }
0xa: {  	s18 =	sadd.s32 $0x1800, s0;
	[dreg:$0x4] =	wrdreg s17  }
0xb: {  	s19 =	sadd.s32 $0x2000, s0;
	[dreg:$0x5] =	wrdreg s18  }
0xc: {  	s20 =	sadd.s32 $0x2800, s0;
	[dreg:$0x6] =	wrdreg s19  }
0xd: {  	s21 =	sadd.s32 $0x3000, s0;
	[dreg:$0x7] =	wrdreg s20  }
0xe: {  	s22 =	sadd.s32 $0x3800, s0;
	[dreg:$0x8] =	wrdreg s21  }
0xf: {  	s23 =	sadd.s32 $0x4000, s0;
	[dreg:$0x9] =	wrdreg s22  }
0x10: {  	s24 =	sadd.s32 $0x4800, s0;
	[dreg:$0xa] =	wrdreg s23  }
0x11: {  	s25 =	sadd.s32 $0x5000, s0;
	[dreg:$0xb] =	wrdreg s24  }
0x12: {  	s1 =	ssub.s32 $0x2, s1;
	s26 =	sadd.s32 $0x5800, s0;
	[dreg:$0xc] =	wrdreg s25  }
0x13: {  	s7 =	sshrl.u32 s1, $0x1;
	s6 =	sadd.s32 $0x6000, s0;
	[dreg:$0xd] =	wrdreg s26  }
0x14: {  	s1 =	ssub.s32 s1, s7;
	s7 =	sadd.s32 $0x6800, s0;
	[dreg:$0xe] =	wrdreg s6  }
0x15: {  	s8 =	sadd.s32 $0x7000, s0;
	[dreg:$0xf] =	wrdreg s7  }
0x16: {  	s9 =	sadd.s32 $0x7800, s0;
	[dreg:$0x10] =	wrdreg s8  }
0x17: {  	s10 =	sadd.s32 $0x8000, s0;
	[dreg:$0x11] =	wrdreg s9  }
0x18: {  	s11 =	sadd.s32 $0x8800, s0;
	[dreg:$0x12] =	wrdreg s10  }
0x19: {  	s12 =	sadd.s32 $0x9000, s0;
	[dreg:$0x13] =	wrdreg s11  }
0x1a: {  	s13 =	sadd.s32 $0x9800, s0;
	[dreg:$0x14] =	wrdreg s12  }
0x1b: {  	s28 =	simm.s32 $0x3;
	s14 =	sadd.s32 $0xA000, s0;
	[dreg:$0x15] =	wrdreg s13  }
0x1c: {  	s29 =	simm.s32 $0x80;
	s15 =	sadd.s32 $0xA800, s0;
	[dreg:$0x16] =	wrdreg s14  }
0x1d: {  	s30 =	simm.s32 $0x1900;
	s16 =	sadd.s32 $0xB000, s0;
	[dreg:$0x17] =	wrdreg s15  }
0x1e: {  	s31 =	simm.s32 $0x5900;
	[dreg:$0x18] =	wrdreg s16;
	s17 =	sadd.s32 $0xB800, s0  }
0x1f: {  	s5 =	sadd.s32 $0x16800, s0;
	s18 =	sadd.s32 $0xC000, s0;
	[dreg:$0x19] =	wrdreg s17  }
0x20: {  	s19 =	sadd.s32 $0xC800, s0;
	s20 =	sadd.s32 $0xD000, s0;
	[dreg:$0x1a] =	wrdreg s18  }
0x21: {  	s21 =	sadd.s32 $0xD800, s0;
	s22 =	sadd.s32 $0xE000, s0;
	[dreg:$0x1b] =	wrdreg s19  }
0x22: {  	s23 =	sadd.s32 $0xE800, s0;
	s24 =	sadd.s32 $0xF000, s0;
	[dreg:$0x1c] =	wrdreg s20  }
0x23: {  	s25 =	sadd.s32 $0xF800, s0;
	s26 =	sadd.s32 $0x10000, s0;
	[dreg:$0x1d] =	wrdreg s21  }
0x24: {  	s9 =	sadd.s32 $0x10800, s0;
	s10 =	sadd.s32 $0x11000, s0;
	[dreg:$0x1e] =	wrdreg s22  }
0x25: {  	s11 =	sadd.s32 $0x11800, s0;
	s12 =	sadd.s32 $0x12000, s0;
	[dreg:$0x1f] =	wrdreg s23  }
0x26: {  	s13 =	sadd.s32 $0x12800, s0;
	s14 =	sadd.s32 $0x13000, s0;
	[smem:$0x7FB] =	sst s24  }
0x27: {  	s15 =	sadd.s32 $0x13800, s0;
	s16 =	sadd.s32 $0x14000, s0;
	[smem:$0x7FC] =	sst s25  }
0x28: {  	s8 =	smov.u32 s4;
	[smem:$0x7FD] =	sst s26;
	s17 =	sadd.s32 $0x14800, s0  }
0x29: {  	s18 =	sadd.s32 $0x15000, s0;
	s19 =	sadd.s32 $0x15800, s0;
	s20 =	sadd.s32 $0x16000, s0  }
0x2a: {  	s21 =	sadd.s32 $0x17000, s0;
	s22 =	sadd.s32 $0x17800, s0;
	s23 =	sadd.s32 $0x18000, s0  }
0x2b: {  	s24 =	sadd.s32 $0x18800, s0;
	s25 =	smax.u32 s1, $0x1;
	s26 =	sadd.s32 $0x800, s4  }
0x2c: {  	s1 =	simm.s32 $0x1;
	s0 =	simm.s32 $0x2;
	s4 =	simm.s32 $0x0  }
.LBB2_1:
0x2d: {  	s6 =	rddreg [dreg:$0x3]  }
0x2e: {  	[tilespmem:s3], [sflag:$0x3] =	stream.linear.gather [hbm4b:s6+s3], $0x1900, $0x38;
	[tilespmem:$0x9900] =	vst v63  }
0x2f: {  	_ =	swait.ge [sflag:s28], $0x1900  }
0x30: {  	[sflag:s28] =	ssyncset.done $0x0  }
0x31: {  	s7 =	simm.s32 $0x40;
	s6 =	simm.s32 $0x0;
	[sflag:s28] =	ssyncadd.s32 $0xFFFFE700  }
.LBB2_2:
0x32: {  	p0 =	sne.s32 s7, $0x63C0;
	v0 =	vld [tilespmem:s6+$0x0];
	_ =	sdelay $0x2  }
.Ltmp0:
0x33: {  	(pc) =	sbr.rel @p0 .LBB2_2-.Ltmp0, $4  }
0x34: {  	_ = 	snop  }
0x35: {  	vm0 =	vgt.s32 v0, $0x1869F;
	v1 =	vadd.s32 $0x3E8, v0  }
0x36: {  	v0 =	vsel vm0, v1, v0  }
0x37: {  	[tilespmem:s6+$0x0] =	vst v0;
	s6 =	sshra.s32 s7, $0x2;
	s7 =	sadd.s32 $0x40, s7  }
0x38: {  	v0 =	vld [tilespmem:s6+$0x0];
	_ =	sdelay $0x4  }
0x39: {  	vm0 =	vgt.s32 v0, $0x1869F;
	v1 =	vadd.s32 $0x3E8, v0  }
0x3a: {  	v0 =	vsel vm0, v1, v0  }
0x3b: {  	[tilespmem:s6+$0x0] =	vst v0  }
0x3c: {  	[tilespmem:s30], [sflag:$0x1] =	stream.indirect.gather [hbm4b:s2+s29], $0x80, s3, s29, $0xb8;
	[tilespmem:$0x9900] =	vst v63  }
0x3d: {  	_ = 	snop  }
0x3e: {  	[tilespmem:s31], [sflag:$0x2] =	stream.indirect.gather [hbm4b:s2+s29], $0x80, s29, s29, $0xb8;
	[tilespmem:$0x9900] =	vst v63  }
0x3f: {  	_ =	swait.ge [sflag:s1], $0x4000  }
0x40: {  	[sflag:s1] =	ssyncset.done $0x0  }
0x41: {  	[sflag:s1] =	ssyncadd.s32 $0xFFFFC000  }
0x42: {  	[hbm4b:s8+s3] =	stream.linear.scatter [tilespmem:s30], [sflag:$0x3], $0x4000, $0x38;
	[tilespmem:$0x9900] =	vst v63  }
0x43: {  	_ =	swait.ge [sflag:s28], $0x4000  }
0x44: {  	[sflag:s28] =	ssyncset.done $0x0  }
0x45: {  	s7 =	simm.s32 $0x100;
	[sflag:s28] =	ssyncadd.s32 $0xFFFFC000  }
0x46: {  	[tilespmem:s30], [sflag:$0x1] =	stream.indirect.gather [hbm4b:s2+s29], $0x80, s7, s29, $0xb8;
	[tilespmem:$0x9900] =	vst v63  }
0x47: {  	_ =	swait.ge [sflag:s0], $0x4000  }
0x48: {  	[sflag:s0] =	ssyncset.done $0x0  }
0x49: {  	[sflag:s0] =	ssyncadd.s32 $0xFFFFC000  }
0x4a: {  	[hbm4b:s26+s3] =	stream.linear.scatter [tilespmem:s31], [sflag:$0x3], $0x4000, $0x38;
	[tilespmem:$0x9900] =	vst v63  }
0x4b: {  	_ =	swait.ge [sflag:s28], $0x4000  }
0x4c: {  	[sflag:s28] =	ssyncset.done $0x0  }
0x4d: {  	s7 =	simm.s32 $0x180;
	[sflag:s28] =	ssyncadd.s32 $0xFFFFC000  }
0x4e: {  	[tilespmem:s31], [sflag:$0x2] =	stream.indirect.gather [hbm4b:s2+s29], $0x80, s7, s29, $0xb8;
	[tilespmem:$0x9900] =	vst v63  }
0x4f: {  	_ =	swait.ge [sflag:s1], $0x4000  }
0x50: {  	[sflag:s1] =	ssyncset.done $0x0  }
0x51: {  	s7 =	rddreg [dreg:$0x4];
	[sflag:s1] =	ssyncadd.s32 $0xFFFFC000  }
0x52: {  	[hbm4b:s7+s3] =	stream.linear.scatter [tilespmem:s30], [sflag:$0x3], $0x4000, $0x38;
	[tilespmem:$0x9900] =	vst v63  }
0x53: {  	_ =	swait.ge [sflag:s28], $0x4000  }
0x54: {  	[sflag:s28] =	ssyncset.done $0x0  }
0x55: {  	s7 =	simm.s32 $0x200;
	[sflag:s28] =	ssyncadd.s32 $0xFFFFC000  }
0x56: {  	[tilespmem:s30], [sflag:$0x1] =	stream.indirect.gather [hbm4b:s2+s29], $0x80, s7, s29, $0xb8;
	[tilespmem:$0x9900] =	vst v63  }
0x57: {  	_ =	swait.ge [sflag:s0], $0x4000  }
0x58: {  	[sflag:s0] =	ssyncset.done $0x0  }
0x59: {  	s7 =	rddreg [dreg:$0x5];
	[sflag:s0] =	ssyncadd.s32 $0xFFFFC000  }
0x5a: {  	[hbm4b:s7+s3] =	stream.linear.scatter [tilespmem:s31], [sflag:$0x3], $0x4000, $0x38;
	[tilespmem:$0x9900] =	vst v63  }
0x5b: {  	_ =	swait.ge [sflag:s28], $0x4000  }
0x5c: {  	[sflag:s28] =	ssyncset.done $0x0  }
0x5d: {  	s7 =	simm.s32 $0x280;
	[sflag:s28] =	ssyncadd.s32 $0xFFFFC000  }
0x5e: {  	[tilespmem:s31], [sflag:$0x2] =	stream.indirect.gather [hbm4b:s2+s29], $0x80, s7, s29, $0xb8;
	[tilespmem:$0x9900] =	vst v63  }
0x5f: {  	_ =	swait.ge [sflag:s1], $0x4000  }
0x60: {  	[sflag:s1] =	ssyncset.done $0x0  }
0x61: {  	s7 =	rddreg [dreg:$0x6];
	[sflag:s1] =	ssyncadd.s32 $0xFFFFC000  }
0x62: {  	[hbm4b:s7+s3] =	stream.linear.scatter [tilespmem:s30], [sflag:$0x3], $0x4000, $0x38;
	[tilespmem:$0x9900] =	vst v63  }
0x63: {  	_ =	swait.ge [sflag:s28], $0x4000  }
0x64: {  	[sflag:s28] =	ssyncset.done $0x0  }
0x65: {  	s7 =	simm.s32 $0x300;
	[sflag:s28] =	ssyncadd.s32 $0xFFFFC000  }
0x66: {  	[tilespmem:s30], [sflag:$0x1] =	stream.indirect.gather [hbm4b:s2+s29], $0x80, s7, s29, $0xb8;
	[tilespmem:$0x9900] =	vst v63  }
0x67: {  	_ =	swait.ge [sflag:s0], $0x4000  }
0x68: {  	[sflag:s0] =	ssyncset.done $0x0  }
0x69: {  	s7 =	rddreg [dreg:$0x7];
	[sflag:s0] =	ssyncadd.s32 $0xFFFFC000  }
0x6a: {  	[hbm4b:s7+s3] =	stream.linear.scatter [tilespmem:s31], [sflag:$0x3], $0x4000, $0x38;
	[tilespmem:$0x9900] =	vst v63  }
0x6b: {  	_ =	swait.ge [sflag:s28], $0x4000  }
0x6c: {  	[sflag:s28] =	ssyncset.done $0x0  }
0x6d: {  	s7 =	simm.s32 $0x380;
	[sflag:s28] =	ssyncadd.s32 $0xFFFFC000  }
0x6e: {  	[tilespmem:s31], [sflag:$0x2] =	stream.indirect.gather [hbm4b:s2+s29], $0x80, s7, s29, $0xb8;
	[tilespmem:$0x9900] =	vst v63  }
0x6f: {  	_ =	swait.ge [sflag:s1], $0x4000  }
0x70: {  	[sflag:s1] =	ssyncset.done $0x0  }
0x71: {  	s7 =	rddreg [dreg:$0x8];
	[sflag:s1] =	ssyncadd.s32 $0xFFFFC000  }
0x72: {  	[hbm4b:s7+s3] =	stream.linear.scatter [tilespmem:s30], [sflag:$0x3], $0x4000, $0x38;
	[tilespmem:$0x9900] =	vst v63  }
0x73: {  	_ =	swait.ge [sflag:s28], $0x4000  }
0x74: {  	[sflag:s28] =	ssyncset.done $0x0  }
0x75: {  	s7 =	simm.s32 $0x400;
	[sflag:s28] =	ssyncadd.s32 $0xFFFFC000  }
0x76: {  	[tilespmem:s30], [sflag:$0x1] =	stream.indirect.gather [hbm4b:s2+s29], $0x80, s7, s29, $0xb8;
	[tilespmem:$0x9900] =	vst v63  }
0x77: {  	_ =	swait.ge [sflag:s0], $0x4000  }
0x78: {  	[sflag:s0] =	ssyncset.done $0x0  }
0x79: {  	s7 =	rddreg [dreg:$0x9];
	[sflag:s0] =	ssyncadd.s32 $0xFFFFC000  }
0x7a: {  	[hbm4b:s7+s3] =	stream.linear.scatter [tilespmem:s31], [sflag:$0x3], $0x4000, $0x38;
	[tilespmem:$0x9900] =	vst v63  }
0x7b: {  	_ =	swait.ge [sflag:s28], $0x4000  }
0x7c: {  	[sflag:s28] =	ssyncset.done $0x0  }
0x7d: {  	s7 =	simm.s32 $0x480;
	[sflag:s28] =	ssyncadd.s32 $0xFFFFC000  }
0x7e: {  	[tilespmem:s31], [sflag:$0x2] =	stream.indirect.gather [hbm4b:s2+s29], $0x80, s7, s29, $0xb8;
	[tilespmem:$0x9900] =	vst v63  }
0x7f: {  	_ =	swait.ge [sflag:s1], $0x4000  }
0x80: {  	[sflag:s1] =	ssyncset.done $0x0  }
0x81: {  	s7 =	rddreg [dreg:$0xa];
	[sflag:s1] =	ssyncadd.s32 $0xFFFFC000  }
0x82: {  	[hbm4b:s7+s3] =	stream.linear.scatter [tilespmem:s30], [sflag:$0x3], $0x4000, $0x38;
	[tilespmem:$0x9900] =	vst v63  }
0x83: {  	_ =	swait.ge [sflag:s28], $0x4000  }
0x84: {  	[sflag:s28] =	ssyncset.done $0x0  }
0x85: {  	s7 =	simm.s32 $0x500;
	[sflag:s28] =	ssyncadd.s32 $0xFFFFC000  }
0x86: {  	[tilespmem:s30], [sflag:$0x1] =	stream.indirect.gather [hbm4b:s2+s29], $0x80, s7, s29, $0xb8;
	[tilespmem:$0x9900] =	vst v63  }
0x87: {  	_ =	swait.ge [sflag:s0], $0x4000  }
0x88: {  	[sflag:s0] =	ssyncset.done $0x0  }
0x89: {  	s7 =	rddreg [dreg:$0xb];
	[sflag:s0] =	ssyncadd.s32 $0xFFFFC000  }
0x8a: {  	[hbm4b:s7+s3] =	stream.linear.scatter [tilespmem:s31], [sflag:$0x3], $0x4000, $0x38;
	[tilespmem:$0x9900] =	vst v63  }
0x8b: {  	_ =	swait.ge [sflag:s28], $0x4000  }
0x8c: {  	[sflag:s28] =	ssyncset.done $0x0  }
0x8d: {  	s7 =	simm.s32 $0x580;
	[sflag:s28] =	ssyncadd.s32 $0xFFFFC000  }
0x8e: {  	[tilespmem:s31], [sflag:$0x2] =	stream.indirect.gather [hbm4b:s2+s29], $0x80, s7, s29, $0xb8;
	[tilespmem:$0x9900] =	vst v63  }
0x8f: {  	_ =	swait.ge [sflag:s1], $0x4000  }
0x90: {  	[sflag:s1] =	ssyncset.done $0x0  }
0x91: {  	s7 =	rddreg [dreg:$0xc];
	[sflag:s1] =	ssyncadd.s32 $0xFFFFC000  }
0x92: {  	[hbm4b:s7+s3] =	stream.linear.scatter [tilespmem:s30], [sflag:$0x3], $0x4000, $0x38;
	[tilespmem:$0x9900] =	vst v63  }
0x93: {  	_ =	swait.ge [sflag:s28], $0x4000  }
0x94: {  	[sflag:s28] =	ssyncset.done $0x0  }
0x95: {  	s7 =	simm.s32 $0x600;
	[sflag:s28] =	ssyncadd.s32 $0xFFFFC000  }
0x96: {  	[tilespmem:s30], [sflag:$0x1] =	stream.indirect.gather [hbm4b:s2+s29], $0x80, s7, s29, $0xb8;
	[tilespmem:$0x9900] =	vst v63  }
0x97: {  	_ =	swait.ge [sflag:s0], $0x4000  }
0x98: {  	[sflag:s0] =	ssyncset.done $0x0  }
0x99: {  	s7 =	rddreg [dreg:$0xd];
	[sflag:s0] =	ssyncadd.s32 $0xFFFFC000  }
0x9a: {  	[hbm4b:s7+s3] =	stream.linear.scatter [tilespmem:s31], [sflag:$0x3], $0x4000, $0x38;
	[tilespmem:$0x9900] =	vst v63  }
0x9b: {  	_ =	swait.ge [sflag:s28], $0x4000  }
0x9c: {  	[sflag:s28] =	ssyncset.done $0x0  }
0x9d: {  	s7 =	simm.s32 $0x680;
	[sflag:s28] =	ssyncadd.s32 $0xFFFFC000  }
0x9e: {  	[tilespmem:s31], [sflag:$0x2] =	stream.indirect.gather [hbm4b:s2+s29], $0x80, s7, s29, $0xb8;
	[tilespmem:$0x9900] =	vst v63  }
0x9f: {  	_ =	swait.ge [sflag:s1], $0x4000  }
0xa0: {  	[sflag:s1] =	ssyncset.done $0x0  }
0xa1: {  	s7 =	rddreg [dreg:$0xe];
	[sflag:s1] =	ssyncadd.s32 $0xFFFFC000  }
0xa2: {  	[hbm4b:s7+s3] =	stream.linear.scatter [tilespmem:s30], [sflag:$0x3], $0x4000, $0x38;
	[tilespmem:$0x9900] =	vst v63  }
0xa3: {  	_ =	swait.ge [sflag:s28], $0x4000  }
0xa4: {  	[sflag:s28] =	ssyncset.done $0x0  }
0xa5: {  	s7 =	simm.s32 $0x700;
	[sflag:s28] =	ssyncadd.s32 $0xFFFFC000  }
0xa6: {  	[tilespmem:s30], [sflag:$0x1] =	stream.indirect.gather [hbm4b:s2+s29], $0x80, s7, s29, $0xb8;
	[tilespmem:$0x9900] =	vst v63  }
0xa7: {  	_ =	swait.ge [sflag:s0], $0x4000  }
0xa8: {  	[sflag:s0] =	ssyncset.done $0x0  }
0xa9: {  	s7 =	rddreg [dreg:$0xf];
	[sflag:s0] =	ssyncadd.s32 $0xFFFFC000  }
0xaa: {  	[hbm4b:s7+s3] =	stream.linear.scatter [tilespmem:s31], [sflag:$0x3], $0x4000, $0x38;
	[tilespmem:$0x9900] =	vst v63  }
0xab: {  	_ =	swait.ge [sflag:s28], $0x4000  }
0xac: {  	[sflag:s28] =	ssyncset.done $0x0  }
0xad: {  	s7 =	simm.s32 $0x780;
	[sflag:s28] =	ssyncadd.s32 $0xFFFFC000  }
0xae: {  	[tilespmem:s31], [sflag:$0x2] =	stream.indirect.gather [hbm4b:s2+s29], $0x80, s7, s29, $0xb8;
	[tilespmem:$0x9900] =	vst v63  }
0xaf: {  	_ =	swait.ge [sflag:s1], $0x4000  }
0xb0: {  	[sflag:s1] =	ssyncset.done $0x0  }
0xb1: {  	s7 =	rddreg [dreg:$0x10];
	[sflag:s1] =	ssyncadd.s32 $0xFFFFC000  }
0xb2: {  	[hbm4b:s7+s3] =	stream.linear.scatter [tilespmem:s30], [sflag:$0x3], $0x4000, $0x38;
	[tilespmem:$0x9900] =	vst v63  }
0xb3: {  	_ =	swait.ge [sflag:s28], $0x4000  }
0xb4: {  	[sflag:s28] =	ssyncset.done $0x0  }
0xb5: {  	s7 =	simm.s32 $0x800;
	[sflag:s28] =	ssyncadd.s32 $0xFFFFC000  }
0xb6: {  	[tilespmem:s30], [sflag:$0x1] =	stream.indirect.gather [hbm4b:s2+s29], $0x80, s7, s29, $0xb8;
	[tilespmem:$0x9900] =	vst v63  }
0xb7: {  	_ =	swait.ge [sflag:s0], $0x4000  }
0xb8: {  	[sflag:s0] =	ssyncset.done $0x0  }
0xb9: {  	s7 =	rddreg [dreg:$0x11];
	[sflag:s0] =	ssyncadd.s32 $0xFFFFC000  }
0xba: {  	[hbm4b:s7+s3] =	stream.linear.scatter [tilespmem:s31], [sflag:$0x3], $0x4000, $0x38;
	[tilespmem:$0x9900] =	vst v63  }
0xbb: {  	_ =	swait.ge [sflag:s28], $0x4000  }
0xbc: {  	[sflag:s28] =	ssyncset.done $0x0  }
0xbd: {  	s7 =	simm.s32 $0x880;
	[sflag:s28] =	ssyncadd.s32 $0xFFFFC000  }
0xbe: {  	[tilespmem:s31], [sflag:$0x2] =	stream.indirect.gather [hbm4b:s2+s29], $0x80, s7, s29, $0xb8;
	[tilespmem:$0x9900] =	vst v63  }
0xbf: {  	_ =	swait.ge [sflag:s1], $0x4000  }
0xc0: {  	[sflag:s1] =	ssyncset.done $0x0  }
0xc1: {  	s7 =	rddreg [dreg:$0x12];
	[sflag:s1] =	ssyncadd.s32 $0xFFFFC000  }
0xc2: {  	[hbm4b:s7+s3] =	stream.linear.scatter [tilespmem:s30], [sflag:$0x3], $0x4000, $0x38;
	[tilespmem:$0x9900] =	vst v63  }
0xc3: {  	_ =	swait.ge [sflag:s28], $0x4000  }
0xc4: {  	[sflag:s28] =	ssyncset.done $0x0  }
0xc5: {  	s7 =	simm.s32 $0x900;
	[sflag:s28] =	ssyncadd.s32 $0xFFFFC000  }
0xc6: {  	[tilespmem:s30], [sflag:$0x1] =	stream.indirect.gather [hbm4b:s2+s29], $0x80, s7, s29, $0xb8;
	[tilespmem:$0x9900] =	vst v63  }
0xc7: {  	_ =	swait.ge [sflag:s0], $0x4000  }
0xc8: {  	[sflag:s0] =	ssyncset.done $0x0  }
0xc9: {  	s7 =	rddreg [dreg:$0x13];
	[sflag:s0] =	ssyncadd.s32 $0xFFFFC000  }
0xca: {  	[hbm4b:s7+s3] =	stream.linear.scatter [tilespmem:s31], [sflag:$0x3], $0x4000, $0x38;
	[tilespmem:$0x9900] =	vst v63  }
0xcb: {  	_ =	swait.ge [sflag:s28], $0x4000  }
0xcc: {  	[sflag:s28] =	ssyncset.done $0x0  }
0xcd: {  	s7 =	simm.s32 $0x980;
	[sflag:s28] =	ssyncadd.s32 $0xFFFFC000  }
0xce: {  	[tilespmem:s31], [sflag:$0x2] =	stream.indirect.gather [hbm4b:s2+s29], $0x80, s7, s29, $0xb8;
	[tilespmem:$0x9900] =	vst v63  }
0xcf: {  	_ =	swait.ge [sflag:s1], $0x4000  }
0xd0: {  	[sflag:s1] =	ssyncset.done $0x0  }
0xd1: {  	s7 =	rddreg [dreg:$0x14];
	[sflag:s1] =	ssyncadd.s32 $0xFFFFC000  }
0xd2: {  	[hbm4b:s7+s3] =	stream.linear.scatter [tilespmem:s30], [sflag:$0x3], $0x4000, $0x38;
	[tilespmem:$0x9900] =	vst v63  }
0xd3: {  	_ =	swait.ge [sflag:s28], $0x4000  }
0xd4: {  	[sflag:s28] =	ssyncset.done $0x0  }
0xd5: {  	s7 =	simm.s32 $0xA00;
	[sflag:s28] =	ssyncadd.s32 $0xFFFFC000  }
0xd6: {  	[tilespmem:s30], [sflag:$0x1] =	stream.indirect.gather [hbm4b:s2+s29], $0x80, s7, s29, $0xb8;
	[tilespmem:$0x9900] =	vst v63  }
0xd7: {  	_ =	swait.ge [sflag:s0], $0x4000  }
0xd8: {  	[sflag:s0] =	ssyncset.done $0x0  }
0xd9: {  	s7 =	rddreg [dreg:$0x15];
	[sflag:s0] =	ssyncadd.s32 $0xFFFFC000  }
0xda: {  	[hbm4b:s7+s3] =	stream.linear.scatter [tilespmem:s31], [sflag:$0x3], $0x4000, $0x38;
	[tilespmem:$0x9900] =	vst v63  }
0xdb: {  	_ =	swait.ge [sflag:s28], $0x4000  }
0xdc: {  	[sflag:s28] =	ssyncset.done $0x0  }
0xdd: {  	s7 =	simm.s32 $0xA80;
	[sflag:s28] =	ssyncadd.s32 $0xFFFFC000  }
0xde: {  	[tilespmem:s31], [sflag:$0x2] =	stream.indirect.gather [hbm4b:s2+s29], $0x80, s7, s29, $0xb8;
	[tilespmem:$0x9900] =	vst v63  }
0xdf: {  	_ =	swait.ge [sflag:s1], $0x4000  }
0xe0: {  	[sflag:s1] =	ssyncset.done $0x0  }
0xe1: {  	s7 =	rddreg [dreg:$0x16];
	[sflag:s1] =	ssyncadd.s32 $0xFFFFC000  }
0xe2: {  	[hbm4b:s7+s3] =	stream.linear.scatter [tilespmem:s30], [sflag:$0x3], $0x4000, $0x38;
	[tilespmem:$0x9900] =	vst v63  }
0xe3: {  	_ =	swait.ge [sflag:s28], $0x4000  }
0xe4: {  	[sflag:s28] =	ssyncset.done $0x0  }
0xe5: {  	s7 =	simm.s32 $0xB00;
	[sflag:s28] =	ssyncadd.s32 $0xFFFFC000  }
0xe6: {  	[tilespmem:s30], [sflag:$0x1] =	stream.indirect.gather [hbm4b:s2+s29], $0x80, s7, s29, $0xb8;
	[tilespmem:$0x9900] =	vst v63  }
0xe7: {  	_ =	swait.ge [sflag:s0], $0x4000  }
0xe8: {  	[sflag:s0] =	ssyncset.done $0x0  }
0xe9: {  	s7 =	rddreg [dreg:$0x17];
	[sflag:s0] =	ssyncadd.s32 $0xFFFFC000  }
0xea: {  	[hbm4b:s7+s3] =	stream.linear.scatter [tilespmem:s31], [sflag:$0x3], $0x4000, $0x38;
	[tilespmem:$0x9900] =	vst v63  }
0xeb: {  	_ =	swait.ge [sflag:s28], $0x4000  }
0xec: {  	[sflag:s28] =	ssyncset.done $0x0  }
0xed: {  	s7 =	simm.s32 $0xB80;
	[sflag:s28] =	ssyncadd.s32 $0xFFFFC000  }
0xee: {  	[tilespmem:s31], [sflag:$0x2] =	stream.indirect.gather [hbm4b:s2+s29], $0x80, s7, s29, $0xb8;
	[tilespmem:$0x9900] =	vst v63  }
0xef: {  	_ =	swait.ge [sflag:s1], $0x4000  }
0xf0: {  	[sflag:s1] =	ssyncset.done $0x0  }
0xf1: {  	s7 =	rddreg [dreg:$0x18];
	[sflag:s1] =	ssyncadd.s32 $0xFFFFC000  }
0xf2: {  	[hbm4b:s7+s3] =	stream.linear.scatter [tilespmem:s30], [sflag:$0x3], $0x4000, $0x38;
	[tilespmem:$0x9900] =	vst v63  }
0xf3: {  	_ =	swait.ge [sflag:s28], $0x4000  }
0xf4: {  	[sflag:s28] =	ssyncset.done $0x0  }
0xf5: {  	s7 =	simm.s32 $0xC00;
	[sflag:s28] =	ssyncadd.s32 $0xFFFFC000  }
0xf6: {  	[tilespmem:s30], [sflag:$0x1] =	stream.indirect.gather [hbm4b:s2+s29], $0x80, s7, s29, $0xb8;
	[tilespmem:$0x9900] =	vst v63  }
0xf7: {  	_ =	swait.ge [sflag:s0], $0x4000  }
0xf8: {  	[sflag:s0] =	ssyncset.done $0x0  }
0xf9: {  	s7 =	rddreg [dreg:$0x19];
	[sflag:s0] =	ssyncadd.s32 $0xFFFFC000  }
0xfa: {  	[hbm4b:s7+s3] =	stream.linear.scatter [tilespmem:s31], [sflag:$0x3], $0x4000, $0x38;
	[tilespmem:$0x9900] =	vst v63  }
0xfb: {  	_ =	swait.ge [sflag:s28], $0x4000  }
0xfc: {  	[sflag:s28] =	ssyncset.done $0x0  }
0xfd: {  	s7 =	simm.s32 $0xC80;
	[sflag:s28] =	ssyncadd.s32 $0xFFFFC000  }
0xfe: {  	[tilespmem:s31], [sflag:$0x2] =	stream.indirect.gather [hbm4b:s2+s29], $0x80, s7, s29, $0xb8;
	[tilespmem:$0x9900] =	vst v63  }
0xff: {  	_ =	swait.ge [sflag:s1], $0x4000  }
0x100: {  	[sflag:s1] =	ssyncset.done $0x0  }
0x101: {  	s7 =	rddreg [dreg:$0x1a];
	[sflag:s1] =	ssyncadd.s32 $0xFFFFC000  }
0x102: {  	[hbm4b:s7+s3] =	stream.linear.scatter [tilespmem:s30], [sflag:$0x3], $0x4000, $0x38;
	[tilespmem:$0x9900] =	vst v63  }
0x103: {  	_ =	swait.ge [sflag:s28], $0x4000  }
0x104: {  	[sflag:s28] =	ssyncset.done $0x0  }
0x105: {  	s7 =	simm.s32 $0xD00;
	[sflag:s28] =	ssyncadd.s32 $0xFFFFC000  }
0x106: {  	[tilespmem:s30], [sflag:$0x1] =	stream.indirect.gather [hbm4b:s2+s29], $0x80, s7, s29, $0xb8;
	[tilespmem:$0x9900] =	vst v63  }
0x107: {  	_ =	swait.ge [sflag:s0], $0x4000  }
0x108: {  	[sflag:s0] =	ssyncset.done $0x0  }
0x109: {  	s7 =	rddreg [dreg:$0x1b];
	[sflag:s0] =	ssyncadd.s32 $0xFFFFC000  }
0x10a: {  	[hbm4b:s7+s3] =	stream.linear.scatter [tilespmem:s31], [sflag:$0x3], $0x4000, $0x38;
	[tilespmem:$0x9900] =	vst v63  }
0x10b: {  	_ =	swait.ge [sflag:s28], $0x4000  }
0x10c: {  	[sflag:s28] =	ssyncset.done $0x0  }
0x10d: {  	s7 =	simm.s32 $0xD80;
	[sflag:s28] =	ssyncadd.s32 $0xFFFFC000  }
0x10e: {  	[tilespmem:s31], [sflag:$0x2] =	stream.indirect.gather [hbm4b:s2+s29], $0x80, s7, s29, $0xb8;
	[tilespmem:$0x9900] =	vst v63  }
0x10f: {  	_ =	swait.ge [sflag:s1], $0x4000  }
0x110: {  	[sflag:s1] =	ssyncset.done $0x0  }
0x111: {  	s7 =	rddreg [dreg:$0x1c];
	[sflag:s1] =	ssyncadd.s32 $0xFFFFC000  }
0x112: {  	[hbm4b:s7+s3] =	stream.linear.scatter [tilespmem:s30], [sflag:$0x3], $0x4000, $0x38;
	[tilespmem:$0x9900] =	vst v63  }
0x113: {  	_ =	swait.ge [sflag:s28], $0x4000  }
0x114: {  	[sflag:s28] =	ssyncset.done $0x0  }
0x115: {  	s7 =	simm.s32 $0xE00;
	[sflag:s28] =	ssyncadd.s32 $0xFFFFC000  }
0x116: {  	[tilespmem:s30], [sflag:$0x1] =	stream.indirect.gather [hbm4b:s2+s29], $0x80, s7, s29, $0xb8;
	[tilespmem:$0x9900] =	vst v63  }
0x117: {  	_ =	swait.ge [sflag:s0], $0x4000  }
0x118: {  	[sflag:s0] =	ssyncset.done $0x0  }
0x119: {  	s7 =	rddreg [dreg:$0x1d];
	[sflag:s0] =	ssyncadd.s32 $0xFFFFC000  }
0x11a: {  	[hbm4b:s7+s3] =	stream.linear.scatter [tilespmem:s31], [sflag:$0x3], $0x4000, $0x38;
	[tilespmem:$0x9900] =	vst v63  }
0x11b: {  	_ =	swait.ge [sflag:s28], $0x4000  }
0x11c: {  	[sflag:s28] =	ssyncset.done $0x0  }
0x11d: {  	s7 =	simm.s32 $0xE80;
	[sflag:s28] =	ssyncadd.s32 $0xFFFFC000  }
0x11e: {  	[tilespmem:s31], [sflag:$0x2] =	stream.indirect.gather [hbm4b:s2+s29], $0x80, s7, s29, $0xb8;
	[tilespmem:$0x9900] =	vst v63  }
0x11f: {  	_ =	swait.ge [sflag:s1], $0x4000  }
0x120: {  	[sflag:s1] =	ssyncset.done $0x0  }
0x121: {  	s7 =	rddreg [dreg:$0x1e];
	[sflag:s1] =	ssyncadd.s32 $0xFFFFC000  }
0x122: {  	[hbm4b:s7+s3] =	stream.linear.scatter [tilespmem:s30], [sflag:$0x3], $0x4000, $0x38;
	[tilespmem:$0x9900] =	vst v63  }
0x123: {  	_ =	swait.ge [sflag:s28], $0x4000  }
0x124: {  	[sflag:s28] =	ssyncset.done $0x0  }
0x125: {  	s7 =	simm.s32 $0xF00;
	[sflag:s28] =	ssyncadd.s32 $0xFFFFC000  }
0x126: {  	[tilespmem:s30], [sflag:$0x1] =	stream.indirect.gather [hbm4b:s2+s29], $0x80, s7, s29, $0xb8;
	[tilespmem:$0x9900] =	vst v63  }
0x127: {  	_ =	swait.ge [sflag:s0], $0x4000  }
0x128: {  	[sflag:s0] =	ssyncset.done $0x0  }
0x129: {  	s7 =	rddreg [dreg:$0x1f];
	[sflag:s0] =	ssyncadd.s32 $0xFFFFC000  }
0x12a: {  	[hbm4b:s7+s3] =	stream.linear.scatter [tilespmem:s31], [sflag:$0x3], $0x4000, $0x38;
	[tilespmem:$0x9900] =	vst v63  }
0x12b: {  	_ =	swait.ge [sflag:s28], $0x4000  }
0x12c: {  	[sflag:s28] =	ssyncset.done $0x0  }
0x12d: {  	s7 =	simm.s32 $0xF80;
	[sflag:s28] =	ssyncadd.s32 $0xFFFFC000  }
0x12e: {  	[tilespmem:s31], [sflag:$0x2] =	stream.indirect.gather [hbm4b:s2+s29], $0x80, s7, s29, $0xb8;
	[tilespmem:$0x9900] =	vst v63  }
0x12f: {  	_ =	swait.ge [sflag:s1], $0x4000  }
0x130: {  	s7 =	sld [smem:$0x7FB]  }
0x131: {  	[sflag:s1] =	ssyncset.done $0x0  }
0x132: {  	[sflag:s1] =	ssyncadd.s32 $0xFFFFC000  }
0x133: {  	[hbm4b:s7+s3] =	stream.linear.scatter [tilespmem:s30], [sflag:$0x3], $0x4000, $0x38;
	[tilespmem:$0x9900] =	vst v63  }
0x134: {  	_ =	swait.ge [sflag:s28], $0x4000  }
0x135: {  	[sflag:s28] =	ssyncset.done $0x0  }
0x136: {  	s7 =	simm.s32 $0x1000;
	[sflag:s28] =	ssyncadd.s32 $0xFFFFC000  }
0x137: {  	[tilespmem:s30], [sflag:$0x1] =	stream.indirect.gather [hbm4b:s2+s29], $0x80, s7, s29, $0xb8;
	[tilespmem:$0x9900] =	vst v63  }
0x138: {  	_ =	swait.ge [sflag:s0], $0x4000  }
0x139: {  	s7 =	sld [smem:$0x7FC]  }
0x13a: {  	[sflag:s0] =	ssyncset.done $0x0  }
0x13b: {  	[sflag:s0] =	ssyncadd.s32 $0xFFFFC000  }
0x13c: {  	[hbm4b:s7+s3] =	stream.linear.scatter [tilespmem:s31], [sflag:$0x3], $0x4000, $0x38;
	[tilespmem:$0x9900] =	vst v63  }
0x13d: {  	_ =	swait.ge [sflag:s28], $0x4000  }
0x13e: {  	[sflag:s28] =	ssyncset.done $0x0  }
0x13f: {  	s7 =	simm.s32 $0x1080;
	[sflag:s28] =	ssyncadd.s32 $0xFFFFC000  }
0x140: {  	[tilespmem:s31], [sflag:$0x2] =	stream.indirect.gather [hbm4b:s2+s29], $0x80, s7, s29, $0xb8;
	[tilespmem:$0x9900] =	vst v63  }
0x141: {  	_ =	swait.ge [sflag:s1], $0x4000  }
0x142: {  	s7 =	sld [smem:$0x7FD]  }
0x143: {  	[sflag:s1] =	ssyncset.done $0x0  }
0x144: {  	[sflag:s1] =	ssyncadd.s32 $0xFFFFC000  }
0x145: {  	[hbm4b:s7+s3] =	stream.linear.scatter [tilespmem:s30], [sflag:$0x3], $0x4000, $0x38;
	[tilespmem:$0x9900] =	vst v63  }
0x146: {  	_ =	swait.ge [sflag:s28], $0x4000  }
0x147: {  	[sflag:s28] =	ssyncset.done $0x0  }
0x148: {  	s7 =	simm.s32 $0x1100;
	[sflag:s28] =	ssyncadd.s32 $0xFFFFC000  }
0x149: {  	[tilespmem:s30], [sflag:$0x1] =	stream.indirect.gather [hbm4b:s2+s29], $0x80, s7, s29, $0xb8;
	[tilespmem:$0x9900] =	vst v63  }
0x14a: {  	_ =	swait.ge [sflag:s0], $0x4000  }
0x14b: {  	[sflag:s0] =	ssyncset.done $0x0  }
0x14c: {  	[sflag:s0] =	ssyncadd.s32 $0xFFFFC000  }
0x14d: {  	[hbm4b:s9+s3] =	stream.linear.scatter [tilespmem:s31], [sflag:$0x3], $0x4000, $0x38;
	[tilespmem:$0x9900] =	vst v63  }
0x14e: {  	_ =	swait.ge [sflag:s28], $0x4000  }
0x14f: {  	[sflag:s28] =	ssyncset.done $0x0  }
0x150: {  	s7 =	simm.s32 $0x1180;
	[sflag:s28] =	ssyncadd.s32 $0xFFFFC000  }
0x151: {  	[tilespmem:s31], [sflag:$0x2] =	stream.indirect.gather [hbm4b:s2+s29], $0x80, s7, s29, $0xb8;
	[tilespmem:$0x9900] =	vst v63  }
0x152: {  	_ =	swait.ge [sflag:s1], $0x4000  }
0x153: {  	[sflag:s1] =	ssyncset.done $0x0  }
0x154: {  	[sflag:s1] =	ssyncadd.s32 $0xFFFFC000  }
0x155: {  	[hbm4b:s10+s3] =	stream.linear.scatter [tilespmem:s30], [sflag:$0x3], $0x4000, $0x38;
	[tilespmem:$0x9900] =	vst v63  }
0x156: {  	_ =	swait.ge [sflag:s28], $0x4000  }
0x157: {  	[sflag:s28] =	ssyncset.done $0x0  }
0x158: {  	s7 =	simm.s32 $0x1200;
	[sflag:s28] =	ssyncadd.s32 $0xFFFFC000  }
0x159: {  	[tilespmem:s30], [sflag:$0x1] =	stream.indirect.gather [hbm4b:s2+s29], $0x80, s7, s29, $0xb8;
	[tilespmem:$0x9900] =	vst v63  }
0x15a: {  	_ =	swait.ge [sflag:s0], $0x4000  }
0x15b: {  	[sflag:s0] =	ssyncset.done $0x0  }
0x15c: {  	[sflag:s0] =	ssyncadd.s32 $0xFFFFC000  }
0x15d: {  	[hbm4b:s11+s3] =	stream.linear.scatter [tilespmem:s31], [sflag:$0x3], $0x4000, $0x38;
	[tilespmem:$0x9900] =	vst v63  }
0x15e: {  	_ =	swait.ge [sflag:s28], $0x4000  }
0x15f: {  	[sflag:s28] =	ssyncset.done $0x0  }
0x160: {  	s7 =	simm.s32 $0x1280;
	[sflag:s28] =	ssyncadd.s32 $0xFFFFC000  }
0x161: {  	[tilespmem:s31], [sflag:$0x2] =	stream.indirect.gather [hbm4b:s2+s29], $0x80, s7, s29, $0xb8;
	[tilespmem:$0x9900] =	vst v63  }
0x162: {  	_ =	swait.ge [sflag:s1], $0x4000  }
0x163: {  	[sflag:s1] =	ssyncset.done $0x0  }
0x164: {  	[sflag:s1] =	ssyncadd.s32 $0xFFFFC000  }
0x165: {  	[hbm4b:s12+s3] =	stream.linear.scatter [tilespmem:s30], [sflag:$0x3], $0x4000, $0x38;
	[tilespmem:$0x9900] =	vst v63  }
0x166: {  	_ =	swait.ge [sflag:s28], $0x4000  }
0x167: {  	[sflag:s28] =	ssyncset.done $0x0  }
0x168: {  	s7 =	simm.s32 $0x1300;
	[sflag:s28] =	ssyncadd.s32 $0xFFFFC000  }
0x169: {  	[tilespmem:s30], [sflag:$0x1] =	stream.indirect.gather [hbm4b:s2+s29], $0x80, s7, s29, $0xb8;
	[tilespmem:$0x9900] =	vst v63  }
0x16a: {  	_ =	swait.ge [sflag:s0], $0x4000  }
0x16b: {  	[sflag:s0] =	ssyncset.done $0x0  }
0x16c: {  	[sflag:s0] =	ssyncadd.s32 $0xFFFFC000  }
0x16d: {  	[hbm4b:s13+s3] =	stream.linear.scatter [tilespmem:s31], [sflag:$0x3], $0x4000, $0x38;
	[tilespmem:$0x9900] =	vst v63  }
0x16e: {  	_ =	swait.ge [sflag:s28], $0x4000  }
0x16f: {  	[sflag:s28] =	ssyncset.done $0x0  }
0x170: {  	s7 =	simm.s32 $0x1380;
	[sflag:s28] =	ssyncadd.s32 $0xFFFFC000  }
0x171: {  	[tilespmem:s31], [sflag:$0x2] =	stream.indirect.gather [hbm4b:s2+s29], $0x80, s7, s29, $0xb8;
	[tilespmem:$0x9900] =	vst v63  }
0x172: {  	_ =	swait.ge [sflag:s1], $0x4000  }
0x173: {  	[sflag:s1] =	ssyncset.done $0x0  }
0x174: {  	[sflag:s1] =	ssyncadd.s32 $0xFFFFC000  }
0x175: {  	[hbm4b:s14+s3] =	stream.linear.scatter [tilespmem:s30], [sflag:$0x3], $0x4000, $0x38;
	[tilespmem:$0x9900] =	vst v63  }
0x176: {  	_ =	swait.ge [sflag:s28], $0x4000  }
0x177: {  	[sflag:s28] =	ssyncset.done $0x0  }
0x178: {  	s7 =	simm.s32 $0x1400;
	[sflag:s28] =	ssyncadd.s32 $0xFFFFC000  }
0x179: {  	[tilespmem:s30], [sflag:$0x1] =	stream.indirect.gather [hbm4b:s2+s29], $0x80, s7, s29, $0xb8;
	[tilespmem:$0x9900] =	vst v63  }
0x17a: {  	_ =	swait.ge [sflag:s0], $0x4000  }
0x17b: {  	[sflag:s0] =	ssyncset.done $0x0  }
0x17c: {  	[sflag:s0] =	ssyncadd.s32 $0xFFFFC000  }
0x17d: {  	[hbm4b:s15+s3] =	stream.linear.scatter [tilespmem:s31], [sflag:$0x3], $0x4000, $0x38;
	[tilespmem:$0x9900] =	vst v63  }
0x17e: {  	_ =	swait.ge [sflag:s28], $0x4000  }
0x17f: {  	[sflag:s28] =	ssyncset.done $0x0  }
0x180: {  	s7 =	simm.s32 $0x1480;
	[sflag:s28] =	ssyncadd.s32 $0xFFFFC000  }
0x181: {  	[tilespmem:s31], [sflag:$0x2] =	stream.indirect.gather [hbm4b:s2+s29], $0x80, s7, s29, $0xb8;
	[tilespmem:$0x9900] =	vst v63  }
0x182: {  	_ =	swait.ge [sflag:s1], $0x4000  }
0x183: {  	[sflag:s1] =	ssyncset.done $0x0  }
0x184: {  	[sflag:s1] =	ssyncadd.s32 $0xFFFFC000  }
0x185: {  	[hbm4b:s16+s3] =	stream.linear.scatter [tilespmem:s30], [sflag:$0x3], $0x4000, $0x38;
	[tilespmem:$0x9900] =	vst v63  }
0x186: {  	_ =	swait.ge [sflag:s28], $0x4000  }
0x187: {  	[sflag:s28] =	ssyncset.done $0x0  }
0x188: {  	s7 =	simm.s32 $0x1500;
	[sflag:s28] =	ssyncadd.s32 $0xFFFFC000  }
0x189: {  	[tilespmem:s30], [sflag:$0x1] =	stream.indirect.gather [hbm4b:s2+s29], $0x80, s7, s29, $0xb8;
	[tilespmem:$0x9900] =	vst v63  }
0x18a: {  	_ =	swait.ge [sflag:s0], $0x4000  }
0x18b: {  	[sflag:s0] =	ssyncset.done $0x0  }
0x18c: {  	[sflag:s0] =	ssyncadd.s32 $0xFFFFC000  }
0x18d: {  	[hbm4b:s17+s3] =	stream.linear.scatter [tilespmem:s31], [sflag:$0x3], $0x4000, $0x38;
	[tilespmem:$0x9900] =	vst v63  }
0x18e: {  	_ =	swait.ge [sflag:s28], $0x4000  }
0x18f: {  	[sflag:s28] =	ssyncset.done $0x0  }
0x190: {  	s7 =	simm.s32 $0x1580;
	[sflag:s28] =	ssyncadd.s32 $0xFFFFC000  }
0x191: {  	[tilespmem:s31], [sflag:$0x2] =	stream.indirect.gather [hbm4b:s2+s29], $0x80, s7, s29, $0xb8;
	[tilespmem:$0x9900] =	vst v63  }
0x192: {  	_ =	swait.ge [sflag:s1], $0x4000  }
0x193: {  	[sflag:s1] =	ssyncset.done $0x0  }
0x194: {  	[sflag:s1] =	ssyncadd.s32 $0xFFFFC000  }
0x195: {  	[hbm4b:s18+s3] =	stream.linear.scatter [tilespmem:s30], [sflag:$0x3], $0x4000, $0x38;
	[tilespmem:$0x9900] =	vst v63  }
0x196: {  	_ =	swait.ge [sflag:s28], $0x4000  }
0x197: {  	[sflag:s28] =	ssyncset.done $0x0  }
0x198: {  	s7 =	simm.s32 $0x1600;
	[sflag:s28] =	ssyncadd.s32 $0xFFFFC000  }
0x199: {  	[tilespmem:s30], [sflag:$0x1] =	stream.indirect.gather [hbm4b:s2+s29], $0x80, s7, s29, $0xb8;
	[tilespmem:$0x9900] =	vst v63  }
0x19a: {  	_ =	swait.ge [sflag:s0], $0x4000  }
0x19b: {  	[sflag:s0] =	ssyncset.done $0x0  }
0x19c: {  	[sflag:s0] =	ssyncadd.s32 $0xFFFFC000  }
0x19d: {  	[hbm4b:s19+s3] =	stream.linear.scatter [tilespmem:s31], [sflag:$0x3], $0x4000, $0x38;
	[tilespmem:$0x9900] =	vst v63  }
0x19e: {  	_ =	swait.ge [sflag:s28], $0x4000  }
0x19f: {  	[sflag:s28] =	ssyncset.done $0x0  }
0x1a0: {  	s7 =	simm.s32 $0x1680;
	[sflag:s28] =	ssyncadd.s32 $0xFFFFC000  }
0x1a1: {  	[tilespmem:s31], [sflag:$0x2] =	stream.indirect.gather [hbm4b:s2+s29], $0x80, s7, s29, $0xb8;
	[tilespmem:$0x9900] =	vst v63  }
0x1a2: {  	_ =	swait.ge [sflag:s1], $0x4000  }
0x1a3: {  	[sflag:s1] =	ssyncset.done $0x0  }
0x1a4: {  	[sflag:s1] =	ssyncadd.s32 $0xFFFFC000  }
0x1a5: {  	[hbm4b:s20+s3] =	stream.linear.scatter [tilespmem:s30], [sflag:$0x3], $0x4000, $0x38;
	[tilespmem:$0x9900] =	vst v63  }
0x1a6: {  	_ =	swait.ge [sflag:s28], $0x4000  }
0x1a7: {  	[sflag:s28] =	ssyncset.done $0x0  }
0x1a8: {  	s7 =	simm.s32 $0x1700;
	[sflag:s28] =	ssyncadd.s32 $0xFFFFC000  }
0x1a9: {  	[tilespmem:s30], [sflag:$0x1] =	stream.indirect.gather [hbm4b:s2+s29], $0x80, s7, s29, $0xb8;
	[tilespmem:$0x9900] =	vst v63  }
0x1aa: {  	_ =	swait.ge [sflag:s0], $0x4000  }
0x1ab: {  	[sflag:s0] =	ssyncset.done $0x0  }
0x1ac: {  	[sflag:s0] =	ssyncadd.s32 $0xFFFFC000  }
0x1ad: {  	[hbm4b:s5+s3] =	stream.linear.scatter [tilespmem:s31], [sflag:$0x3], $0x4000, $0x38;
	[tilespmem:$0x9900] =	vst v63  }
0x1ae: {  	_ =	swait.ge [sflag:s28], $0x4000  }
0x1af: {  	[sflag:s28] =	ssyncset.done $0x0  }
0x1b0: {  	s7 =	simm.s32 $0x1780;
	[sflag:s28] =	ssyncadd.s32 $0xFFFFC000  }
0x1b1: {  	[tilespmem:s31], [sflag:$0x2] =	stream.indirect.gather [hbm4b:s2+s29], $0x80, s7, s29, $0xb8;
	[tilespmem:$0x9900] =	vst v63  }
0x1b2: {  	_ =	swait.ge [sflag:s1], $0x4000  }
0x1b3: {  	[sflag:s1] =	ssyncset.done $0x0  }
0x1b4: {  	[sflag:s1] =	ssyncadd.s32 $0xFFFFC000  }
0x1b5: {  	[hbm4b:s21+s3] =	stream.linear.scatter [tilespmem:s30], [sflag:$0x3], $0x4000, $0x38;
	[tilespmem:$0x9900] =	vst v63  }
0x1b6: {  	_ =	swait.ge [sflag:s28], $0x4000  }
0x1b7: {  	[sflag:s28] =	ssyncset.done $0x0  }
0x1b8: {  	s7 =	simm.s32 $0x1800;
	[sflag:s28] =	ssyncadd.s32 $0xFFFFC000  }
0x1b9: {  	[tilespmem:s30], [sflag:$0x1] =	stream.indirect.gather [hbm4b:s2+s29], $0x80, s7, s29, $0xb8;
	[tilespmem:$0x9900] =	vst v63  }
0x1ba: {  	_ =	swait.ge [sflag:s0], $0x4000  }
0x1bb: {  	[sflag:s0] =	ssyncset.done $0x0  }
0x1bc: {  	[sflag:s0] =	ssyncadd.s32 $0xFFFFC000  }
0x1bd: {  	[hbm4b:s22+s3] =	stream.linear.scatter [tilespmem:s31], [sflag:$0x3], $0x4000, $0x38;
	[tilespmem:$0x9900] =	vst v63  }
0x1be: {  	_ =	swait.ge [sflag:s28], $0x4000  }
0x1bf: {  	[sflag:s28] =	ssyncset.done $0x0  }
0x1c0: {  	s7 =	simm.s32 $0x1880;
	[sflag:s28] =	ssyncadd.s32 $0xFFFFC000  }
0x1c1: {  	[tilespmem:s31], [sflag:$0x2] =	stream.indirect.gather [hbm4b:s2+s29], $0x80, s7, s29, $0xb8;
	[tilespmem:$0x9900] =	vst v63  }
0x1c2: {  	_ =	swait.ge [sflag:s1], $0x4000  }
0x1c3: {  	[sflag:s1] =	ssyncset.done $0x0  }
0x1c4: {  	[sflag:s1] =	ssyncadd.s32 $0xFFFFC000  }
0x1c5: {  	[hbm4b:s23+s3] =	stream.linear.scatter [tilespmem:s30], [sflag:$0x3], $0x4000, $0x38;
	[tilespmem:$0x9900] =	vst v63  }
0x1c6: {  	_ =	swait.ge [sflag:s28], $0x4000  }
0x1c7: {  	[sflag:s28] =	ssyncset.done $0x0  }
0x1c8: {  	[sflag:s28] =	ssyncadd.s32 $0xFFFFC000  }
0x1c9: {  	s4 =	sadd.s32 $0x1, s4;
	_ =	swait.ge [sflag:s0], $0x4000  }
0x1ca: {  	p0 =	sne.s32 s4, s25;
	[sflag:s0] =	ssyncset.done $0x0  }
.Ltmp1:
0x1cb: {  	[sflag:s0] =	ssyncadd.s32 $0xFFFFC000;
	(pc) =	sbr.rel @p0 .LBB2_1-.Ltmp1, $4  }
0x1cc: {  	[hbm4b:s24+s3] =	stream.linear.scatter [tilespmem:s31], [sflag:$0x3], $0x4000, $0x38;
	[tilespmem:$0x9900] =	vst v63  }
0x1cd: {  	_ =	swait.ge [sflag:s28], $0x4000  }
0x1ce: {  	[sflag:s28] =	ssyncset.done $0x0  }
0x1cf: {  	[sflag:s28] =	ssyncadd.s32 $0xFFFFC000  }
0x1d0: {  	_ =	sfence.sel $0x180000  }
0x1d1: {  	[bflag:$0x0] =	sbarrier.arrive $0xFFFF  }
0x1d2: {  	_ =	strace $0x90000047  }
0x1d3: {  	s0 =	stileid.u32;
	[bflag:$0x2] =	sbarrier.arrive $0xFFFF  }
0x1d4: {  	p0 =	sne.s32 s0, $0x0;
	s0 =	rddreg [dreg:$0x2]  }
0x1d5: {  	s0 =	sadd.s32 @!p0 $0x100000, s0  }
0x1d6: {  	[sflag:s0] =	ssyncadd.tile.s32 @!p0 $0x1;
	_ =	shalt  }
.Lfunc_end2:
_tile_overlayer_lowered:
.L_overlay_start_2:
0x1d7: {  	(tag) =	ssettag $0x2  }
0x1d8: {  	s0 =	rddreg [dreg:$0x0];
	s2 =	stileid.u32  }
0x1d9: {  	s1 =	rddreg [dreg:$0x1];
	p0 =	sne.s32 s2, $0x0  }
0x1da: {  	s3 =	rddreg [dreg:$0x2];
	[bflag:$0x3] =	sbarrier.arrive $0xFFFF;
	s2 =	simm.s32 @!p0 $0x1C03  }
0x1db: {  	[timem:s3], [sflag:s2] =	dma.local @!p0 [hbm:s0], s1  }
0x1dc: {  	s0 =	simm.s32 @!p0 $0x3  }
0x1dd: {  	_ =	swait.ge @!p0 [sflag:s0], s1  }
0x1de: {  	s1 =	ssub.s32 @!p0 $0x0, s1;
	[sflag:s0] =	ssyncset.done @!p0 $0x0  }
0x1df: {  	[sflag:s0] =	ssyncadd.s32 @!p0 s1  }
0x1e0: {  	[bflag:$0x3] =	sbarrier.arrive $0xFFFF  }
0x1e1: {  	_ =	shalt  }

</sc_bundles>
